<compile_context>
chip_gen: v7x
topology: tpu7x:2x2x1
jax: 0.10.2.dev20260603
libtpu: 0.0.44.dev20260713+nightly
codegen_flags: <defaults>
</compile_context>

<pallas_src>
import functools

import jax
import jax.numpy as jnp
from jax import lax
from jax.experimental import pallas as pl
from jax.experimental.pallas import tpu as pltpu
from jax.experimental.pallas import tpu_sc as plsc

V = 100000
MAX_SW = 8
D = 64
L = 16

C = 40
ROWS = C * MAX_SW
NCHUNK = V // C
GSZ = 64
NG = ROWS // GSZ
DP = 128


def _make_kernel(n_sub):
    info = plsc.get_sparse_core_info()
    nc, ns = info.num_cores, info.num_subcores
    nw = nc * ns
    iters = -(-NCHUNK // nw)
    zrow = n_sub
    iters += iters % 2
    assert nw * (iters - 2) <= NCHUNK and iters % 2 == 0

    mesh = plsc.VectorSubcoreMesh(core_axis_name="c", subcore_axis_name="s")

    @functools.partial(
        pl.kernel, mesh=mesh,
        compiler_params=pltpu.CompilerParams(
            needs_layout_passes=False),
        out_type=jax.ShapeDtypeStruct((V, D), jnp.float32),
        scratch_types=[
            pltpu.VMEM((ROWS,), jnp.int32),
            pltpu.VMEM((ROWS,), jnp.int32),
            pltpu.VMEM((C,), jnp.int32),
            pltpu.VMEM((C,), jnp.int32),
            pltpu.VMEM((C,), jnp.float32),
            pltpu.VMEM((C,), jnp.float32),
            pltpu.VMEM((ROWS, DP), jnp.float32),
            pltpu.VMEM((ROWS, DP), jnp.float32),
            pltpu.VMEM((C, D), jnp.float32),
            pltpu.VMEM((C, D), jnp.float32),
            pltpu.SemaphoreType.DMA,
            pltpu.SemaphoreType.DMA,
        ] + [pltpu.SemaphoreType.DMA] * 10,
    )
    def k(table, idxflat, lens, out, idx0, idx1, len0, len1, rec0, rec1,
          rows0, rows1, outc0, outc1, fsem0, fsem1, *gsems):
        wid = lax.axis_index("s") * nc + lax.axis_index("c")
        idx_s = (idx0, idx1)
        len_s = (len0, len1)
        rec_s = (rec0, rec1)
        rows_s = (rows0, rows1)
        outc_s = (outc0, outc1)
        fsem_s = (fsem0, fsem1)
        gsem_s = (gsems[:5], gsems[5:])
        nlast = jnp.int32(NCHUNK - 1)

        def fire_fetch(t):
            p = t if isinstance(t, int) else None
            sl = (t % 2) if isinstance(t, int) else None
            del p, sl

        def fetch(t, sl):
            ch = jnp.minimum(wid + t * nw, nlast)
            pltpu.async_copy(idxflat.at[pl.ds(ch * ROWS, ROWS)],
                             idx_s[sl], fsem_s[sl])
            pltpu.async_copy(lens.at[pl.ds(ch * C, C)], len_s[sl], fsem_s[sl])

        def wait_fetch(t, sl):
            ch = jnp.minimum(wid + t * nw, nlast)
            pltpu.make_async_copy(idxflat.at[pl.ds(ch * ROWS, ROWS)],
                                  idx_s[sl], fsem_s[sl]).wait()
            pltpu.make_async_copy(lens.at[pl.ds(ch * C, C)],
                                  len_s[sl], fsem_s[sl]).wait()

        def mask_rec(sl):
            idx_v, len_v, rec_v = idx_s[sl], len_s[sl], rec_s[sl]

            def mask_body(i, c2):
                jpat = lax.iota(jnp.int32, L) % MAX_SW
                wpat = lax.iota(jnp.int32, L) // MAX_SW
                zvec = lax.broadcast(jnp.int32(zrow), (L,))
                v = idx_v[pl.ds(i * L, L)]
                ln = plsc.load_gather(len_v, [i * 2 + wpat])
                idx_v[pl.ds(i * L, L)] = jnp.where(jpat < ln, v, zvec)
                return c2
            lax.fori_loop(0, ROWS // L, mask_body, 0)

            def rec_body(i, c2):
                lv = len_v[pl.ds(i * L, L)].astype(jnp.float32)
                rec_v[pl.ds(i * L, L)] = 1.0 / lv
                return c2
            lax.fori_loop(0, C // L, rec_body, 0)

        def fire_gathers(sl):
            for g in range(NG):
                pltpu.async_copy(
                    table.at[idx_s[sl].at[pl.ds(g * GSZ, GSZ)]],
                    rows_s[sl].at[pl.ds(g * GSZ, GSZ)], gsem_s[sl][g])

        def wait_gathers(sl):
            for g in range(NG):
                pltpu.make_async_copy(
                    table.at[idx_s[sl].at[pl.ds(g * GSZ, GSZ)]],
                    rows_s[sl].at[pl.ds(g * GSZ, GSZ)], gsem_s[sl][g]).wait()

        def reduce_out(t, sl, guard):
            rows_v, outc_v, rec_v = rows_s[sl], outc_s[sl], rec_s[sl]

            def red_body(c, c2):
                rb = c * MAX_SW
                rvec = plsc.load_gather(
                    rec_v, [lax.broadcast(c.astype(jnp.int32), (L,))])
                for kk in range(D // L):
                    acc = rows_v[rb, pl.ds(kk * L, L)]
                    for j in range(1, MAX_SW):
                        acc = acc + rows_v[rb + j, pl.ds(kk * L, L)]
                    outc_v[c, pl.ds(kk * L, L)] = acc * rvec
                return c2
            lax.fori_loop(0, C, red_body, 0)

            chunk = wid + t * nw
            if guard:
                @pl.when(chunk < NCHUNK)
                def _():
                    pltpu.sync_copy(outc_v, out.at[pl.ds(chunk * C, C)])
            else:
                pltpu.sync_copy(outc_v, out.at[pl.ds(chunk * C, C)])

        def step(t, sl, fire_g=True, fire_f=True, guard=False):
            if fire_g:
                wait_fetch(t + 1, 1 - sl)
                mask_rec(1 - sl)
            wait_gathers(sl)
            if fire_g:
                fire_gathers(1 - sl)
            if fire_f:
                fetch(t + 2, sl)
            reduce_out(t, sl, guard)

        fetch(jnp.int32(0), 0)
        wait_fetch(jnp.int32(0), 0)
        mask_rec(0)
        fire_gathers(0)
        fetch(jnp.int32(1), 1)

        def pair_body(u, carry):
            t = u * 2
            step(t, 0)
            step(t + 1, 1)
            return carry
        lax.fori_loop(0, (iters - 2) // 2, pair_body, 0)

        t_tail = jnp.int32(iters - 2)
        step(t_tail, 0, fire_f=False, guard=True)
        step(t_tail + 1, 1, fire_g=False, fire_f=False, guard=True)

    return k


def kernel(sw_table, word2subword, word2subword_len):
    n_sub = sw_table.shape[0]
    table = jnp.zeros((n_sub + 8, DP), jnp.float32)
    table = table.at[:n_sub, :D].set(sw_table.astype(jnp.float32))
    idxflat = word2subword.astype(jnp.int32).reshape(-1)
    lens = word2subword_len.astype(jnp.int32)
    return _make_kernel(n_sub)(table, idxflat, lens)

# --- scband reference (transcript-rebuilt; emitter-appended) ---
"""Pipeline reference for scband-sub-word-embedding-48610439856416 (READ-ONLY COPY).

The authoritative reference and input builder live on the scoring server;
editing this copy changes nothing except your own understanding.
"""

import jax, jax.numpy as jnp
import numpy as np

V = 100000        # word vocabulary size for lang 0
MAX_SW = 8        # max subwords per word (padded)
N_SUB = 32000     # subword vocabulary size
D = 64            # emb_size == swemb_size


def setup_inputs(seed: int = 0) -> dict:
    key = jax.random.key(seed)
    k1, k2, k3 = jax.random.split(key, 3)
    # word -> subword-id table (buffer registered at init; padded with id 0)
    word2subword = jax.random.randint(k1, (V, MAX_SW), 0, N_SUB, dtype=jnp.int64)
    # per-word true subword count, in [1, MAX_SW]
    word2subword_len = jax.random.randint(k2, (V,), 1, MAX_SW + 1, dtype=jnp.int64)
    # learned subword embedding table (self.sw_emb.weight)
    sw_table = jax.random.normal(k3, (N_SUB, D), dtype=jnp.float32) * 0.02
    return {"sw_table": sw_table, "word2subword": word2subword, "word2subword_len": word2subword_len}


def reference(sw_table, word2subword, word2subword_len):
    # forward(lang) with lang=0, share_vocab==3 (sum_embedding path), dropout p=0 (eval)
    # sw_emb = self.sw_emb(word2sw): gather [V, MAX_SW, D]
    sw_emb = jnp.take(sw_table, word2subword, axis=0)
    # sum over the subword axis, masking out padded positions beyond each word's length
    max_sw = word2subword.shape[1]
    mask = (jnp.arange(max_sw)[None, :] < word2subword_len[:, None]).astype(sw_emb.dtype)
    summed = jnp.sum(sw_emb * mask[:, :, None], axis=1)  # [V, D]
    # sw_emb = sw_emb / word2subword_len.float().view(-1,1).expand_as(sw_emb)
    out = summed / word2subword_len.astype(jnp.float32)[:, None]
    return out

if __name__ == "__main__":
    import jax
    _d = setup_inputs()
    print(jax.jit(kernel)(*tuple(_d.values())))

</pallas_src>

<mosaic_0001>
#map = affine_map<(d0, d1) -> (0, 0)>
#map1 = affine_map<(d0, d1) -> (0)>
module attributes {stable_mosaic.version = 14 : i64} {
  func.func @k(%arg0: i32, %arg1: i32, %arg2: memref<32008x128xf32, #tpu.memory_space<hbm>>, %arg3: memref<800000xi32, #tpu.memory_space<hbm>>, %arg4: memref<100000xi32, #tpu.memory_space<hbm>>, %arg5: memref<100000x64xf32, #tpu.memory_space<hbm>>, %arg6: memref<320xi32, #tpu.memory_space<vmem>>, %arg7: memref<320xi32, #tpu.memory_space<vmem>>, %arg8: memref<40xi32, #tpu.memory_space<vmem>>, %arg9: memref<40xi32, #tpu.memory_space<vmem>>, %arg10: memref<40xf32, #tpu.memory_space<vmem>>, %arg11: memref<40xf32, #tpu.memory_space<vmem>>, %arg12: memref<320x128xf32, #tpu.memory_space<vmem>>, %arg13: memref<320x128xf32, #tpu.memory_space<vmem>>, %arg14: memref<40x64xf32, #tpu.memory_space<vmem>>, %arg15: memref<40x64xf32, #tpu.memory_space<vmem>>, %arg16: memref<!tpu.dma_semaphore, #tpu.memory_space<semaphore_mem>>, %arg17: memref<!tpu.dma_semaphore, #tpu.memory_space<semaphore_mem>>, %arg18: memref<!tpu.dma_semaphore, #tpu.memory_space<semaphore_mem>>, %arg19: memref<!tpu.dma_semaphore, #tpu.memory_space<semaphore_mem>>, %arg20: memref<!tpu.dma_semaphore, #tpu.memory_space<semaphore_mem>>, %arg21: memref<!tpu.dma_semaphore, #tpu.memory_space<semaphore_mem>>, %arg22: memref<!tpu.dma_semaphore, #tpu.memory_space<semaphore_mem>>, %arg23: memref<!tpu.dma_semaphore, #tpu.memory_space<semaphore_mem>>, %arg24: memref<!tpu.dma_semaphore, #tpu.memory_space<semaphore_mem>>, %arg25: memref<!tpu.dma_semaphore, #tpu.memory_space<semaphore_mem>>, %arg26: memref<!tpu.dma_semaphore, #tpu.memory_space<semaphore_mem>>, %arg27: memref<!tpu.dma_semaphore, #tpu.memory_space<semaphore_mem>>) attributes {dimension_semantics = [#tpu.dimension_semantics<core_parallel>, #tpu.dimension_semantics<subcore_parallel>], iteration_bounds = array<i64: 2, 16>, scalar_prefetch = 0 : i64, scratch_operands = 22 : i64, tpu.core_type = #tpu.core_type<sc_vector_subcore>, window_params = [{transform_indices = #map}, {transform_indices = #map1}, {transform_indices = #map1}, {transform_indices = #map}]} {
    %mul3A = arith.constant 2 : i32
    %mul3A_0 = arith.muli %arg1, %mul3A : i32
    %add3A = arith.addi %mul3A_0, %arg0 : i32
    %mul3A_1 = arith.constant 0 : i32
    %mul3A_2 = arith.constant 32 : i32
    %mul3A_3 = arith.muli %mul3A_1, %mul3A_2 : i32
    %add3A_4 = arith.addi %add3A, %mul3A_3 : i32
    %min3A = arith.constant 2499 : i32
    %min3A_5 = arith.minsi %add3A_4, %min3A : i32
    %mul3A_6 = arith.constant 320 : i32
    %mul3A_7 = arith.muli %min3A_5, %mul3A_6 : i32
    %dma_start3A = tpu.memref_slice %arg3[%mul3A_7] : memref<800000xi32, #tpu.memory_space<hbm>> -> memref<320xi32, #tpu.memory_space<hbm>>
    %dma_start3A_8 = tpu.memref_slice %arg3[%mul3A_7] : memref<800000xi32, #tpu.memory_space<hbm>> -> memref<320xi32, #tpu.memory_space<hbm>>
    tpu.enqueue_dma source(%dma_start3A_8 : memref<320xi32, #tpu.memory_space<hbm>>) target(%arg6 : memref<320xi32, #tpu.memory_space<vmem>>) target_semaphore(%arg16 : memref<!tpu.dma_semaphore, #tpu.memory_space<semaphore_mem>>)
    %mul3A_9 = arith.constant 40 : i32
    %mul3A_10 = arith.muli %min3A_5, %mul3A_9 : i32
    %dma_start3A_11 = tpu.memref_slice %arg4[%mul3A_10] : memref<100000xi32, #tpu.memory_space<hbm>> -> memref<40xi32, #tpu.memory_space<hbm>>
    %dma_start3A_12 = tpu.memref_slice %arg4[%mul3A_10] : memref<100000xi32, #tpu.memory_space<hbm>> -> memref<40xi32, #tpu.memory_space<hbm>>
    tpu.enqueue_dma source(%dma_start3A_12 : memref<40xi32, #tpu.memory_space<hbm>>) target(%arg8 : memref<40xi32, #tpu.memory_space<vmem>>) target_semaphore(%arg16 : memref<!tpu.dma_semaphore, #tpu.memory_space<semaphore_mem>>)
    %mul3A_13 = arith.constant 0 : i32
    %mul3A_14 = arith.constant 32 : i32
    %mul3A_15 = arith.muli %mul3A_13, %mul3A_14 : i32
    %add3A_16 = arith.addi %add3A, %mul3A_15 : i32
    %min3A_17 = arith.constant 2499 : i32
    %min3A_18 = arith.minsi %add3A_16, %min3A_17 : i32
    %mul3A_19 = arith.constant 320 : i32
    %mul3A_20 = arith.muli %min3A_18, %mul3A_19 : i32
    %dma_wait3A = tpu.memref_slice %arg3[%mul3A_20] : memref<800000xi32, #tpu.memory_space<hbm>> -> memref<320xi32, #tpu.memory_space<hbm>>
    %dma_wait3A_21 = tpu.memref_slice %arg3[%mul3A_20] : memref<800000xi32, #tpu.memory_space<hbm>> -> memref<320xi32, #tpu.memory_space<hbm>>
    tpu.wait_dma2 semaphore(%arg16 : memref<!tpu.dma_semaphore, #tpu.memory_space<semaphore_mem>>) src(%dma_wait3A_21 : memref<320xi32, #tpu.memory_space<hbm>>) dst(%arg6 : memref<320xi32, #tpu.memory_space<vmem>>)
    %mul3A_22 = arith.constant 40 : i32
    %mul3A_23 = arith.muli %min3A_18, %mul3A_22 : i32
    %dma_wait3A_24 = tpu.memref_slice %arg4[%mul3A_23] : memref<100000xi32, #tpu.memory_space<hbm>> -> memref<40xi32, #tpu.memory_space<hbm>>
    %dma_wait3A_25 = tpu.memref_slice %arg4[%mul3A_23] : memref<100000xi32, #tpu.memory_space<hbm>> -> memref<40xi32, #tpu.memory_space<hbm>>
    tpu.wait_dma2 semaphore(%arg16 : memref<!tpu.dma_semaphore, #tpu.memory_space<semaphore_mem>>) src(%dma_wait3A_25 : memref<40xi32, #tpu.memory_space<hbm>>) dst(%arg8 : memref<40xi32, #tpu.memory_space<vmem>>)
    %scan3A = arith.constant 0 : i32
    %scan3A_26 = arith.constant 0 : i32
    %scan3A_27 = arith.constant 20 : i32
    %scan3A_28 = arith.addi %scan3A_26, %scan3A_27 : i32
    %scan3A_29 = arith.constant 1 : i32
    scf.for %scan3A_275 = %scan3A_26 to %scan3A_28 step %scan3A_29  : i32 {
      %iota3A = tpu.iota {dimensions = array<i32: 0>} : vector<16xi32>
      %jit3A = arith.constant 8 : i32
      %eq3A = arith.constant 0 : i32
      %eq3A_276 = arith.cmpi eq, %jit3A, %eq3A : i32
      %jit3A_277 = arith.constant 1 : i32
      %select_n3A = arith.select %eq3A_276, %jit3A_277, %jit3A : i32
      %rem3A = vector.broadcast %select_n3A : i32 to vector<16xi32>
      %rem3A_278 = arith.remsi %iota3A, %rem3A : vector<16xi32>
      %ne3A = arith.constant 0 : i32
      %ne3A_279 = vector.broadcast %ne3A : i32 to vector<16xi32>
      %ne3A_280 = arith.cmpi ne, %rem3A_278, %ne3A_279 : vector<16xi32>
      %lt3A_281 = arith.constant 0 : i32
      %lt3A_282 = vector.broadcast %lt3A_281 : i32 to vector<16xi32>
      %lt3A_283 = arith.cmpi slt, %rem3A_278, %lt3A_282 : vector<16xi32>
      %lt3A_284 = arith.constant 0 : i32
      %lt3A_285 = arith.cmpi slt, %select_n3A, %lt3A_284 : i32
      %ne3A_286 = vector.broadcast %lt3A_285 : i1 to vector<16xi1>
      %ne3A_287 = vector.broadcast %ne3A_286 : vector<16xi1> to vector<16xi1>
      %ne3A_288 = arith.xori %lt3A_283, %ne3A_287 : vector<16xi1>
      %and3A = arith.andi %ne3A_288, %ne3A_280 : vector<16xi1>
      %add3A_289 = vector.broadcast %select_n3A : i32 to vector<16xi32>
      %add3A_290 = arith.addi %rem3A_278, %add3A_289 : vector<16xi32>
      %select_n3A_291 = arith.select %and3A, %add3A_290, %rem3A_278 : vector<16xi1>, vector<16xi32>
      %iota3A_292 = tpu.iota {dimensions = array<i32: 0>} : vector<16xi32>
      %jit3A_293 = arith.constant 8 : i32
      %div3A = vector.broadcast %jit3A_293 : i32 to vector<16xi32>
      %div3A_294 = arith.divsi %iota3A_292, %div3A : vector<16xi32>
      %sign3A = arith.constant 0 : i32
      %sign3A_295 = vector.broadcast %sign3A : i32 to vector<16xi32>
      %sign3A_296 = arith.cmpi sgt, %iota3A_292, %sign3A_295 : vector<16xi32>
      %sign3A_297 = arith.extui %sign3A_296 : vector<16xi1> to vector<16xi32>
      %sign3A_298 = arith.constant 0 : i32
      %sign3A_299 = vector.broadcast %sign3A_298 : i32 to vector<16xi32>
      %sign3A_300 = arith.cmpi slt, %iota3A_292, %sign3A_299 : vector<16xi32>
      %sign3A_301 = arith.extui %sign3A_300 : vector<16xi1> to vector<16xi32>
      %sign3A_302 = arith.subi %sign3A_297, %sign3A_301 : vector<16xi32>
      %sign3A_303 = arith.constant 0 : i32
      %sign3A_304 = arith.cmpi sgt, %jit3A_293, %sign3A_303 : i32
      %sign3A_305 = arith.extui %sign3A_304 : i1 to i32
      %sign3A_306 = arith.constant 0 : i32
      %sign3A_307 = arith.cmpi slt, %jit3A_293, %sign3A_306 : i32
      %sign3A_308 = arith.extui %sign3A_307 : i1 to i32
      %sign3A_309 = arith.subi %sign3A_305, %sign3A_308 : i32
      %ne3A_310 = vector.broadcast %sign3A_309 : i32 to vector<16xi32>
      %ne3A_311 = arith.cmpi ne, %sign3A_302, %ne3A_310 : vector<16xi32>
      %rem3A_312 = vector.broadcast %jit3A_293 : i32 to vector<16xi32>
      %rem3A_313 = arith.remsi %iota3A_292, %rem3A_312 : vector<16xi32>
      %ne3A_314 = arith.constant 0 : i32
      %ne3A_315 = vector.broadcast %ne3A_314 : i32 to vector<16xi32>
      %ne3A_316 = arith.cmpi ne, %rem3A_313, %ne3A_315 : vector<16xi32>
      %and3A_317 = arith.andi %ne3A_311, %ne3A_316 : vector<16xi1>
      %sub3A = arith.constant 1 : i32
      %sub3A_318 = vector.broadcast %sub3A : i32 to vector<16xi32>
      %sub3A_319 = arith.subi %div3A_294, %sub3A_318 : vector<16xi32>
      %select_n3A_320 = arith.select %and3A_317, %sub3A_319, %div3A_294 : vector<16xi1>, vector<16xi32>
      %broadcast_in_dim3A = arith.constant 32000 : i32
      %broadcast_in_dim3A_321 = vector.broadcast %broadcast_in_dim3A : i32 to vector<16xi32>
      %mul3A_322 = arith.constant 16 : i32
      %mul3A_323 = arith.muli %scan3A_275, %mul3A_322 : i32
      %get3A = arith.index_cast %mul3A_323 : i32 to index
      %get3A_324 = tpu.vector_load %arg6[%get3A] {strides = array<i32>} : memref<320xi32, #tpu.memory_space<vmem>>, vector<16xi32>,
      %mul3A_325 = arith.constant 2 : i32
      %mul3A_326 = arith.muli %scan3A_275, %mul3A_325 : i32
      %add3A_327 = vector.broadcast %mul3A_326 : i32 to vector<16xi32>
      %add3A_328 = arith.addi %add3A_327, %select_n3A_320 : vector<16xi32>
      %gather3A = tpu.vector_load_idx %arg8[%add3A_328] : memref<40xi32, #tpu.memory_space<vmem>>[vector<16xi32>], vector<16xi32>,
      %lt3A_329 = arith.cmpi slt, %select_n3A_291, %gather3A : vector<16xi32>
      %select_n3A_330 = arith.select %lt3A_329, %get3A_324, %broadcast_in_dim3A_321 : vector<16xi1>, vector<16xi32>
      %mul3A_331 = arith.constant 16 : i32
      %mul3A_332 = arith.muli %scan3A_275, %mul3A_331 : i32
      %swap3A = arith.index_cast %mul3A_332 : i32 to index
      %swap3A_333 = tpu.vector_load %arg6[%swap3A] {strides = array<i32>} : memref<320xi32, #tpu.memory_space<vmem>>, vector<16xi32>,
      tpu.vector_store %arg6[%swap3A], %select_n3A_330 {strides = array<i32>} : memref<320xi32, #tpu.memory_space<vmem>>, vector<16xi32>,
    }
    %scan3A_30 = arith.constant 20 : i32
    %scan3A_31 = arith.constant 0 : i32
    %scan3A_32 = arith.constant 0 : i32
    %scan3A_33 = arith.constant 2 : i32
    %scan3A_34 = arith.addi %scan3A_32, %scan3A_33 : i32
    %scan3A_35 = arith.constant 1 : i32
    scf.for %scan3A_275 = %scan3A_32 to %scan3A_34 step %scan3A_35  : i32 {
      %mul3A_276 = arith.constant 16 : i32
      %mul3A_277 = arith.muli %scan3A_275, %mul3A_276 : i32
      %get3A = arith.index_cast %mul3A_277 : i32 to index
      %get3A_278 = tpu.vector_load %arg8[%get3A] {strides = array<i32>} : memref<40xi32, #tpu.memory_space<vmem>>, vector<16xi32>,
      %convert_element_type3A_279 = arith.sitofp %get3A_278 : vector<16xi32> to vector<16xf32>
      %div3A = arith.constant 1.000000e+00 : f32
      %div3A_280 = vector.broadcast %div3A : f32 to vector<16xf32>
      %div3A_281 = arith.divf %div3A_280, %convert_element_type3A_279 : vector<16xf32>
      %mul3A_282 = arith.constant 16 : i32
      %mul3A_283 = arith.muli %scan3A_275, %mul3A_282 : i32
      %swap3A = arith.index_cast %mul3A_283 : i32 to index
      %swap3A_284 = tpu.vector_load %arg10[%swap3A] {strides = array<i32>} : memref<40xf32, #tpu.memory_space<vmem>>, vector<16xf32>,
      tpu.vector_store %arg10[%swap3A], %div3A_281 {strides = array<i32>} : memref<40xf32, #tpu.memory_space<vmem>>, vector<16xf32>,
    }
    %scan3A_36 = arith.constant 2 : i32
    %dma_start3A_37 = arith.constant 0 : i32
    %dma_start3A_38 = arith.constant 0 : i32
    %dma_start3A_39 = tpu.memref_slice %arg12[%dma_start3A_37, %dma_start3A_38] : memref<320x128xf32, #tpu.memory_space<vmem>> -> memref<64x128xf32, #tpu.memory_space<vmem>>
    %dma_start3A_40 = arith.constant 0 : i32
    %dma_start3A_41 = tpu.memref_slice %arg6[%dma_start3A_40] : memref<320xi32, #tpu.memory_space<vmem>> -> memref<64xi32, #tpu.memory_space<vmem>>
    %dma_start3A_42 = arith.constant 0 : i32
    %dma_start3A_43 = arith.constant 0 : i32
    %dma_start3A_44 = tpu.memref_slice %arg2[%dma_start3A_42, %dma_start3A_43] : memref<32008x128xf32, #tpu.memory_space<hbm>> -> memref<32008x128xf32, #tpu.memory_space<hbm>>
    tpu.enqueue_indirect_dma source(%dma_start3A_44 : memref<32008x128xf32, #tpu.memory_space<hbm>>) target(%dma_start3A_39 : memref<64x128xf32, #tpu.memory_space<vmem>>) offsets(%dma_start3A_41 : memref<64xi32, #tpu.memory_space<vmem>>) semaphore(%arg18 : memref<!tpu.dma_semaphore, #tpu.memory_space<semaphore_mem>>)
    %dma_start3A_45 = arith.constant 64 : i32
    %dma_start3A_46 = arith.constant 0 : i32
    %dma_start3A_47 = tpu.memref_slice %arg12[%dma_start3A_45, %dma_start3A_46] : memref<320x128xf32, #tpu.memory_space<vmem>> -> memref<64x128xf32, #tpu.memory_space<vmem>>
    %dma_start3A_48 = arith.constant 64 : i32
    %dma_start3A_49 = tpu.memref_slice %arg6[%dma_start3A_48] : memref<320xi32, #tpu.memory_space<vmem>> -> memref<64xi32, #tpu.memory_space<vmem>>
    %dma_start3A_50 = arith.constant 0 : i32
    %dma_start3A_51 = arith.constant 0 : i32
    %dma_start3A_52 = tpu.memref_slice %arg2[%dma_start3A_50, %dma_start3A_51] : memref<32008x128xf32, #tpu.memory_space<hbm>> -> memref<32008x128xf32, #tpu.memory_space<hbm>>
    tpu.enqueue_indirect_dma source(%dma_start3A_52 : memref<32008x128xf32, #tpu.memory_space<hbm>>) target(%dma_start3A_47 : memref<64x128xf32, #tpu.memory_space<vmem>>) offsets(%dma_start3A_49 : memref<64xi32, #tpu.memory_space<vmem>>) semaphore(%arg19 : memref<!tpu.dma_semaphore, #tpu.memory_space<semaphore_mem>>)
    %dma_start3A_53 = arith.constant 128 : i32
    %dma_start3A_54 = arith.constant 0 : i32
    %dma_start3A_55 = tpu.memref_slice %arg12[%dma_start3A_53, %dma_start3A_54] : memref<320x128xf32, #tpu.memory_space<vmem>> -> memref<64x128xf32, #tpu.memory_space<vmem>>
    %dma_start3A_56 = arith.constant 128 : i32
    %dma_start3A_57 = tpu.memref_slice %arg6[%dma_start3A_56] : memref<320xi32, #tpu.memory_space<vmem>> -> memref<64xi32, #tpu.memory_space<vmem>>
    %dma_start3A_58 = arith.constant 0 : i32
    %dma_start3A_59 = arith.constant 0 : i32
    %dma_start3A_60 = tpu.memref_slice %arg2[%dma_start3A_58, %dma_start3A_59] : memref<32008x128xf32, #tpu.memory_space<hbm>> -> memref<32008x128xf32, #tpu.memory_space<hbm>>
    tpu.enqueue_indirect_dma source(%dma_start3A_60 : memref<32008x128xf32, #tpu.memory_space<hbm>>) target(%dma_start3A_55 : memref<64x128xf32, #tpu.memory_space<vmem>>) offsets(%dma_start3A_57 : memref<64xi32, #tpu.memory_space<vmem>>) semaphore(%arg20 : memref<!tpu.dma_semaphore, #tpu.memory_space<semaphore_mem>>)
    %dma_start3A_61 = arith.constant 192 : i32
    %dma_start3A_62 = arith.constant 0 : i32
    %dma_start3A_63 = tpu.memref_slice %arg12[%dma_start3A_61, %dma_start3A_62] : memref<320x128xf32, #tpu.memory_space<vmem>> -> memref<64x128xf32, #tpu.memory_space<vmem>>
    %dma_start3A_64 = arith.constant 192 : i32
    %dma_start3A_65 = tpu.memref_slice %arg6[%dma_start3A_64] : memref<320xi32, #tpu.memory_space<vmem>> -> memref<64xi32, #tpu.memory_space<vmem>>
    %dma_start3A_66 = arith.constant 0 : i32
    %dma_start3A_67 = arith.constant 0 : i32
    %dma_start3A_68 = tpu.memref_slice %arg2[%dma_start3A_66, %dma_start3A_67] : memref<32008x128xf32, #tpu.memory_space<hbm>> -> memref<32008x128xf32, #tpu.memory_space<hbm>>
    tpu.enqueue_indirect_dma source(%dma_start3A_68 : memref<32008x128xf32, #tpu.memory_space<hbm>>) target(%dma_start3A_63 : memref<64x128xf32, #tpu.memory_space<vmem>>) offsets(%dma_start3A_65 : memref<64xi32, #tpu.memory_space<vmem>>) semaphore(%arg21 : memref<!tpu.dma_semaphore, #tpu.memory_space<semaphore_mem>>)
    %dma_start3A_69 = arith.constant 256 : i32
    %dma_start3A_70 = arith.constant 0 : i32
    %dma_start3A_71 = tpu.memref_slice %arg12[%dma_start3A_69, %dma_start3A_70] : memref<320x128xf32, #tpu.memory_space<vmem>> -> memref<64x128xf32, #tpu.memory_space<vmem>>
    %dma_start3A_72 = arith.constant 256 : i32
    %dma_start3A_73 = tpu.memref_slice %arg6[%dma_start3A_72] : memref<320xi32, #tpu.memory_space<vmem>> -> memref<64xi32, #tpu.memory_space<vmem>>
    %dma_start3A_74 = arith.constant 0 : i32
    %dma_start3A_75 = arith.constant 0 : i32
    %dma_start3A_76 = tpu.memref_slice %arg2[%dma_start3A_74, %dma_start3A_75] : memref<32008x128xf32, #tpu.memory_space<hbm>> -> memref<32008x128xf32, #tpu.memory_space<hbm>>
    tpu.enqueue_indirect_dma source(%dma_start3A_76 : memref<32008x128xf32, #tpu.memory_space<hbm>>) target(%dma_start3A_71 : memref<64x128xf32, #tpu.memory_space<vmem>>) offsets(%dma_start3A_73 : memref<64xi32, #tpu.memory_space<vmem>>) semaphore(%arg22 : memref<!tpu.dma_semaphore, #tpu.memory_space<semaphore_mem>>)
    %mul3A_77 = arith.constant 1 : i32
    %mul3A_78 = arith.constant 32 : i32
    %mul3A_79 = arith.muli %mul3A_77, %mul3A_78 : i32
    %add3A_80 = arith.addi %add3A, %mul3A_79 : i32
    %min3A_81 = arith.constant 2499 : i32
    %min3A_82 = arith.minsi %add3A_80, %min3A_81 : i32
    %mul3A_83 = arith.constant 320 : i32
    %mul3A_84 = arith.muli %min3A_82, %mul3A_83 : i32
    %dma_start3A_85 = tpu.memref_slice %arg3[%mul3A_84] : memref<800000xi32, #tpu.memory_space<hbm>> -> memref<320xi32, #tpu.memory_space<hbm>>
    %dma_start3A_86 = tpu.memref_slice %arg3[%mul3A_84] : memref<800000xi32, #tpu.memory_space<hbm>> -> memref<320xi32, #tpu.memory_space<hbm>>
    tpu.enqueue_dma source(%dma_start3A_86 : memref<320xi32, #tpu.memory_space<hbm>>) target(%arg7 : memref<320xi32, #tpu.memory_space<vmem>>) target_semaphore(%arg17 : memref<!tpu.dma_semaphore, #tpu.memory_space<semaphore_mem>>)
    %mul3A_87 = arith.constant 40 : i32
    %mul3A_88 = arith.muli %min3A_82, %mul3A_87 : i32
    %dma_start3A_89 = tpu.memref_slice %arg4[%mul3A_88] : memref<100000xi32, #tpu.memory_space<hbm>> -> memref<40xi32, #tpu.memory_space<hbm>>
    %dma_start3A_90 = tpu.memref_slice %arg4[%mul3A_88] : memref<100000xi32, #tpu.memory_space<hbm>> -> memref<40xi32, #tpu.memory_space<hbm>>
    tpu.enqueue_dma source(%dma_start3A_90 : memref<40xi32, #tpu.memory_space<hbm>>) target(%arg9 : memref<40xi32, #tpu.memory_space<vmem>>) target_semaphore(%arg17 : memref<!tpu.dma_semaphore, #tpu.memory_space<semaphore_mem>>)
    %scan3A_91 = arith.constant 0 : i32
    %scan3A_92 = arith.constant 2499 : i32
    %scan3A_93 = arith.constant 0 : i32
    %scan3A_94 = arith.constant 39 : i32
    %scan3A_95 = arith.addi %scan3A_93, %scan3A_94 : i32
    %scan3A_96 = arith.constant 1 : i32
    scf.for %scan3A_275 = %scan3A_93 to %scan3A_95 step %scan3A_96  : i32 {
      %mul3A_276 = arith.constant 2 : i32
      %mul3A_277 = arith.muli %scan3A_275, %mul3A_276 : i32
      %add3A_278 = arith.constant 1 : i32
      %add3A_279 = arith.addi %mul3A_277, %add3A_278 : i32
      %mul3A_280 = arith.constant 32 : i32
      %mul3A_281 = arith.muli %add3A_279, %mul3A_280 : i32
      %add3A_282 = arith.addi %add3A, %mul3A_281 : i32
      %min3A_283 = arith.minsi %add3A_282, %scan3A_92 : i32
      %mul3A_284 = arith.constant 320 : i32
      %mul3A_285 = arith.muli %min3A_283, %mul3A_284 : i32
      %dma_wait3A_286 = tpu.memref_slice %arg3[%mul3A_285] : memref<800000xi32, #tpu.memory_space<hbm>> -> memref<320xi32, #tpu.memory_space<hbm>>
      %dma_wait3A_287 = tpu.memref_slice %arg3[%mul3A_285] : memref<800000xi32, #tpu.memory_space<hbm>> -> memref<320xi32, #tpu.memory_space<hbm>>
      tpu.wait_dma2 semaphore(%arg17 : memref<!tpu.dma_semaphore, #tpu.memory_space<semaphore_mem>>) src(%dma_wait3A_287 : memref<320xi32, #tpu.memory_space<hbm>>) dst(%arg7 : memref<320xi32, #tpu.memory_space<vmem>>)
      %mul3A_288 = arith.constant 40 : i32
      %mul3A_289 = arith.muli %min3A_283, %mul3A_288 : i32
      %dma_wait3A_290 = tpu.memref_slice %arg4[%mul3A_289] : memref<100000xi32, #tpu.memory_space<hbm>> -> memref<40xi32, #tpu.memory_space<hbm>>
      %dma_wait3A_291 = tpu.memref_slice %arg4[%mul3A_289] : memref<100000xi32, #tpu.memory_space<hbm>> -> memref<40xi32, #tpu.memory_space<hbm>>
      tpu.wait_dma2 semaphore(%arg17 : memref<!tpu.dma_semaphore, #tpu.memory_space<semaphore_mem>>) src(%dma_wait3A_291 : memref<40xi32, #tpu.memory_space<hbm>>) dst(%arg9 : memref<40xi32, #tpu.memory_space<vmem>>)
      %scan3A_292 = arith.constant 0 : i32
      %scan3A_293 = arith.constant 0 : i32
      %scan3A_294 = arith.constant 20 : i32
      %scan3A_295 = arith.addi %scan3A_293, %scan3A_294 : i32
      %scan3A_296 = arith.constant 1 : i32
      scf.for %scan3A_542 = %scan3A_293 to %scan3A_295 step %scan3A_296  : i32 {
        %iota3A = tpu.iota {dimensions = array<i32: 0>} : vector<16xi32>
        %jit3A = arith.constant 8 : i32
        %eq3A = arith.constant 0 : i32
        %eq3A_543 = arith.cmpi eq, %jit3A, %eq3A : i32
        %jit3A_544 = arith.constant 1 : i32
        %select_n3A = arith.select %eq3A_543, %jit3A_544, %jit3A : i32
        %rem3A = vector.broadcast %select_n3A : i32 to vector<16xi32>
        %rem3A_545 = arith.remsi %iota3A, %rem3A : vector<16xi32>
        %ne3A = arith.constant 0 : i32
        %ne3A_546 = vector.broadcast %ne3A : i32 to vector<16xi32>
        %ne3A_547 = arith.cmpi ne, %rem3A_545, %ne3A_546 : vector<16xi32>
        %lt3A_548 = arith.constant 0 : i32
        %lt3A_549 = vector.broadcast %lt3A_548 : i32 to vector<16xi32>
        %lt3A_550 = arith.cmpi slt, %rem3A_545, %lt3A_549 : vector<16xi32>
        %lt3A_551 = arith.constant 0 : i32
        %lt3A_552 = arith.cmpi slt, %select_n3A, %lt3A_551 : i32
        %ne3A_553 = vector.broadcast %lt3A_552 : i1 to vector<16xi1>
        %ne3A_554 = vector.broadcast %ne3A_553 : vector<16xi1> to vector<16xi1>
        %ne3A_555 = arith.xori %lt3A_550, %ne3A_554 : vector<16xi1>
        %and3A = arith.andi %ne3A_555, %ne3A_547 : vector<16xi1>
        %add3A_556 = vector.broadcast %select_n3A : i32 to vector<16xi32>
        %add3A_557 = arith.addi %rem3A_545, %add3A_556 : vector<16xi32>
        %select_n3A_558 = arith.select %and3A, %add3A_557, %rem3A_545 : vector<16xi1>, vector<16xi32>
        %iota3A_559 = tpu.iota {dimensions = array<i32: 0>} : vector<16xi32>
        %jit3A_560 = arith.constant 8 : i32
        %div3A = vector.broadcast %jit3A_560 : i32 to vector<16xi32>
        %div3A_561 = arith.divsi %iota3A_559, %div3A : vector<16xi32>
        %sign3A = arith.constant 0 : i32
        %sign3A_562 = vector.broadcast %sign3A : i32 to vector<16xi32>
        %sign3A_563 = arith.cmpi sgt, %iota3A_559, %sign3A_562 : vector<16xi32>
        %sign3A_564 = arith.extui %sign3A_563 : vector<16xi1> to vector<16xi32>
        %sign3A_565 = arith.constant 0 : i32
        %sign3A_566 = vector.broadcast %sign3A_565 : i32 to vector<16xi32>
        %sign3A_567 = arith.cmpi slt, %iota3A_559, %sign3A_566 : vector<16xi32>
        %sign3A_568 = arith.extui %sign3A_567 : vector<16xi1> to vector<16xi32>
        %sign3A_569 = arith.subi %sign3A_564, %sign3A_568 : vector<16xi32>
        %sign3A_570 = arith.constant 0 : i32
        %sign3A_571 = arith.cmpi sgt, %jit3A_560, %sign3A_570 : i32
        %sign3A_572 = arith.extui %sign3A_571 : i1 to i32
        %sign3A_573 = arith.constant 0 : i32
        %sign3A_574 = arith.cmpi slt, %jit3A_560, %sign3A_573 : i32
        %sign3A_575 = arith.extui %sign3A_574 : i1 to i32
        %sign3A_576 = arith.subi %sign3A_572, %sign3A_575 : i32
        %ne3A_577 = vector.broadcast %sign3A_576 : i32 to vector<16xi32>
        %ne3A_578 = arith.cmpi ne, %sign3A_569, %ne3A_577 : vector<16xi32>
        %rem3A_579 = vector.broadcast %jit3A_560 : i32 to vector<16xi32>
        %rem3A_580 = arith.remsi %iota3A_559, %rem3A_579 : vector<16xi32>
        %ne3A_581 = arith.constant 0 : i32
        %ne3A_582 = vector.broadcast %ne3A_581 : i32 to vector<16xi32>
        %ne3A_583 = arith.cmpi ne, %rem3A_580, %ne3A_582 : vector<16xi32>
        %and3A_584 = arith.andi %ne3A_578, %ne3A_583 : vector<16xi1>
        %sub3A = arith.constant 1 : i32
        %sub3A_585 = vector.broadcast %sub3A : i32 to vector<16xi32>
        %sub3A_586 = arith.subi %div3A_561, %sub3A_585 : vector<16xi32>
        %select_n3A_587 = arith.select %and3A_584, %sub3A_586, %div3A_561 : vector<16xi1>, vector<16xi32>
        %broadcast_in_dim3A = arith.constant 32000 : i32
        %broadcast_in_dim3A_588 = vector.broadcast %broadcast_in_dim3A : i32 to vector<16xi32>
        %mul3A_589 = arith.constant 16 : i32
        %mul3A_590 = arith.muli %scan3A_542, %mul3A_589 : i32
        %get3A = arith.index_cast %mul3A_590 : i32 to index
        %get3A_591 = tpu.vector_load %arg7[%get3A] {strides = array<i32>} : memref<320xi32, #tpu.memory_space<vmem>>, vector<16xi32>,
        %mul3A_592 = arith.constant 2 : i32
        %mul3A_593 = arith.muli %scan3A_542, %mul3A_592 : i32
        %add3A_594 = vector.broadcast %mul3A_593 : i32 to vector<16xi32>
        %add3A_595 = arith.addi %add3A_594, %select_n3A_587 : vector<16xi32>
        %gather3A = tpu.vector_load_idx %arg9[%add3A_595] : memref<40xi32, #tpu.memory_space<vmem>>[vector<16xi32>], vector<16xi32>,
        %lt3A_596 = arith.cmpi slt, %select_n3A_558, %gather3A : vector<16xi32>
        %select_n3A_597 = arith.select %lt3A_596, %get3A_591, %broadcast_in_dim3A_588 : vector<16xi1>, vector<16xi32>
        %mul3A_598 = arith.constant 16 : i32
        %mul3A_599 = arith.muli %scan3A_542, %mul3A_598 : i32
        %swap3A = arith.index_cast %mul3A_599 : i32 to index
        %swap3A_600 = tpu.vector_load %arg7[%swap3A] {strides = array<i32>} : memref<320xi32, #tpu.memory_space<vmem>>, vector<16xi32>,
        tpu.vector_store %arg7[%swap3A], %select_n3A_597 {strides = array<i32>} : memref<320xi32, #tpu.memory_space<vmem>>, vector<16xi32>,
      }
      %scan3A_297 = arith.constant 20 : i32
      %scan3A_298 = arith.constant 0 : i32
      %scan3A_299 = arith.constant 0 : i32
      %scan3A_300 = arith.constant 2 : i32
      %scan3A_301 = arith.addi %scan3A_299, %scan3A_300 : i32
      %scan3A_302 = arith.constant 1 : i32
      scf.for %scan3A_542 = %scan3A_299 to %scan3A_301 step %scan3A_302  : i32 {
        %mul3A_543 = arith.constant 16 : i32
        %mul3A_544 = arith.muli %scan3A_542, %mul3A_543 : i32
        %get3A = arith.index_cast %mul3A_544 : i32 to index
        %get3A_545 = tpu.vector_load %arg9[%get3A] {strides = array<i32>} : memref<40xi32, #tpu.memory_space<vmem>>, vector<16xi32>,
        %convert_element_type3A_546 = arith.sitofp %get3A_545 : vector<16xi32> to vector<16xf32>
        %div3A = arith.constant 1.000000e+00 : f32
        %div3A_547 = vector.broadcast %div3A : f32 to vector<16xf32>
        %div3A_548 = arith.divf %div3A_547, %convert_element_type3A_546 : vector<16xf32>
        %mul3A_549 = arith.constant 16 : i32
        %mul3A_550 = arith.muli %scan3A_542, %mul3A_549 : i32
        %swap3A = arith.index_cast %mul3A_550 : i32 to index
        %swap3A_551 = tpu.vector_load %arg11[%swap3A] {strides = array<i32>} : memref<40xf32, #tpu.memory_space<vmem>>, vector<16xf32>,
        tpu.vector_store %arg11[%swap3A], %div3A_548 {strides = array<i32>} : memref<40xf32, #tpu.memory_space<vmem>>, vector<16xf32>,
      }
      %scan3A_303 = arith.constant 2 : i32
      %dma_wait3A_304 = arith.constant 0 : i32
      %dma_wait3A_305 = arith.constant 0 : i32
      %dma_wait3A_306 = tpu.memref_slice %arg12[%dma_wait3A_304, %dma_wait3A_305] : memref<320x128xf32, #tpu.memory_space<vmem>> -> memref<64x128xf32, #tpu.memory_space<vmem>>
      %dma_wait3A_307 = arith.constant 0 : i32
      %dma_wait3A_308 = tpu.memref_slice %arg6[%dma_wait3A_307] : memref<320xi32, #tpu.memory_space<vmem>> -> memref<64xi32, #tpu.memory_space<vmem>>
      %dma_wait3A_309 = arith.constant 0 : i32
      %dma_wait3A_310 = arith.constant 0 : i32
      %dma_wait3A_311 = tpu.memref_slice %arg2[%dma_wait3A_309, %dma_wait3A_310] : memref<32008x128xf32, #tpu.memory_space<hbm>> -> memref<32008x128xf32, #tpu.memory_space<hbm>>
      tpu.wait_indirect_dma semaphore(%arg18 : memref<!tpu.dma_semaphore, #tpu.memory_space<semaphore_mem>>) src(%dma_wait3A_311 : memref<32008x128xf32, #tpu.memory_space<hbm>>) dst(%dma_wait3A_306 : memref<64x128xf32, #tpu.memory_space<vmem>>)
      %dma_wait3A_312 = arith.constant 64 : i32
      %dma_wait3A_313 = arith.constant 0 : i32
      %dma_wait3A_314 = tpu.memref_slice %arg12[%dma_wait3A_312, %dma_wait3A_313] : memref<320x128xf32, #tpu.memory_space<vmem>> -> memref<64x128xf32, #tpu.memory_space<vmem>>
      %dma_wait3A_315 = arith.constant 64 : i32
      %dma_wait3A_316 = tpu.memref_slice %arg6[%dma_wait3A_315] : memref<320xi32, #tpu.memory_space<vmem>> -> memref<64xi32, #tpu.memory_space<vmem>>
      %dma_wait3A_317 = arith.constant 0 : i32
      %dma_wait3A_318 = arith.constant 0 : i32
      %dma_wait3A_319 = tpu.memref_slice %arg2[%dma_wait3A_317, %dma_wait3A_318] : memref<32008x128xf32, #tpu.memory_space<hbm>> -> memref<32008x128xf32, #tpu.memory_space<hbm>>
      tpu.wait_indirect_dma semaphore(%arg19 : memref<!tpu.dma_semaphore, #tpu.memory_space<semaphore_mem>>) src(%dma_wait3A_319 : memref<32008x128xf32, #tpu.memory_space<hbm>>) dst(%dma_wait3A_314 : memref<64x128xf32, #tpu.memory_space<vmem>>)
      %dma_wait3A_320 = arith.constant 128 : i32
      %dma_wait3A_321 = arith.constant 0 : i32
      %dma_wait3A_322 = tpu.memref_slice %arg12[%dma_wait3A_320, %dma_wait3A_321] : memref<320x128xf32, #tpu.memory_space<vmem>> -> memref<64x128xf32, #tpu.memory_space<vmem>>
      %dma_wait3A_323 = arith.constant 128 : i32
      %dma_wait3A_324 = tpu.memref_slice %arg6[%dma_wait3A_323] : memref<320xi32, #tpu.memory_space<vmem>> -> memref<64xi32, #tpu.memory_space<vmem>>
      %dma_wait3A_325 = arith.constant 0 : i32
      %dma_wait3A_326 = arith.constant 0 : i32
      %dma_wait3A_327 = tpu.memref_slice %arg2[%dma_wait3A_325, %dma_wait3A_326] : memref<32008x128xf32, #tpu.memory_space<hbm>> -> memref<32008x128xf32, #tpu.memory_space<hbm>>
      tpu.wait_indirect_dma semaphore(%arg20 : memref<!tpu.dma_semaphore, #tpu.memory_space<semaphore_mem>>) src(%dma_wait3A_327 : memref<32008x128xf32, #tpu.memory_space<hbm>>) dst(%dma_wait3A_322 : memref<64x128xf32, #tpu.memory_space<vmem>>)
      %dma_wait3A_328 = arith.constant 192 : i32
      %dma_wait3A_329 = arith.constant 0 : i32
      %dma_wait3A_330 = tpu.memref_slice %arg12[%dma_wait3A_328, %dma_wait3A_329] : memref<320x128xf32, #tpu.memory_space<vmem>> -> memref<64x128xf32, #tpu.memory_space<vmem>>
      %dma_wait3A_331 = arith.constant 192 : i32
      %dma_wait3A_332 = tpu.memref_slice %arg6[%dma_wait3A_331] : memref<320xi32, #tpu.memory_space<vmem>> -> memref<64xi32, #tpu.memory_space<vmem>>
      %dma_wait3A_333 = arith.constant 0 : i32
      %dma_wait3A_334 = arith.constant 0 : i32
      %dma_wait3A_335 = tpu.memref_slice %arg2[%dma_wait3A_333, %dma_wait3A_334] : memref<32008x128xf32, #tpu.memory_space<hbm>> -> memref<32008x128xf32, #tpu.memory_space<hbm>>
      tpu.wait_indirect_dma semaphore(%arg21 : memref<!tpu.dma_semaphore, #tpu.memory_space<semaphore_mem>>) src(%dma_wait3A_335 : memref<32008x128xf32, #tpu.memory_space<hbm>>) dst(%dma_wait3A_330 : memref<64x128xf32, #tpu.memory_space<vmem>>)
      %dma_wait3A_336 = arith.constant 256 : i32
      %dma_wait3A_337 = arith.constant 0 : i32
      %dma_wait3A_338 = tpu.memref_slice %arg12[%dma_wait3A_336, %dma_wait3A_337] : memref<320x128xf32, #tpu.memory_space<vmem>> -> memref<64x128xf32, #tpu.memory_space<vmem>>
      %dma_wait3A_339 = arith.constant 256 : i32
      %dma_wait3A_340 = tpu.memref_slice %arg6[%dma_wait3A_339] : memref<320xi32, #tpu.memory_space<vmem>> -> memref<64xi32, #tpu.memory_space<vmem>>
      %dma_wait3A_341 = arith.constant 0 : i32
      %dma_wait3A_342 = arith.constant 0 : i32
      %dma_wait3A_343 = tpu.memref_slice %arg2[%dma_wait3A_341, %dma_wait3A_342] : memref<32008x128xf32, #tpu.memory_space<hbm>> -> memref<32008x128xf32, #tpu.memory_space<hbm>>
      tpu.wait_indirect_dma semaphore(%arg22 : memref<!tpu.dma_semaphore, #tpu.memory_space<semaphore_mem>>) src(%dma_wait3A_343 : memref<32008x128xf32, #tpu.memory_space<hbm>>) dst(%dma_wait3A_338 : memref<64x128xf32, #tpu.memory_space<vmem>>)
      %dma_start3A_344 = arith.constant 0 : i32
      %dma_start3A_345 = arith.constant 0 : i32
      %dma_start3A_346 = tpu.memref_slice %arg13[%dma_start3A_344, %dma_start3A_345] : memref<320x128xf32, #tpu.memory_space<vmem>> -> memref<64x128xf32, #tpu.memory_space<vmem>>
      %dma_start3A_347 = arith.constant 0 : i32
      %dma_start3A_348 = tpu.memref_slice %arg7[%dma_start3A_347] : memref<320xi32, #tpu.memory_space<vmem>> -> memref<64xi32, #tpu.memory_space<vmem>>
      %dma_start3A_349 = arith.constant 0 : i32
      %dma_start3A_350 = arith.constant 0 : i32
      %dma_start3A_351 = tpu.memref_slice %arg2[%dma_start3A_349, %dma_start3A_350] : memref<32008x128xf32, #tpu.memory_space<hbm>> -> memref<32008x128xf32, #tpu.memory_space<hbm>>
      tpu.enqueue_indirect_dma source(%dma_start3A_351 : memref<32008x128xf32, #tpu.memory_space<hbm>>) target(%dma_start3A_346 : memref<64x128xf32, #tpu.memory_space<vmem>>) offsets(%dma_start3A_348 : memref<64xi32, #tpu.memory_space<vmem>>) semaphore(%arg23 : memref<!tpu.dma_semaphore, #tpu.memory_space<semaphore_mem>>)
      %dma_start3A_352 = arith.constant 64 : i32
      %dma_start3A_353 = arith.constant 0 : i32
      %dma_start3A_354 = tpu.memref_slice %arg13[%dma_start3A_352, %dma_start3A_353] : memref<320x128xf32, #tpu.memory_space<vmem>> -> memref<64x128xf32, #tpu.memory_space<vmem>>
      %dma_start3A_355 = arith.constant 64 : i32
      %dma_start3A_356 = tpu.memref_slice %arg7[%dma_start3A_355] : memref<320xi32, #tpu.memory_space<vmem>> -> memref<64xi32, #tpu.memory_space<vmem>>
      %dma_start3A_357 = arith.constant 0 : i32
      %dma_start3A_358 = arith.constant 0 : i32
      %dma_start3A_359 = tpu.memref_slice %arg2[%dma_start3A_357, %dma_start3A_358] : memref<32008x128xf32, #tpu.memory_space<hbm>> -> memref<32008x128xf32, #tpu.memory_space<hbm>>
      tpu.enqueue_indirect_dma source(%dma_start3A_359 : memref<32008x128xf32, #tpu.memory_space<hbm>>) target(%dma_start3A_354 : memref<64x128xf32, #tpu.memory_space<vmem>>) offsets(%dma_start3A_356 : memref<64xi32, #tpu.memory_space<vmem>>) semaphore(%arg24 : memref<!tpu.dma_semaphore, #tpu.memory_space<semaphore_mem>>)
      %dma_start3A_360 = arith.constant 128 : i32
      %dma_start3A_361 = arith.constant 0 : i32
      %dma_start3A_362 = tpu.memref_slice %arg13[%dma_start3A_360, %dma_start3A_361] : memref<320x128xf32, #tpu.memory_space<vmem>> -> memref<64x128xf32, #tpu.memory_space<vmem>>
      %dma_start3A_363 = arith.constant 128 : i32
      %dma_start3A_364 = tpu.memref_slice %arg7[%dma_start3A_363] : memref<320xi32, #tpu.memory_space<vmem>> -> memref<64xi32, #tpu.memory_space<vmem>>
      %dma_start3A_365 = arith.constant 0 : i32
      %dma_start3A_366 = arith.constant 0 : i32
      %dma_start3A_367 = tpu.memref_slice %arg2[%dma_start3A_365, %dma_start3A_366] : memref<32008x128xf32, #tpu.memory_space<hbm>> -> memref<32008x128xf32, #tpu.memory_space<hbm>>
      tpu.enqueue_indirect_dma source(%dma_start3A_367 : memref<32008x128xf32, #tpu.memory_space<hbm>>) target(%dma_start3A_362 : memref<64x128xf32, #tpu.memory_space<vmem>>) offsets(%dma_start3A_364 : memref<64xi32, #tpu.memory_space<vmem>>) semaphore(%arg25 : memref<!tpu.dma_semaphore, #tpu.memory_space<semaphore_mem>>)
      %dma_start3A_368 = arith.constant 192 : i32
      %dma_start3A_369 = arith.constant 0 : i32
      %dma_start3A_370 = tpu.memref_slice %arg13[%dma_start3A_368, %dma_start3A_369] : memref<320x128xf32, #tpu.memory_space<vmem>> -> memref<64x128xf32, #tpu.memory_space<vmem>>
      %dma_start3A_371 = arith.constant 192 : i32
      %dma_start3A_372 = tpu.memref_slice %arg7[%dma_start3A_371] : memref<320xi32, #tpu.memory_space<vmem>> -> memref<64xi32, #tpu.memory_space<vmem>>
      %dma_start3A_373 = arith.constant 0 : i32
      %dma_start3A_374 = arith.constant 0 : i32
      %dma_start3A_375 = tpu.memref_slice %arg2[%dma_start3A_373, %dma_start3A_374] : memref<32008x128xf32, #tpu.memory_space<hbm>> -> memref<32008x128xf32, #tpu.memory_space<hbm>>
      tpu.enqueue_indirect_dma source(%dma_start3A_375 : memref<32008x128xf32, #tpu.memory_space<hbm>>) target(%dma_start3A_370 : memref<64x128xf32, #tpu.memory_space<vmem>>) offsets(%dma_start3A_372 : memref<64xi32, #tpu.memory_space<vmem>>) semaphore(%arg26 : memref<!tpu.dma_semaphore, #tpu.memory_space<semaphore_mem>>)
      %dma_start3A_376 = arith.constant 256 : i32
      %dma_start3A_377 = arith.constant 0 : i32
      %dma_start3A_378 = tpu.memref_slice %arg13[%dma_start3A_376, %dma_start3A_377] : memref<320x128xf32, #tpu.memory_space<vmem>> -> memref<64x128xf32, #tpu.memory_space<vmem>>
      %dma_start3A_379 = arith.constant 256 : i32
      %dma_start3A_380 = tpu.memref_slice %arg7[%dma_start3A_379] : memref<320xi32, #tpu.memory_space<vmem>> -> memref<64xi32, #tpu.memory_space<vmem>>
      %dma_start3A_381 = arith.constant 0 : i32
      %dma_start3A_382 = arith.constant 0 : i32
      %dma_start3A_383 = tpu.memref_slice %arg2[%dma_start3A_381, %dma_start3A_382] : memref<32008x128xf32, #tpu.memory_space<hbm>> -> memref<32008x128xf32, #tpu.memory_space<hbm>>
      tpu.enqueue_indirect_dma source(%dma_start3A_383 : memref<32008x128xf32, #tpu.memory_space<hbm>>) target(%dma_start3A_378 : memref<64x128xf32, #tpu.memory_space<vmem>>) offsets(%dma_start3A_380 : memref<64xi32, #tpu.memory_space<vmem>>) semaphore(%arg27 : memref<!tpu.dma_semaphore, #tpu.memory_space<semaphore_mem>>)
      %add3A_384 = arith.constant 2 : i32
      %add3A_385 = arith.addi %mul3A_277, %add3A_384 : i32
      %mul3A_386 = arith.constant 32 : i32
      %mul3A_387 = arith.muli %add3A_385, %mul3A_386 : i32
      %add3A_388 = arith.addi %add3A, %mul3A_387 : i32
      %min3A_389 = arith.minsi %add3A_388, %scan3A_92 : i32
      %mul3A_390 = arith.constant 320 : i32
      %mul3A_391 = arith.muli %min3A_389, %mul3A_390 : i32
      %dma_start3A_392 = tpu.memref_slice %arg3[%mul3A_391] : memref<800000xi32, #tpu.memory_space<hbm>> -> memref<320xi32, #tpu.memory_space<hbm>>
      %dma_start3A_393 = tpu.memref_slice %arg3[%mul3A_391] : memref<800000xi32, #tpu.memory_space<hbm>> -> memref<320xi32, #tpu.memory_space<hbm>>
      tpu.enqueue_dma source(%dma_start3A_393 : memref<320xi32, #tpu.memory_space<hbm>>) target(%arg6 : memref<320xi32, #tpu.memory_space<vmem>>) target_semaphore(%arg16 : memref<!tpu.dma_semaphore, #tpu.memory_space<semaphore_mem>>)
      %mul3A_394 = arith.constant 40 : i32
      %mul3A_395 = arith.muli %min3A_389, %mul3A_394 : i32
      %dma_start3A_396 = tpu.memref_slice %arg4[%mul3A_395] : memref<100000xi32, #tpu.memory_space<hbm>> -> memref<40xi32, #tpu.memory_space<hbm>>
      %dma_start3A_397 = tpu.memref_slice %arg4[%mul3A_395] : memref<100000xi32, #tpu.memory_space<hbm>> -> memref<40xi32, #tpu.memory_space<hbm>>
      tpu.enqueue_dma source(%dma_start3A_397 : memref<40xi32, #tpu.memory_space<hbm>>) target(%arg8 : memref<40xi32, #tpu.memory_space<vmem>>) target_semaphore(%arg16 : memref<!tpu.dma_semaphore, #tpu.memory_space<semaphore_mem>>)
      %scan3A_398 = arith.constant 0 : i32
      %scan3A_399 = arith.constant 0 : i32
      %scan3A_400 = arith.constant 40 : i32
      %scan3A_401 = arith.addi %scan3A_399, %scan3A_400 : i32
      %scan3A_402 = arith.constant 1 : i32
      scf.for %scan3A_542 = %scan3A_399 to %scan3A_401 step %scan3A_402  : i32 {
        %mul3A_543 = arith.constant 8 : i32
        %mul3A_544 = arith.muli %scan3A_542, %mul3A_543 : i32
        %broadcast_in_dim3A = vector.broadcast %scan3A_542 : i32 to vector<16xi32>
        %gather3A = tpu.vector_load_idx %arg10[%broadcast_in_dim3A] : memref<40xf32, #tpu.memory_space<vmem>>[vector<16xi32>], vector<16xf32>,
        %get3A = arith.index_cast %mul3A_544 : i32 to index
        %get3A_545 = arith.constant 0 : index
        %get3A_546 = tpu.vector_load %arg12[%get3A, %get3A_545] {strides = array<i32>} : memref<320x128xf32, #tpu.memory_space<vmem>>, vector<16xf32>,
        %add3A_547 = arith.constant 1 : i32
        %add3A_548 = arith.addi %mul3A_544, %add3A_547 : i32
        %get3A_549 = arith.index_cast %add3A_548 : i32 to index
        %get3A_550 = arith.constant 0 : index
        %get3A_551 = tpu.vector_load %arg12[%get3A_549, %get3A_550] {strides = array<i32>} : memref<320x128xf32, #tpu.memory_space<vmem>>, vector<16xf32>,
        %add3A_552 = arith.addf %get3A_546, %get3A_551 : vector<16xf32>
        %add3A_553 = arith.constant 2 : i32
        %add3A_554 = arith.addi %mul3A_544, %add3A_553 : i32
        %get3A_555 = arith.index_cast %add3A_554 : i32 to index
        %get3A_556 = arith.constant 0 : index
        %get3A_557 = tpu.vector_load %arg12[%get3A_555, %get3A_556] {strides = array<i32>} : memref<320x128xf32, #tpu.memory_space<vmem>>, vector<16xf32>,
        %add3A_558 = arith.addf %add3A_552, %get3A_557 : vector<16xf32>
        %add3A_559 = arith.constant 3 : i32
        %add3A_560 = arith.addi %mul3A_544, %add3A_559 : i32
        %get3A_561 = arith.index_cast %add3A_560 : i32 to index
        %get3A_562 = arith.constant 0 : index
        %get3A_563 = tpu.vector_load %arg12[%get3A_561, %get3A_562] {strides = array<i32>} : memref<320x128xf32, #tpu.memory_space<vmem>>, vector<16xf32>,
        %add3A_564 = arith.addf %add3A_558, %get3A_563 : vector<16xf32>
        %add3A_565 = arith.constant 4 : i32
        %add3A_566 = arith.addi %mul3A_544, %add3A_565 : i32
        %get3A_567 = arith.index_cast %add3A_566 : i32 to index
        %get3A_568 = arith.constant 0 : index
        %get3A_569 = tpu.vector_load %arg12[%get3A_567, %get3A_568] {strides = array<i32>} : memref<320x128xf32, #tpu.memory_space<vmem>>, vector<16xf32>,
        %add3A_570 = arith.addf %add3A_564, %get3A_569 : vector<16xf32>
        %add3A_571 = arith.constant 5 : i32
        %add3A_572 = arith.addi %mul3A_544, %add3A_571 : i32
        %get3A_573 = arith.index_cast %add3A_572 : i32 to index
        %get3A_574 = arith.constant 0 : index
        %get3A_575 = tpu.vector_load %arg12[%get3A_573, %get3A_574] {strides = array<i32>} : memref<320x128xf32, #tpu.memory_space<vmem>>, vector<16xf32>,
        %add3A_576 = arith.addf %add3A_570, %get3A_575 : vector<16xf32>
        %add3A_577 = arith.constant 6 : i32
        %add3A_578 = arith.addi %mul3A_544, %add3A_577 : i32
        %get3A_579 = arith.index_cast %add3A_578 : i32 to index
        %get3A_580 = arith.constant 0 : index
        %get3A_581 = tpu.vector_load %arg12[%get3A_579, %get3A_580] {strides = array<i32>} : memref<320x128xf32, #tpu.memory_space<vmem>>, vector<16xf32>,
        %add3A_582 = arith.addf %add3A_576, %get3A_581 : vector<16xf32>
        %add3A_583 = arith.constant 7 : i32
        %add3A_584 = arith.addi %mul3A_544, %add3A_583 : i32
        %get3A_585 = arith.index_cast %add3A_584 : i32 to index
        %get3A_586 = arith.constant 0 : index
        %get3A_587 = tpu.vector_load %arg12[%get3A_585, %get3A_586] {strides = array<i32>} : memref<320x128xf32, #tpu.memory_space<vmem>>, vector<16xf32>,
        %add3A_588 = arith.addf %add3A_582, %get3A_587 : vector<16xf32>
        %mul3A_589 = arith.mulf %add3A_588, %gather3A : vector<16xf32>
        %swap3A = arith.index_cast %scan3A_542 : i32 to index
        %swap3A_590 = arith.constant 0 : index
        %swap3A_591 = tpu.vector_load %arg14[%swap3A, %swap3A_590] {strides = array<i32>} : memref<40x64xf32, #tpu.memory_space<vmem>>, vector<16xf32>,
        tpu.vector_store %arg14[%swap3A, %swap3A_590], %mul3A_589 {strides = array<i32>} : memref<40x64xf32, #tpu.memory_space<vmem>>, vector<16xf32>,
        %get3A_592 = arith.index_cast %mul3A_544 : i32 to index
        %get3A_593 = arith.constant 16 : index
        %get3A_594 = tpu.vector_load %arg12[%get3A_592, %get3A_593] {strides = array<i32>} : memref<320x128xf32, #tpu.memory_space<vmem>>, vector<16xf32>,
        %add3A_595 = arith.constant 1 : i32
        %add3A_596 = arith.addi %mul3A_544, %add3A_595 : i32
        %get3A_597 = arith.index_cast %add3A_596 : i32 to index
        %get3A_598 = arith.constant 16 : index
        %get3A_599 = tpu.vector_load %arg12[%get3A_597, %get3A_598] {strides = array<i32>} : memref<320x128xf32, #tpu.memory_space<vmem>>, vector<16xf32>,
        %add3A_600 = arith.addf %get3A_594, %get3A_599 : vector<16xf32>
        %add3A_601 = arith.constant 2 : i32
        %add3A_602 = arith.addi %mul3A_544, %add3A_601 : i32
        %get3A_603 = arith.index_cast %add3A_602 : i32 to index
        %get3A_604 = arith.constant 16 : index
        %get3A_605 = tpu.vector_load %arg12[%get3A_603, %get3A_604] {strides = array<i32>} : memref<320x128xf32, #tpu.memory_space<vmem>>, vector<16xf32>,
        %add3A_606 = arith.addf %add3A_600, %get3A_605 : vector<16xf32>
        %add3A_607 = arith.constant 3 : i32
        %add3A_608 = arith.addi %mul3A_544, %add3A_607 : i32
        %get3A_609 = arith.index_cast %add3A_608 : i32 to index
        %get3A_610 = arith.constant 16 : index
        %get3A_611 = tpu.vector_load %arg12[%get3A_609, %get3A_610] {strides = array<i32>} : memref<320x128xf32, #tpu.memory_space<vmem>>, vector<16xf32>,
        %add3A_612 = arith.addf %add3A_606, %get3A_611 : vector<16xf32>
        %add3A_613 = arith.constant 4 : i32
        %add3A_614 = arith.addi %mul3A_544, %add3A_613 : i32
        %get3A_615 = arith.index_cast %add3A_614 : i32 to index
        %get3A_616 = arith.constant 16 : index
        %get3A_617 = tpu.vector_load %arg12[%get3A_615, %get3A_616] {strides = array<i32>} : memref<320x128xf32, #tpu.memory_space<vmem>>, vector<16xf32>,
        %add3A_618 = arith.addf %add3A_612, %get3A_617 : vector<16xf32>
        %add3A_619 = arith.constant 5 : i32
        %add3A_620 = arith.addi %mul3A_544, %add3A_619 : i32
        %get3A_621 = arith.index_cast %add3A_620 : i32 to index
        %get3A_622 = arith.constant 16 : index
        %get3A_623 = tpu.vector_load %arg12[%get3A_621, %get3A_622] {strides = array<i32>} : memref<320x128xf32, #tpu.memory_space<vmem>>, vector<16xf32>,
        %add3A_624 = arith.addf %add3A_618, %get3A_623 : vector<16xf32>
        %add3A_625 = arith.constant 6 : i32
        %add3A_626 = arith.addi %mul3A_544, %add3A_625 : i32
        %get3A_627 = arith.index_cast %add3A_626 : i32 to index
        %get3A_628 = arith.constant 16 : index
        %get3A_629 = tpu.vector_load %arg12[%get3A_627, %get3A_628] {strides = array<i32>} : memref<320x128xf32, #tpu.memory_space<vmem>>, vector<16xf32>,
        %add3A_630 = arith.addf %add3A_624, %get3A_629 : vector<16xf32>
        %add3A_631 = arith.constant 7 : i32
        %add3A_632 = arith.addi %mul3A_544, %add3A_631 : i32
        %get3A_633 = arith.index_cast %add3A_632 : i32 to index
        %get3A_634 = arith.constant 16 : index
        %get3A_635 = tpu.vector_load %arg12[%get3A_633, %get3A_634] {strides = array<i32>} : memref<320x128xf32, #tpu.memory_space<vmem>>, vector<16xf32>,
        %add3A_636 = arith.addf %add3A_630, %get3A_635 : vector<16xf32>
        %mul3A_637 = arith.mulf %add3A_636, %gather3A : vector<16xf32>
        %swap3A_638 = arith.index_cast %scan3A_542 : i32 to index
        %swap3A_639 = arith.constant 16 : index
        %swap3A_640 = tpu.vector_load %arg14[%swap3A_638, %swap3A_639] {strides = array<i32>} : memref<40x64xf32, #tpu.memory_space<vmem>>, vector<16xf32>,
        tpu.vector_store %arg14[%swap3A_638, %swap3A_639], %mul3A_637 {strides = array<i32>} : memref<40x64xf32, #tpu.memory_space<vmem>>, vector<16xf32>,
        %get3A_641 = arith.index_cast %mul3A_544 : i32 to index
        %get3A_642 = arith.constant 32 : index
        %get3A_643 = tpu.vector_load %arg12[%get3A_641, %get3A_642] {strides = array<i32>} : memref<320x128xf32, #tpu.memory_space<vmem>>, vector<16xf32>,
        %add3A_644 = arith.constant 1 : i32
        %add3A_645 = arith.addi %mul3A_544, %add3A_644 : i32
        %get3A_646 = arith.index_cast %add3A_645 : i32 to index
        %get3A_647 = arith.constant 32 : index
        %get3A_648 = tpu.vector_load %arg12[%get3A_646, %get3A_647] {strides = array<i32>} : memref<320x128xf32, #tpu.memory_space<vmem>>, vector<16xf32>,
        %add3A_649 = arith.addf %get3A_643, %get3A_648 : vector<16xf32>
        %add3A_650 = arith.constant 2 : i32
        %add3A_651 = arith.addi %mul3A_544, %add3A_650 : i32
        %get3A_652 = arith.index_cast %add3A_651 : i32 to index
        %get3A_653 = arith.constant 32 : index
        %get3A_654 = tpu.vector_load %arg12[%get3A_652, %get3A_653] {strides = array<i32>} : memref<320x128xf32, #tpu.memory_space<vmem>>, vector<16xf32>,
        %add3A_655 = arith.addf %add3A_649, %get3A_654 : vector<16xf32>
        %add3A_656 = arith.constant 3 : i32
        %add3A_657 = arith.addi %mul3A_544, %add3A_656 : i32
        %get3A_658 = arith.index_cast %add3A_657 : i32 to index
        %get3A_659 = arith.constant 32 : index
        %get3A_660 = tpu.vector_load %arg12[%get3A_658, %get3A_659] {strides = array<i32>} : memref<320x128xf32, #tpu.memory_space<vmem>>, vector<16xf32>,
        %add3A_661 = arith.addf %add3A_655, %get3A_660 : vector<16xf32>
        %add3A_662 = arith.constant 4 : i32
        %add3A_663 = arith.addi %mul3A_544, %add3A_662 : i32
        %get3A_664 = arith.index_cast %add3A_663 : i32 to index
        %get3A_665 = arith.constant 32 : index
        %get3A_666 = tpu.vector_load %arg12[%get3A_664, %get3A_665] {strides = array<i32>} : memref<320x128xf32, #tpu.memory_space<vmem>>, vector<16xf32>,
        %add3A_667 = arith.addf %add3A_661, %get3A_666 : vector<16xf32>
        %add3A_668 = arith.constant 5 : i32
        %add3A_669 = arith.addi %mul3A_544, %add3A_668 : i32
        %get3A_670 = arith.index_cast %add3A_669 : i32 to index
        %get3A_671 = arith.constant 32 : index
        %get3A_672 = tpu.vector_load %arg12[%get3A_670, %get3A_671] {strides = array<i32>} : memref<320x128xf32, #tpu.memory_space<vmem>>, vector<16xf32>,
        %add3A_673 = arith.addf %add3A_667, %get3A_672 : vector<16xf32>
        %add3A_674 = arith.constant 6 : i32
        %add3A_675 = arith.addi %mul3A_544, %add3A_674 : i32
        %get3A_676 = arith.index_cast %add3A_675 : i32 to index
        %get3A_677 = arith.constant 32 : index
        %get3A_678 = tpu.vector_load %arg12[%get3A_676, %get3A_677] {strides = array<i32>} : memref<320x128xf32, #tpu.memory_space<vmem>>, vector<16xf32>,
        %add3A_679 = arith.addf %add3A_673, %get3A_678 : vector<16xf32>
        %add3A_680 = arith.constant 7 : i32
        %add3A_681 = arith.addi %mul3A_544, %add3A_680 : i32
        %get3A_682 = arith.index_cast %add3A_681 : i32 to index
        %get3A_683 = arith.constant 32 : index
        %get3A_684 = tpu.vector_load %arg12[%get3A_682, %get3A_683] {strides = array<i32>} : memref<320x128xf32, #tpu.memory_space<vmem>>, vector<16xf32>,
        %add3A_685 = arith.addf %add3A_679, %get3A_684 : vector<16xf32>
        %mul3A_686 = arith.mulf %add3A_685, %gather3A : vector<16xf32>
        %swap3A_687 = arith.index_cast %scan3A_542 : i32 to index
        %swap3A_688 = arith.constant 32 : index
        %swap3A_689 = tpu.vector_load %arg14[%swap3A_687, %swap3A_688] {strides = array<i32>} : memref<40x64xf32, #tpu.memory_space<vmem>>, vector<16xf32>,
        tpu.vector_store %arg14[%swap3A_687, %swap3A_688], %mul3A_686 {strides = array<i32>} : memref<40x64xf32, #tpu.memory_space<vmem>>, vector<16xf32>,
        %get3A_690 = arith.index_cast %mul3A_544 : i32 to index
        %get3A_691 = arith.constant 48 : index
        %get3A_692 = tpu.vector_load %arg12[%get3A_690, %get3A_691] {strides = array<i32>} : memref<320x128xf32, #tpu.memory_space<vmem>>, vector<16xf32>,
        %add3A_693 = arith.constant 1 : i32
        %add3A_694 = arith.addi %mul3A_544, %add3A_693 : i32
        %get3A_695 = arith.index_cast %add3A_694 : i32 to index
        %get3A_696 = arith.constant 48 : index
        %get3A_697 = tpu.vector_load %arg12[%get3A_695, %get3A_696] {strides = array<i32>} : memref<320x128xf32, #tpu.memory_space<vmem>>, vector<16xf32>,
        %add3A_698 = arith.addf %get3A_692, %get3A_697 : vector<16xf32>
        %add3A_699 = arith.constant 2 : i32
        %add3A_700 = arith.addi %mul3A_544, %add3A_699 : i32
        %get3A_701 = arith.index_cast %add3A_700 : i32 to index
        %get3A_702 = arith.constant 48 : index
        %get3A_703 = tpu.vector_load %arg12[%get3A_701, %get3A_702] {strides = array<i32>} : memref<320x128xf32, #tpu.memory_space<vmem>>, vector<16xf32>,
        %add3A_704 = arith.addf %add3A_698, %get3A_703 : vector<16xf32>
        %add3A_705 = arith.constant 3 : i32
        %add3A_706 = arith.addi %mul3A_544, %add3A_705 : i32
        %get3A_707 = arith.index_cast %add3A_706 : i32 to index
        %get3A_708 = arith.constant 48 : index
        %get3A_709 = tpu.vector_load %arg12[%get3A_707, %get3A_708] {strides = array<i32>} : memref<320x128xf32, #tpu.memory_space<vmem>>, vector<16xf32>,
        %add3A_710 = arith.addf %add3A_704, %get3A_709 : vector<16xf32>
        %add3A_711 = arith.constant 4 : i32
        %add3A_712 = arith.addi %mul3A_544, %add3A_711 : i32
        %get3A_713 = arith.index_cast %add3A_712 : i32 to index
        %get3A_714 = arith.constant 48 : index
        %get3A_715 = tpu.vector_load %arg12[%get3A_713, %get3A_714] {strides = array<i32>} : memref<320x128xf32, #tpu.memory_space<vmem>>, vector<16xf32>,
        %add3A_716 = arith.addf %add3A_710, %get3A_715 : vector<16xf32>
        %add3A_717 = arith.constant 5 : i32
        %add3A_718 = arith.addi %mul3A_544, %add3A_717 : i32
        %get3A_719 = arith.index_cast %add3A_718 : i32 to index
        %get3A_720 = arith.constant 48 : index
        %get3A_721 = tpu.vector_load %arg12[%get3A_719, %get3A_720] {strides = array<i32>} : memref<320x128xf32, #tpu.memory_space<vmem>>, vector<16xf32>,
        %add3A_722 = arith.addf %add3A_716, %get3A_721 : vector<16xf32>
        %add3A_723 = arith.constant 6 : i32
        %add3A_724 = arith.addi %mul3A_544, %add3A_723 : i32
        %get3A_725 = arith.index_cast %add3A_724 : i32 to index
        %get3A_726 = arith.constant 48 : index
        %get3A_727 = tpu.vector_load %arg12[%get3A_725, %get3A_726] {strides = array<i32>} : memref<320x128xf32, #tpu.memory_space<vmem>>, vector<16xf32>,
        %add3A_728 = arith.addf %add3A_722, %get3A_727 : vector<16xf32>
        %add3A_729 = arith.constant 7 : i32
        %add3A_730 = arith.addi %mul3A_544, %add3A_729 : i32
        %get3A_731 = arith.index_cast %add3A_730 : i32 to index
        %get3A_732 = arith.constant 48 : index
        %get3A_733 = tpu.vector_load %arg12[%get3A_731, %get3A_732] {strides = array<i32>} : memref<320x128xf32, #tpu.memory_space<vmem>>, vector<16xf32>,
        %add3A_734 = arith.addf %add3A_728, %get3A_733 : vector<16xf32>
        %mul3A_735 = arith.mulf %add3A_734, %gather3A : vector<16xf32>
        %swap3A_736 = arith.index_cast %scan3A_542 : i32 to index
        %swap3A_737 = arith.constant 48 : index
        %swap3A_738 = tpu.vector_load %arg14[%swap3A_736, %swap3A_737] {strides = array<i32>} : memref<40x64xf32, #tpu.memory_space<vmem>>, vector<16xf32>,
        tpu.vector_store %arg14[%swap3A_736, %swap3A_737], %mul3A_735 {strides = array<i32>} : memref<40x64xf32, #tpu.memory_space<vmem>>, vector<16xf32>,
      }
      %scan3A_403 = arith.constant 40 : i32
      %mul3A_404 = arith.constant 32 : i32
      %mul3A_405 = arith.muli %mul3A_277, %mul3A_404 : i32
      %add3A_406 = arith.addi %add3A, %mul3A_405 : i32
      %mul3A_407 = arith.constant 40 : i32
      %mul3A_408 = arith.muli %add3A_406, %mul3A_407 : i32
      "tpu.region"() ({
        %run_scoped3A = tpu.sem_alloc : memref<!tpu.dma_semaphore, #tpu.memory_space<semaphore_mem>>
        %dma_start3A_542 = arith.constant 0 : i32
        %dma_start3A_543 = tpu.memref_slice %arg5[%mul3A_408, %dma_start3A_542] : memref<100000x64xf32, #tpu.memory_space<hbm>> -> memref<40x64xf32, #tpu.memory_space<hbm>>
        %dma_start3A_544 = arith.constant 0 : i32
        %dma_start3A_545 = tpu.memref_slice %arg5[%mul3A_408, %dma_start3A_544] : memref<100000x64xf32, #tpu.memory_space<hbm>> -> memref<40x64xf32, #tpu.memory_space<hbm>>
        tpu.enqueue_dma source(%arg14 : memref<40x64xf32, #tpu.memory_space<vmem>>) target(%dma_start3A_545 : memref<40x64xf32, #tpu.memory_space<hbm>>) target_semaphore(%run_scoped3A : memref<!tpu.dma_semaphore, #tpu.memory_space<semaphore_mem>>)
        %dma_wait3A_546 = arith.constant 0 : i32
        %dma_wait3A_547 = tpu.memref_slice %arg5[%mul3A_408, %dma_wait3A_546] : memref<100000x64xf32, #tpu.memory_space<hbm>> -> memref<40x64xf32, #tpu.memory_space<hbm>>
        %dma_wait3A_548 = arith.constant 0 : i32
        %dma_wait3A_549 = tpu.memref_slice %arg5[%mul3A_408, %dma_wait3A_548] : memref<100000x64xf32, #tpu.memory_space<hbm>> -> memref<40x64xf32, #tpu.memory_space<hbm>>
        tpu.wait_dma2 semaphore(%run_scoped3A : memref<!tpu.dma_semaphore, #tpu.memory_space<semaphore_mem>>) src(%arg14 : memref<40x64xf32, #tpu.memory_space<vmem>>) dst(%dma_wait3A_549 : memref<40x64xf32, #tpu.memory_space<hbm>>)
        tpu.yield
      }) : () -> ()
      %add3A_409 = arith.constant 1 : i32
      %add3A_410 = arith.addi %mul3A_277, %add3A_409 : i32
      %add3A_411 = arith.constant 1 : i32
      %add3A_412 = arith.addi %add3A_410, %add3A_411 : i32
      %mul3A_413 = arith.constant 32 : i32
      %mul3A_414 = arith.muli %add3A_412, %mul3A_413 : i32
      %add3A_415 = arith.addi %add3A, %mul3A_414 : i32
      %min3A_416 = arith.minsi %add3A_415, %scan3A_92 : i32
      %mul3A_417 = arith.constant 320 : i32
      %mul3A_418 = arith.muli %min3A_416, %mul3A_417 : i32
      %dma_wait3A_419 = tpu.memref_slice %arg3[%mul3A_418] : memref<800000xi32, #tpu.memory_space<hbm>> -> memref<320xi32, #tpu.memory_space<hbm>>
      %dma_wait3A_420 = tpu.memref_slice %arg3[%mul3A_418] : memref<800000xi32, #tpu.memory_space<hbm>> -> memref<320xi32, #tpu.memory_space<hbm>>
      tpu.wait_dma2 semaphore(%arg16 : memref<!tpu.dma_semaphore, #tpu.memory_space<semaphore_mem>>) src(%dma_wait3A_420 : memref<320xi32, #tpu.memory_space<hbm>>) dst(%arg6 : memref<320xi32, #tpu.memory_space<vmem>>)
      %mul3A_421 = arith.constant 40 : i32
      %mul3A_422 = arith.muli %min3A_416, %mul3A_421 : i32
      %dma_wait3A_423 = tpu.memref_slice %arg4[%mul3A_422] : memref<100000xi32, #tpu.memory_space<hbm>> -> memref<40xi32, #tpu.memory_space<hbm>>
      %dma_wait3A_424 = tpu.memref_slice %arg4[%mul3A_422] : memref<100000xi32, #tpu.memory_space<hbm>> -> memref<40xi32, #tpu.memory_space<hbm>>
      tpu.wait_dma2 semaphore(%arg16 : memref<!tpu.dma_semaphore, #tpu.memory_space<semaphore_mem>>) src(%dma_wait3A_424 : memref<40xi32, #tpu.memory_space<hbm>>) dst(%arg8 : memref<40xi32, #tpu.memory_space<vmem>>)
      %scan3A_425 = arith.constant 0 : i32
      %scan3A_426 = arith.constant 0 : i32
      %scan3A_427 = arith.constant 20 : i32
      %scan3A_428 = arith.addi %scan3A_426, %scan3A_427 : i32
      %scan3A_429 = arith.constant 1 : i32
      scf.for %scan3A_542 = %scan3A_426 to %scan3A_428 step %scan3A_429  : i32 {
        %iota3A = tpu.iota {dimensions = array<i32: 0>} : vector<16xi32>
        %jit3A = arith.constant 8 : i32
        %eq3A = arith.constant 0 : i32
        %eq3A_543 = arith.cmpi eq, %jit3A, %eq3A : i32
        %jit3A_544 = arith.constant 1 : i32
        %select_n3A = arith.select %eq3A_543, %jit3A_544, %jit3A : i32
        %rem3A = vector.broadcast %select_n3A : i32 to vector<16xi32>
        %rem3A_545 = arith.remsi %iota3A, %rem3A : vector<16xi32>
        %ne3A = arith.constant 0 : i32
        %ne3A_546 = vector.broadcast %ne3A : i32 to vector<16xi32>
        %ne3A_547 = arith.cmpi ne, %rem3A_545, %ne3A_546 : vector<16xi32>
        %lt3A_548 = arith.constant 0 : i32
        %lt3A_549 = vector.broadcast %lt3A_548 : i32 to vector<16xi32>
        %lt3A_550 = arith.cmpi slt, %rem3A_545, %lt3A_549 : vector<16xi32>
        %lt3A_551 = arith.constant 0 : i32
        %lt3A_552 = arith.cmpi slt, %select_n3A, %lt3A_551 : i32
        %ne3A_553 = vector.broadcast %lt3A_552 : i1 to vector<16xi1>
        %ne3A_554 = vector.broadcast %ne3A_553 : vector<16xi1> to vector<16xi1>
        %ne3A_555 = arith.xori %lt3A_550, %ne3A_554 : vector<16xi1>
        %and3A = arith.andi %ne3A_555, %ne3A_547 : vector<16xi1>
        %add3A_556 = vector.broadcast %select_n3A : i32 to vector<16xi32>
        %add3A_557 = arith.addi %rem3A_545, %add3A_556 : vector<16xi32>
        %select_n3A_558 = arith.select %and3A, %add3A_557, %rem3A_545 : vector<16xi1>, vector<16xi32>
        %iota3A_559 = tpu.iota {dimensions = array<i32: 0>} : vector<16xi32>
        %jit3A_560 = arith.constant 8 : i32
        %div3A = vector.broadcast %jit3A_560 : i32 to vector<16xi32>
        %div3A_561 = arith.divsi %iota3A_559, %div3A : vector<16xi32>
        %sign3A = arith.constant 0 : i32
        %sign3A_562 = vector.broadcast %sign3A : i32 to vector<16xi32>
        %sign3A_563 = arith.cmpi sgt, %iota3A_559, %sign3A_562 : vector<16xi32>
        %sign3A_564 = arith.extui %sign3A_563 : vector<16xi1> to vector<16xi32>
        %sign3A_565 = arith.constant 0 : i32
        %sign3A_566 = vector.broadcast %sign3A_565 : i32 to vector<16xi32>
        %sign3A_567 = arith.cmpi slt, %iota3A_559, %sign3A_566 : vector<16xi32>
        %sign3A_568 = arith.extui %sign3A_567 : vector<16xi1> to vector<16xi32>
        %sign3A_569 = arith.subi %sign3A_564, %sign3A_568 : vector<16xi32>
        %sign3A_570 = arith.constant 0 : i32
        %sign3A_571 = arith.cmpi sgt, %jit3A_560, %sign3A_570 : i32
        %sign3A_572 = arith.extui %sign3A_571 : i1 to i32
        %sign3A_573 = arith.constant 0 : i32
        %sign3A_574 = arith.cmpi slt, %jit3A_560, %sign3A_573 : i32
        %sign3A_575 = arith.extui %sign3A_574 : i1 to i32
        %sign3A_576 = arith.subi %sign3A_572, %sign3A_575 : i32
        %ne3A_577 = vector.broadcast %sign3A_576 : i32 to vector<16xi32>
        %ne3A_578 = arith.cmpi ne, %sign3A_569, %ne3A_577 : vector<16xi32>
        %rem3A_579 = vector.broadcast %jit3A_560 : i32 to vector<16xi32>
        %rem3A_580 = arith.remsi %iota3A_559, %rem3A_579 : vector<16xi32>
        %ne3A_581 = arith.constant 0 : i32
        %ne3A_582 = vector.broadcast %ne3A_581 : i32 to vector<16xi32>
        %ne3A_583 = arith.cmpi ne, %rem3A_580, %ne3A_582 : vector<16xi32>
        %and3A_584 = arith.andi %ne3A_578, %ne3A_583 : vector<16xi1>
        %sub3A = arith.constant 1 : i32
        %sub3A_585 = vector.broadcast %sub3A : i32 to vector<16xi32>
        %sub3A_586 = arith.subi %div3A_561, %sub3A_585 : vector<16xi32>
        %select_n3A_587 = arith.select %and3A_584, %sub3A_586, %div3A_561 : vector<16xi1>, vector<16xi32>
        %broadcast_in_dim3A = arith.constant 32000 : i32
        %broadcast_in_dim3A_588 = vector.broadcast %broadcast_in_dim3A : i32 to vector<16xi32>
        %mul3A_589 = arith.constant 16 : i32
        %mul3A_590 = arith.muli %scan3A_542, %mul3A_589 : i32
        %get3A = arith.index_cast %mul3A_590 : i32 to index
        %get3A_591 = tpu.vector_load %arg6[%get3A] {strides = array<i32>} : memref<320xi32, #tpu.memory_space<vmem>>, vector<16xi32>,
        %mul3A_592 = arith.constant 2 : i32
        %mul3A_593 = arith.muli %scan3A_542, %mul3A_592 : i32
        %add3A_594 = vector.broadcast %mul3A_593 : i32 to vector<16xi32>
        %add3A_595 = arith.addi %add3A_594, %select_n3A_587 : vector<16xi32>
        %gather3A = tpu.vector_load_idx %arg8[%add3A_595] : memref<40xi32, #tpu.memory_space<vmem>>[vector<16xi32>], vector<16xi32>,
        %lt3A_596 = arith.cmpi slt, %select_n3A_558, %gather3A : vector<16xi32>
        %select_n3A_597 = arith.select %lt3A_596, %get3A_591, %broadcast_in_dim3A_588 : vector<16xi1>, vector<16xi32>
        %mul3A_598 = arith.constant 16 : i32
        %mul3A_599 = arith.muli %scan3A_542, %mul3A_598 : i32
        %swap3A = arith.index_cast %mul3A_599 : i32 to index
        %swap3A_600 = tpu.vector_load %arg6[%swap3A] {strides = array<i32>} : memref<320xi32, #tpu.memory_space<vmem>>, vector<16xi32>,
        tpu.vector_store %arg6[%swap3A], %select_n3A_597 {strides = array<i32>} : memref<320xi32, #tpu.memory_space<vmem>>, vector<16xi32>,
      }
      %scan3A_430 = arith.constant 20 : i32
      %scan3A_431 = arith.constant 0 : i32
      %scan3A_432 = arith.constant 0 : i32
      %scan3A_433 = arith.constant 2 : i32
      %scan3A_434 = arith.addi %scan3A_432, %scan3A_433 : i32
      %scan3A_435 = arith.constant 1 : i32
      scf.for %scan3A_542 = %scan3A_432 to %scan3A_434 step %scan3A_435  : i32 {
        %mul3A_543 = arith.constant 16 : i32
        %mul3A_544 = arith.muli %scan3A_542, %mul3A_543 : i32
        %get3A = arith.index_cast %mul3A_544 : i32 to index
        %get3A_545 = tpu.vector_load %arg8[%get3A] {strides = array<i32>} : memref<40xi32, #tpu.memory_space<vmem>>, vector<16xi32>,
        %convert_element_type3A_546 = arith.sitofp %get3A_545 : vector<16xi32> to vector<16xf32>
        %div3A = arith.constant 1.000000e+00 : f32
        %div3A_547 = vector.broadcast %div3A : f32 to vector<16xf32>
        %div3A_548 = arith.divf %div3A_547, %convert_element_type3A_546 : vector<16xf32>
        %mul3A_549 = arith.constant 16 : i32
        %mul3A_550 = arith.muli %scan3A_542, %mul3A_549 : i32
        %swap3A = arith.index_cast %mul3A_550 : i32 to index
        %swap3A_551 = tpu.vector_load %arg10[%swap3A] {strides = array<i32>} : memref<40xf32, #tpu.memory_space<vmem>>, vector<16xf32>,
        tpu.vector_store %arg10[%swap3A], %div3A_548 {strides = array<i32>} : memref<40xf32, #tpu.memory_space<vmem>>, vector<16xf32>,
      }
      %scan3A_436 = arith.constant 2 : i32
      %dma_wait3A_437 = arith.constant 0 : i32
      %dma_wait3A_438 = arith.constant 0 : i32
      %dma_wait3A_439 = tpu.memref_slice %arg13[%dma_wait3A_437, %dma_wait3A_438] : memref<320x128xf32, #tpu.memory_space<vmem>> -> memref<64x128xf32, #tpu.memory_space<vmem>>
      %dma_wait3A_440 = arith.constant 0 : i32
      %dma_wait3A_441 = tpu.memref_slice %arg7[%dma_wait3A_440] : memref<320xi32, #tpu.memory_space<vmem>> -> memref<64xi32, #tpu.memory_space<vmem>>
      %dma_wait3A_442 = arith.constant 0 : i32
      %dma_wait3A_443 = arith.constant 0 : i32
      %dma_wait3A_444 = tpu.memref_slice %arg2[%dma_wait3A_442, %dma_wait3A_443] : memref<32008x128xf32, #tpu.memory_space<hbm>> -> memref<32008x128xf32, #tpu.memory_space<hbm>>
      tpu.wait_indirect_dma semaphore(%arg23 : memref<!tpu.dma_semaphore, #tpu.memory_space<semaphore_mem>>) src(%dma_wait3A_444 : memref<32008x128xf32, #tpu.memory_space<hbm>>) dst(%dma_wait3A_439 : memref<64x128xf32, #tpu.memory_space<vmem>>)
      %dma_wait3A_445 = arith.constant 64 : i32
      %dma_wait3A_446 = arith.constant 0 : i32
      %dma_wait3A_447 = tpu.memref_slice %arg13[%dma_wait3A_445, %dma_wait3A_446] : memref<320x128xf32, #tpu.memory_space<vmem>> -> memref<64x128xf32, #tpu.memory_space<vmem>>
      %dma_wait3A_448 = arith.constant 64 : i32
      %dma_wait3A_449 = tpu.memref_slice %arg7[%dma_wait3A_448] : memref<320xi32, #tpu.memory_space<vmem>> -> memref<64xi32, #tpu.memory_space<vmem>>
      %dma_wait3A_450 = arith.constant 0 : i32
      %dma_wait3A_451 = arith.constant 0 : i32
      %dma_wait3A_452 = tpu.memref_slice %arg2[%dma_wait3A_450, %dma_wait3A_451] : memref<32008x128xf32, #tpu.memory_space<hbm>> -> memref<32008x128xf32, #tpu.memory_space<hbm>>
      tpu.wait_indirect_dma semaphore(%arg24 : memref<!tpu.dma_semaphore, #tpu.memory_space<semaphore_mem>>) src(%dma_wait3A_452 : memref<32008x128xf32, #tpu.memory_space<hbm>>) dst(%dma_wait3A_447 : memref<64x128xf32, #tpu.memory_space<vmem>>)
      %dma_wait3A_453 = arith.constant 128 : i32
      %dma_wait3A_454 = arith.constant 0 : i32
      %dma_wait3A_455 = tpu.memref_slice %arg13[%dma_wait3A_453, %dma_wait3A_454] : memref<320x128xf32, #tpu.memory_space<vmem>> -> memref<64x128xf32, #tpu.memory_space<vmem>>
      %dma_wait3A_456 = arith.constant 128 : i32
      %dma_wait3A_457 = tpu.memref_slice %arg7[%dma_wait3A_456] : memref<320xi32, #tpu.memory_space<vmem>> -> memref<64xi32, #tpu.memory_space<vmem>>
      %dma_wait3A_458 = arith.constant 0 : i32
      %dma_wait3A_459 = arith.constant 0 : i32
      %dma_wait3A_460 = tpu.memref_slice %arg2[%dma_wait3A_458, %dma_wait3A_459] : memref<32008x128xf32, #tpu.memory_space<hbm>> -> memref<32008x128xf32, #tpu.memory_space<hbm>>
      tpu.wait_indirect_dma semaphore(%arg25 : memref<!tpu.dma_semaphore, #tpu.memory_space<semaphore_mem>>) src(%dma_wait3A_460 : memref<32008x128xf32, #tpu.memory_space<hbm>>) dst(%dma_wait3A_455 : memref<64x128xf32, #tpu.memory_space<vmem>>)
      %dma_wait3A_461 = arith.constant 192 : i32
      %dma_wait3A_462 = arith.constant 0 : i32
      %dma_wait3A_463 = tpu.memref_slice %arg13[%dma_wait3A_461, %dma_wait3A_462] : memref<320x128xf32, #tpu.memory_space<vmem>> -> memref<64x128xf32, #tpu.memory_space<vmem>>
      %dma_wait3A_464 = arith.constant 192 : i32
      %dma_wait3A_465 = tpu.memref_slice %arg7[%dma_wait3A_464] : memref<320xi32, #tpu.memory_space<vmem>> -> memref<64xi32, #tpu.memory_space<vmem>>
      %dma_wait3A_466 = arith.constant 0 : i32
      %dma_wait3A_467 = arith.constant 0 : i32
      %dma_wait3A_468 = tpu.memref_slice %arg2[%dma_wait3A_466, %dma_wait3A_467] : memref<32008x128xf32, #tpu.memory_space<hbm>> -> memref<32008x128xf32, #tpu.memory_space<hbm>>
      tpu.wait_indirect_dma semaphore(%arg26 : memref<!tpu.dma_semaphore, #tpu.memory_space<semaphore_mem>>) src(%dma_wait3A_468 : memref<32008x128xf32, #tpu.memory_space<hbm>>) dst(%dma_wait3A_463 : memref<64x128xf32, #tpu.memory_space<vmem>>)
      %dma_wait3A_469 = arith.constant 256 : i32
      %dma_wait3A_470 = arith.constant 0 : i32
      %dma_wait3A_471 = tpu.memref_slice %arg13[%dma_wait3A_469, %dma_wait3A_470] : memref<320x128xf32, #tpu.memory_space<vmem>> -> memref<64x128xf32, #tpu.memory_space<vmem>>
      %dma_wait3A_472 = arith.constant 256 : i32
      %dma_wait3A_473 = tpu.memref_slice %arg7[%dma_wait3A_472] : memref<320xi32, #tpu.memory_space<vmem>> -> memref<64xi32, #tpu.memory_space<vmem>>
      %dma_wait3A_474 = arith.constant 0 : i32
      %dma_wait3A_475 = arith.constant 0 : i32
      %dma_wait3A_476 = tpu.memref_slice %arg2[%dma_wait3A_474, %dma_wait3A_475] : memref<32008x128xf32, #tpu.memory_space<hbm>> -> memref<32008x128xf32, #tpu.memory_space<hbm>>
      tpu.wait_indirect_dma semaphore(%arg27 : memref<!tpu.dma_semaphore, #tpu.memory_space<semaphore_mem>>) src(%dma_wait3A_476 : memref<32008x128xf32, #tpu.memory_space<hbm>>) dst(%dma_wait3A_471 : memref<64x128xf32, #tpu.memory_space<vmem>>)
      %dma_start3A_477 = arith.constant 0 : i32
      %dma_start3A_478 = arith.constant 0 : i32
      %dma_start3A_479 = tpu.memref_slice %arg12[%dma_start3A_477, %dma_start3A_478] : memref<320x128xf32, #tpu.memory_space<vmem>> -> memref<64x128xf32, #tpu.memory_space<vmem>>
      %dma_start3A_480 = arith.constant 0 : i32
      %dma_start3A_481 = tpu.memref_slice %arg6[%dma_start3A_480] : memref<320xi32, #tpu.memory_space<vmem>> -> memref<64xi32, #tpu.memory_space<vmem>>
      %dma_start3A_482 = arith.constant 0 : i32
      %dma_start3A_483 = arith.constant 0 : i32
      %dma_start3A_484 = tpu.memref_slice %arg2[%dma_start3A_482, %dma_start3A_483] : memref<32008x128xf32, #tpu.memory_space<hbm>> -> memref<32008x128xf32, #tpu.memory_space<hbm>>
      tpu.enqueue_indirect_dma source(%dma_start3A_484 : memref<32008x128xf32, #tpu.memory_space<hbm>>) target(%dma_start3A_479 : memref<64x128xf32, #tpu.memory_space<vmem>>) offsets(%dma_start3A_481 : memref<64xi32, #tpu.memory_space<vmem>>) semaphore(%arg18 : memref<!tpu.dma_semaphore, #tpu.memory_space<semaphore_mem>>)
      %dma_start3A_485 = arith.constant 64 : i32
      %dma_start3A_486 = arith.constant 0 : i32
      %dma_start3A_487 = tpu.memref_slice %arg12[%dma_start3A_485, %dma_start3A_486] : memref<320x128xf32, #tpu.memory_space<vmem>> -> memref<64x128xf32, #tpu.memory_space<vmem>>
      %dma_start3A_488 = arith.constant 64 : i32
      %dma_start3A_489 = tpu.memref_slice %arg6[%dma_start3A_488] : memref<320xi32, #tpu.memory_space<vmem>> -> memref<64xi32, #tpu.memory_space<vmem>>
      %dma_start3A_490 = arith.constant 0 : i32
      %dma_start3A_491 = arith.constant 0 : i32
      %dma_start3A_492 = tpu.memref_slice %arg2[%dma_start3A_490, %dma_start3A_491] : memref<32008x128xf32, #tpu.memory_space<hbm>> -> memref<32008x128xf32, #tpu.memory_space<hbm>>
      tpu.enqueue_indirect_dma source(%dma_start3A_492 : memref<32008x128xf32, #tpu.memory_space<hbm>>) target(%dma_start3A_487 : memref<64x128xf32, #tpu.memory_space<vmem>>) offsets(%dma_start3A_489 : memref<64xi32, #tpu.memory_space<vmem>>) semaphore(%arg19 : memref<!tpu.dma_semaphore, #tpu.memory_space<semaphore_mem>>)
      %dma_start3A_493 = arith.constant 128 : i32
      %dma_start3A_494 = arith.constant 0 : i32
      %dma_start3A_495 = tpu.memref_slice %arg12[%dma_start3A_493, %dma_start3A_494] : memref<320x128xf32, #tpu.memory_space<vmem>> -> memref<64x128xf32, #tpu.memory_space<vmem>>
      %dma_start3A_496 = arith.constant 128 : i32
      %dma_start3A_497 = tpu.memref_slice %arg6[%dma_start3A_496] : memref<320xi32, #tpu.memory_space<vmem>> -> memref<64xi32, #tpu.memory_space<vmem>>
      %dma_start3A_498 = arith.constant 0 : i32
      %dma_start3A_499 = arith.constant 0 : i32
      %dma_start3A_500 = tpu.memref_slice %arg2[%dma_start3A_498, %dma_start3A_499] : memref<32008x128xf32, #tpu.memory_space<hbm>> -> memref<32008x128xf32, #tpu.memory_space<hbm>>
      tpu.enqueue_indirect_dma source(%dma_start3A_500 : memref<32008x128xf32, #tpu.memory_space<hbm>>) target(%dma_start3A_495 : memref<64x128xf32, #tpu.memory_space<vmem>>) offsets(%dma_start3A_497 : memref<64xi32, #tpu.memory_space<vmem>>) semaphore(%arg20 : memref<!tpu.dma_semaphore, #tpu.memory_space<semaphore_mem>>)
      %dma_start3A_501 = arith.constant 192 : i32
      %dma_start3A_502 = arith.constant 0 : i32
      %dma_start3A_503 = tpu.memref_slice %arg12[%dma_start3A_501, %dma_start3A_502] : memref<320x128xf32, #tpu.memory_space<vmem>> -> memref<64x128xf32, #tpu.memory_space<vmem>>
      %dma_start3A_504 = arith.constant 192 : i32
      %dma_start3A_505 = tpu.memref_slice %arg6[%dma_start3A_504] : memref<320xi32, #tpu.memory_space<vmem>> -> memref<64xi32, #tpu.memory_space<vmem>>
      %dma_start3A_506 = arith.constant 0 : i32
      %dma_start3A_507 = arith.constant 0 : i32
      %dma_start3A_508 = tpu.memref_slice %arg2[%dma_start3A_506, %dma_start3A_507] : memref<32008x128xf32, #tpu.memory_space<hbm>> -> memref<32008x128xf32, #tpu.memory_space<hbm>>
      tpu.enqueue_indirect_dma source(%dma_start3A_508 : memref<32008x128xf32, #tpu.memory_space<hbm>>) target(%dma_start3A_503 : memref<64x128xf32, #tpu.memory_space<vmem>>) offsets(%dma_start3A_505 : memref<64xi32, #tpu.memory_space<vmem>>) semaphore(%arg21 : memref<!tpu.dma_semaphore, #tpu.memory_space<semaphore_mem>>)
      %dma_start3A_509 = arith.constant 256 : i32
      %dma_start3A_510 = arith.constant 0 : i32
      %dma_start3A_511 = tpu.memref_slice %arg12[%dma_start3A_509, %dma_start3A_510] : memref<320x128xf32, #tpu.memory_space<vmem>> -> memref<64x128xf32, #tpu.memory_space<vmem>>
      %dma_start3A_512 = arith.constant 256 : i32
      %dma_start3A_513 = tpu.memref_slice %arg6[%dma_start3A_512] : memref<320xi32, #tpu.memory_space<vmem>> -> memref<64xi32, #tpu.memory_space<vmem>>
      %dma_start3A_514 = arith.constant 0 : i32
      %dma_start3A_515 = arith.constant 0 : i32
      %dma_start3A_516 = tpu.memref_slice %arg2[%dma_start3A_514, %dma_start3A_515] : memref<32008x128xf32, #tpu.memory_space<hbm>> -> memref<32008x128xf32, #tpu.memory_space<hbm>>
      tpu.enqueue_indirect_dma source(%dma_start3A_516 : memref<32008x128xf32, #tpu.memory_space<hbm>>) target(%dma_start3A_511 : memref<64x128xf32, #tpu.memory_space<vmem>>) offsets(%dma_start3A_513 : memref<64xi32, #tpu.memory_space<vmem>>) semaphore(%arg22 : memref<!tpu.dma_semaphore, #tpu.memory_space<semaphore_mem>>)
      %add3A_517 = arith.constant 2 : i32
      %add3A_518 = arith.addi %add3A_410, %add3A_517 : i32
      %mul3A_519 = arith.constant 32 : i32
      %mul3A_520 = arith.muli %add3A_518, %mul3A_519 : i32
      %add3A_521 = arith.addi %add3A, %mul3A_520 : i32
      %min3A_522 = arith.minsi %add3A_521, %scan3A_92 : i32
      %mul3A_523 = arith.constant 320 : i32
      %mul3A_524 = arith.muli %min3A_522, %mul3A_523 : i32
      %dma_start3A_525 = tpu.memref_slice %arg3[%mul3A_524] : memref<800000xi32, #tpu.memory_space<hbm>> -> memref<320xi32, #tpu.memory_space<hbm>>
      %dma_start3A_526 = tpu.memref_slice %arg3[%mul3A_524] : memref<800000xi32, #tpu.memory_space<hbm>> -> memref<320xi32, #tpu.memory_space<hbm>>
      tpu.enqueue_dma source(%dma_start3A_526 : memref<320xi32, #tpu.memory_space<hbm>>) target(%arg7 : memref<320xi32, #tpu.memory_space<vmem>>) target_semaphore(%arg17 : memref<!tpu.dma_semaphore, #tpu.memory_space<semaphore_mem>>)
      %mul3A_527 = arith.constant 40 : i32
      %mul3A_528 = arith.muli %min3A_522, %mul3A_527 : i32
      %dma_start3A_529 = tpu.memref_slice %arg4[%mul3A_528] : memref<100000xi32, #tpu.memory_space<hbm>> -> memref<40xi32, #tpu.memory_space<hbm>>
      %dma_start3A_530 = tpu.memref_slice %arg4[%mul3A_528] : memref<100000xi32, #tpu.memory_space<hbm>> -> memref<40xi32, #tpu.memory_space<hbm>>
      tpu.enqueue_dma source(%dma_start3A_530 : memref<40xi32, #tpu.memory_space<hbm>>) target(%arg9 : memref<40xi32, #tpu.memory_space<vmem>>) target_semaphore(%arg17 : memref<!tpu.dma_semaphore, #tpu.memory_space<semaphore_mem>>)
      %scan3A_531 = arith.constant 0 : i32
      %scan3A_532 = arith.constant 0 : i32
      %scan3A_533 = arith.constant 40 : i32
      %scan3A_534 = arith.addi %scan3A_532, %scan3A_533 : i32
      %scan3A_535 = arith.constant 1 : i32
      scf.for %scan3A_542 = %scan3A_532 to %scan3A_534 step %scan3A_535  : i32 {
        %mul3A_543 = arith.constant 8 : i32
        %mul3A_544 = arith.muli %scan3A_542, %mul3A_543 : i32
        %broadcast_in_dim3A = vector.broadcast %scan3A_542 : i32 to vector<16xi32>
        %gather3A = tpu.vector_load_idx %arg11[%broadcast_in_dim3A] : memref<40xf32, #tpu.memory_space<vmem>>[vector<16xi32>], vector<16xf32>,
        %get3A = arith.index_cast %mul3A_544 : i32 to index
        %get3A_545 = arith.constant 0 : index
        %get3A_546 = tpu.vector_load %arg13[%get3A, %get3A_545] {strides = array<i32>} : memref<320x128xf32, #tpu.memory_space<vmem>>, vector<16xf32>,
        %add3A_547 = arith.constant 1 : i32
        %add3A_548 = arith.addi %mul3A_544, %add3A_547 : i32
        %get3A_549 = arith.index_cast %add3A_548 : i32 to index
        %get3A_550 = arith.constant 0 : index
        %get3A_551 = tpu.vector_load %arg13[%get3A_549, %get3A_550] {strides = array<i32>} : memref<320x128xf32, #tpu.memory_space<vmem>>, vector<16xf32>,
        %add3A_552 = arith.addf %get3A_546, %get3A_551 : vector<16xf32>
        %add3A_553 = arith.constant 2 : i32
        %add3A_554 = arith.addi %mul3A_544, %add3A_553 : i32
        %get3A_555 = arith.index_cast %add3A_554 : i32 to index
        %get3A_556 = arith.constant 0 : index
        %get3A_557 = tpu.vector_load %arg13[%get3A_555, %get3A_556] {strides = array<i32>} : memref<320x128xf32, #tpu.memory_space<vmem>>, vector<16xf32>,
        %add3A_558 = arith.addf %add3A_552, %get3A_557 : vector<16xf32>
        %add3A_559 = arith.constant 3 : i32
        %add3A_560 = arith.addi %mul3A_544, %add3A_559 : i32
        %get3A_561 = arith.index_cast %add3A_560 : i32 to index
        %get3A_562 = arith.constant 0 : index
        %get3A_563 = tpu.vector_load %arg13[%get3A_561, %get3A_562] {strides = array<i32>} : memref<320x128xf32, #tpu.memory_space<vmem>>, vector<16xf32>,
        %add3A_564 = arith.addf %add3A_558, %get3A_563 : vector<16xf32>
        %add3A_565 = arith.constant 4 : i32
        %add3A_566 = arith.addi %mul3A_544, %add3A_565 : i32
        %get3A_567 = arith.index_cast %add3A_566 : i32 to index
        %get3A_568 = arith.constant 0 : index
        %get3A_569 = tpu.vector_load %arg13[%get3A_567, %get3A_568] {strides = array<i32>} : memref<320x128xf32, #tpu.memory_space<vmem>>, vector<16xf32>,
        %add3A_570 = arith.addf %add3A_564, %get3A_569 : vector<16xf32>
        %add3A_571 = arith.constant 5 : i32
        %add3A_572 = arith.addi %mul3A_544, %add3A_571 : i32
        %get3A_573 = arith.index_cast %add3A_572 : i32 to index
        %get3A_574 = arith.constant 0 : index
        %get3A_575 = tpu.vector_load %arg13[%get3A_573, %get3A_574] {strides = array<i32>} : memref<320x128xf32, #tpu.memory_space<vmem>>, vector<16xf32>,
        %add3A_576 = arith.addf %add3A_570, %get3A_575 : vector<16xf32>
        %add3A_577 = arith.constant 6 : i32
        %add3A_578 = arith.addi %mul3A_544, %add3A_577 : i32
        %get3A_579 = arith.index_cast %add3A_578 : i32 to index
        %get3A_580 = arith.constant 0 : index
        %get3A_581 = tpu.vector_load %arg13[%get3A_579, %get3A_580] {strides = array<i32>} : memref<320x128xf32, #tpu.memory_space<vmem>>, vector<16xf32>,
        %add3A_582 = arith.addf %add3A_576, %get3A_581 : vector<16xf32>
        %add3A_583 = arith.constant 7 : i32
        %add3A_584 = arith.addi %mul3A_544, %add3A_583 : i32
        %get3A_585 = arith.index_cast %add3A_584 : i32 to index
        %get3A_586 = arith.constant 0 : index
        %get3A_587 = tpu.vector_load %arg13[%get3A_585, %get3A_586] {strides = array<i32>} : memref<320x128xf32, #tpu.memory_space<vmem>>, vector<16xf32>,
        %add3A_588 = arith.addf %add3A_582, %get3A_587 : vector<16xf32>
        %mul3A_589 = arith.mulf %add3A_588, %gather3A : vector<16xf32>
        %swap3A = arith.index_cast %scan3A_542 : i32 to index
        %swap3A_590 = arith.constant 0 : index
        %swap3A_591 = tpu.vector_load %arg15[%swap3A, %swap3A_590] {strides = array<i32>} : memref<40x64xf32, #tpu.memory_space<vmem>>, vector<16xf32>,
        tpu.vector_store %arg15[%swap3A, %swap3A_590], %mul3A_589 {strides = array<i32>} : memref<40x64xf32, #tpu.memory_space<vmem>>, vector<16xf32>,
        %get3A_592 = arith.index_cast %mul3A_544 : i32 to index
        %get3A_593 = arith.constant 16 : index
        %get3A_594 = tpu.vector_load %arg13[%get3A_592, %get3A_593] {strides = array<i32>} : memref<320x128xf32, #tpu.memory_space<vmem>>, vector<16xf32>,
        %add3A_595 = arith.constant 1 : i32
        %add3A_596 = arith.addi %mul3A_544, %add3A_595 : i32
        %get3A_597 = arith.index_cast %add3A_596 : i32 to index
        %get3A_598 = arith.constant 16 : index
        %get3A_599 = tpu.vector_load %arg13[%get3A_597, %get3A_598] {strides = array<i32>} : memref<320x128xf32, #tpu.memory_space<vmem>>, vector<16xf32>,
        %add3A_600 = arith.addf %get3A_594, %get3A_599 : vector<16xf32>
        %add3A_601 = arith.constant 2 : i32
        %add3A_602 = arith.addi %mul3A_544, %add3A_601 : i32
        %get3A_603 = arith.index_cast %add3A_602 : i32 to index
        %get3A_604 = arith.constant 16 : index
        %get3A_605 = tpu.vector_load %arg13[%get3A_603, %get3A_604] {strides = array<i32>} : memref<320x128xf32, #tpu.memory_space<vmem>>, vector<16xf32>,
        %add3A_606 = arith.addf %add3A_600, %get3A_605 : vector<16xf32>
        %add3A_607 = arith.constant 3 : i32
        %add3A_608 = arith.addi %mul3A_544, %add3A_607 : i32
        %get3A_609 = arith.index_cast %add3A_608 : i32 to index
        %get3A_610 = arith.constant 16 : index
        %get3A_611 = tpu.vector_load %arg13[%get3A_609, %get3A_610] {strides = array<i32>} : memref<320x128xf32, #tpu.memory_space<vmem>>, vector<16xf32>,
        %add3A_612 = arith.addf %add3A_606, %get3A_611 : vector<16xf32>
        %add3A_613 = arith.constant 4 : i32
        %add3A_614 = arith.addi %mul3A_544, %add3A_613 : i32
        %get3A_615 = arith.index_cast %add3A_614 : i32 to index
        %get3A_616 = arith.constant 16 : index
        %get3A_617 = tpu.vector_load %arg13[%get3A_615, %get3A_616] {strides = array<i32>} : memref<320x128xf32, #tpu.memory_space<vmem>>, vector<16xf32>,
        %add3A_618 = arith.addf %add3A_612, %get3A_617 : vector<16xf32>
        %add3A_619 = arith.constant 5 : i32
        %add3A_620 = arith.addi %mul3A_544, %add3A_619 : i32
        %get3A_621 = arith.index_cast %add3A_620 : i32 to index
        %get3A_622 = arith.constant 16 : index
        %get3A_623 = tpu.vector_load %arg13[%get3A_621, %get3A_622] {strides = array<i32>} : memref<320x128xf32, #tpu.memory_space<vmem>>, vector<16xf32>,
        %add3A_624 = arith.addf %add3A_618, %get3A_623 : vector<16xf32>
        %add3A_625 = arith.constant 6 : i32
        %add3A_626 = arith.addi %mul3A_544, %add3A_625 : i32
        %get3A_627 = arith.index_cast %add3A_626 : i32 to index
        %get3A_628 = arith.constant 16 : index
        %get3A_629 = tpu.vector_load %arg13[%get3A_627, %get3A_628] {strides = array<i32>} : memref<320x128xf32, #tpu.memory_space<vmem>>, vector<16xf32>,
        %add3A_630 = arith.addf %add3A_624, %get3A_629 : vector<16xf32>
        %add3A_631 = arith.constant 7 : i32
        %add3A_632 = arith.addi %mul3A_544, %add3A_631 : i32
        %get3A_633 = arith.index_cast %add3A_632 : i32 to index
        %get3A_634 = arith.constant 16 : index
        %get3A_635 = tpu.vector_load %arg13[%get3A_633, %get3A_634] {strides = array<i32>} : memref<320x128xf32, #tpu.memory_space<vmem>>, vector<16xf32>,
        %add3A_636 = arith.addf %add3A_630, %get3A_635 : vector<16xf32>
        %mul3A_637 = arith.mulf %add3A_636, %gather3A : vector<16xf32>
        %swap3A_638 = arith.index_cast %scan3A_542 : i32 to index
        %swap3A_639 = arith.constant 16 : index
        %swap3A_640 = tpu.vector_load %arg15[%swap3A_638, %swap3A_639] {strides = array<i32>} : memref<40x64xf32, #tpu.memory_space<vmem>>, vector<16xf32>,
        tpu.vector_store %arg15[%swap3A_638, %swap3A_639], %mul3A_637 {strides = array<i32>} : memref<40x64xf32, #tpu.memory_space<vmem>>, vector<16xf32>,
        %get3A_641 = arith.index_cast %mul3A_544 : i32 to index
        %get3A_642 = arith.constant 32 : index
        %get3A_643 = tpu.vector_load %arg13[%get3A_641, %get3A_642] {strides = array<i32>} : memref<320x128xf32, #tpu.memory_space<vmem>>, vector<16xf32>,
        %add3A_644 = arith.constant 1 : i32
        %add3A_645 = arith.addi %mul3A_544, %add3A_644 : i32
        %get3A_646 = arith.index_cast %add3A_645 : i32 to index
        %get3A_647 = arith.constant 32 : index
        %get3A_648 = tpu.vector_load %arg13[%get3A_646, %get3A_647] {strides = array<i32>} : memref<320x128xf32, #tpu.memory_space<vmem>>, vector<16xf32>,
        %add3A_649 = arith.addf %get3A_643, %get3A_648 : vector<16xf32>
        %add3A_650 = arith.constant 2 : i32
        %add3A_651 = arith.addi %mul3A_544, %add3A_650 : i32
        %get3A_652 = arith.index_cast %add3A_651 : i32 to index
        %get3A_653 = arith.constant 32 : index
        %get3A_654 = tpu.vector_load %arg13[%get3A_652, %get3A_653] {strides = array<i32>} : memref<320x128xf32, #tpu.memory_space<vmem>>, vector<16xf32>,
        %add3A_655 = arith.addf %add3A_649, %get3A_654 : vector<16xf32>
        %add3A_656 = arith.constant 3 : i32
        %add3A_657 = arith.addi %mul3A_544, %add3A_656 : i32
        %get3A_658 = arith.index_cast %add3A_657 : i32 to index
        %get3A_659 = arith.constant 32 : index
        %get3A_660 = tpu.vector_load %arg13[%get3A_658, %get3A_659] {strides = array<i32>} : memref<320x128xf32, #tpu.memory_space<vmem>>, vector<16xf32>,
        %add3A_661 = arith.addf %add3A_655, %get3A_660 : vector<16xf32>
        %add3A_662 = arith.constant 4 : i32
        %add3A_663 = arith.addi %mul3A_544, %add3A_662 : i32
        %get3A_664 = arith.index_cast %add3A_663 : i32 to index
        %get3A_665 = arith.constant 32 : index
        %get3A_666 = tpu.vector_load %arg13[%get3A_664, %get3A_665] {strides = array<i32>} : memref<320x128xf32, #tpu.memory_space<vmem>>, vector<16xf32>,
        %add3A_667 = arith.addf %add3A_661, %get3A_666 : vector<16xf32>
        %add3A_668 = arith.constant 5 : i32
        %add3A_669 = arith.addi %mul3A_544, %add3A_668 : i32
        %get3A_670 = arith.index_cast %add3A_669 : i32 to index
        %get3A_671 = arith.constant 32 : index
        %get3A_672 = tpu.vector_load %arg13[%get3A_670, %get3A_671] {strides = array<i32>} : memref<320x128xf32, #tpu.memory_space<vmem>>, vector<16xf32>,
        %add3A_673 = arith.addf %add3A_667, %get3A_672 : vector<16xf32>
        %add3A_674 = arith.constant 6 : i32
        %add3A_675 = arith.addi %mul3A_544, %add3A_674 : i32
        %get3A_676 = arith.index_cast %add3A_675 : i32 to index
        %get3A_677 = arith.constant 32 : index
        %get3A_678 = tpu.vector_load %arg13[%get3A_676, %get3A_677] {strides = array<i32>} : memref<320x128xf32, #tpu.memory_space<vmem>>, vector<16xf32>,
        %add3A_679 = arith.addf %add3A_673, %get3A_678 : vector<16xf32>
        %add3A_680 = arith.constant 7 : i32
        %add3A_681 = arith.addi %mul3A_544, %add3A_680 : i32
        %get3A_682 = arith.index_cast %add3A_681 : i32 to index
        %get3A_683 = arith.constant 32 : index
        %get3A_684 = tpu.vector_load %arg13[%get3A_682, %get3A_683] {strides = array<i32>} : memref<320x128xf32, #tpu.memory_space<vmem>>, vector<16xf32>,
        %add3A_685 = arith.addf %add3A_679, %get3A_684 : vector<16xf32>
        %mul3A_686 = arith.mulf %add3A_685, %gather3A : vector<16xf32>
        %swap3A_687 = arith.index_cast %scan3A_542 : i32 to index
        %swap3A_688 = arith.constant 32 : index
        %swap3A_689 = tpu.vector_load %arg15[%swap3A_687, %swap3A_688] {strides = array<i32>} : memref<40x64xf32, #tpu.memory_space<vmem>>, vector<16xf32>,
        tpu.vector_store %arg15[%swap3A_687, %swap3A_688], %mul3A_686 {strides = array<i32>} : memref<40x64xf32, #tpu.memory_space<vmem>>, vector<16xf32>,
        %get3A_690 = arith.index_cast %mul3A_544 : i32 to index
        %get3A_691 = arith.constant 48 : index
        %get3A_692 = tpu.vector_load %arg13[%get3A_690, %get3A_691] {strides = array<i32>} : memref<320x128xf32, #tpu.memory_space<vmem>>, vector<16xf32>,
        %add3A_693 = arith.constant 1 : i32
        %add3A_694 = arith.addi %mul3A_544, %add3A_693 : i32
        %get3A_695 = arith.index_cast %add3A_694 : i32 to index
        %get3A_696 = arith.constant 48 : index
        %get3A_697 = tpu.vector_load %arg13[%get3A_695, %get3A_696] {strides = array<i32>} : memref<320x128xf32, #tpu.memory_space<vmem>>, vector<16xf32>,
        %add3A_698 = arith.addf %get3A_692, %get3A_697 : vector<16xf32>
        %add3A_699 = arith.constant 2 : i32
        %add3A_700 = arith.addi %mul3A_544, %add3A_699 : i32
        %get3A_701 = arith.index_cast %add3A_700 : i32 to index
        %get3A_702 = arith.constant 48 : index
        %get3A_703 = tpu.vector_load %arg13[%get3A_701, %get3A_702] {strides = array<i32>} : memref<320x128xf32, #tpu.memory_space<vmem>>, vector<16xf32>,
        %add3A_704 = arith.addf %add3A_698, %get3A_703 : vector<16xf32>
        %add3A_705 = arith.constant 3 : i32
        %add3A_706 = arith.addi %mul3A_544, %add3A_705 : i32
        %get3A_707 = arith.index_cast %add3A_706 : i32 to index
        %get3A_708 = arith.constant 48 : index
        %get3A_709 = tpu.vector_load %arg13[%get3A_707, %get3A_708] {strides = array<i32>} : memref<320x128xf32, #tpu.memory_space<vmem>>, vector<16xf32>,
        %add3A_710 = arith.addf %add3A_704, %get3A_709 : vector<16xf32>
        %add3A_711 = arith.constant 4 : i32
        %add3A_712 = arith.addi %mul3A_544, %add3A_711 : i32
        %get3A_713 = arith.index_cast %add3A_712 : i32 to index
        %get3A_714 = arith.constant 48 : index
        %get3A_715 = tpu.vector_load %arg13[%get3A_713, %get3A_714] {strides = array<i32>} : memref<320x128xf32, #tpu.memory_space<vmem>>, vector<16xf32>,
        %add3A_716 = arith.addf %add3A_710, %get3A_715 : vector<16xf32>
        %add3A_717 = arith.constant 5 : i32
        %add3A_718 = arith.addi %mul3A_544, %add3A_717 : i32
        %get3A_719 = arith.index_cast %add3A_718 : i32 to index
        %get3A_720 = arith.constant 48 : index
        %get3A_721 = tpu.vector_load %arg13[%get3A_719, %get3A_720] {strides = array<i32>} : memref<320x128xf32, #tpu.memory_space<vmem>>, vector<16xf32>,
        %add3A_722 = arith.addf %add3A_716, %get3A_721 : vector<16xf32>
        %add3A_723 = arith.constant 6 : i32
        %add3A_724 = arith.addi %mul3A_544, %add3A_723 : i32
        %get3A_725 = arith.index_cast %add3A_724 : i32 to index
        %get3A_726 = arith.constant 48 : index
        %get3A_727 = tpu.vector_load %arg13[%get3A_725, %get3A_726] {strides = array<i32>} : memref<320x128xf32, #tpu.memory_space<vmem>>, vector<16xf32>,
        %add3A_728 = arith.addf %add3A_722, %get3A_727 : vector<16xf32>
        %add3A_729 = arith.constant 7 : i32
        %add3A_730 = arith.addi %mul3A_544, %add3A_729 : i32
        %get3A_731 = arith.index_cast %add3A_730 : i32 to index
        %get3A_732 = arith.constant 48 : index
        %get3A_733 = tpu.vector_load %arg13[%get3A_731, %get3A_732] {strides = array<i32>} : memref<320x128xf32, #tpu.memory_space<vmem>>, vector<16xf32>,
        %add3A_734 = arith.addf %add3A_728, %get3A_733 : vector<16xf32>
        %mul3A_735 = arith.mulf %add3A_734, %gather3A : vector<16xf32>
        %swap3A_736 = arith.index_cast %scan3A_542 : i32 to index
        %swap3A_737 = arith.constant 48 : index
        %swap3A_738 = tpu.vector_load %arg15[%swap3A_736, %swap3A_737] {strides = array<i32>} : memref<40x64xf32, #tpu.memory_space<vmem>>, vector<16xf32>,
        tpu.vector_store %arg15[%swap3A_736, %swap3A_737], %mul3A_735 {strides = array<i32>} : memref<40x64xf32, #tpu.memory_space<vmem>>, vector<16xf32>,
      }
      %scan3A_536 = arith.constant 40 : i32
      %mul3A_537 = arith.constant 32 : i32
      %mul3A_538 = arith.muli %add3A_410, %mul3A_537 : i32
      %add3A_539 = arith.addi %add3A, %mul3A_538 : i32
      %mul3A_540 = arith.constant 40 : i32
      %mul3A_541 = arith.muli %add3A_539, %mul3A_540 : i32
      "tpu.region"() ({
        %run_scoped3A = tpu.sem_alloc : memref<!tpu.dma_semaphore, #tpu.memory_space<semaphore_mem>>
        %dma_start3A_542 = arith.constant 0 : i32
        %dma_start3A_543 = tpu.memref_slice %arg5[%mul3A_541, %dma_start3A_542] : memref<100000x64xf32, #tpu.memory_space<hbm>> -> memref<40x64xf32, #tpu.memory_space<hbm>>
        %dma_start3A_544 = arith.constant 0 : i32
        %dma_start3A_545 = tpu.memref_slice %arg5[%mul3A_541, %dma_start3A_544] : memref<100000x64xf32, #tpu.memory_space<hbm>> -> memref<40x64xf32, #tpu.memory_space<hbm>>
        tpu.enqueue_dma source(%arg15 : memref<40x64xf32, #tpu.memory_space<vmem>>) target(%dma_start3A_545 : memref<40x64xf32, #tpu.memory_space<hbm>>) target_semaphore(%run_scoped3A : memref<!tpu.dma_semaphore, #tpu.memory_space<semaphore_mem>>)
        %dma_wait3A_546 = arith.constant 0 : i32
        %dma_wait3A_547 = tpu.memref_slice %arg5[%mul3A_541, %dma_wait3A_546] : memref<100000x64xf32, #tpu.memory_space<hbm>> -> memref<40x64xf32, #tpu.memory_space<hbm>>
        %dma_wait3A_548 = arith.constant 0 : i32
        %dma_wait3A_549 = tpu.memref_slice %arg5[%mul3A_541, %dma_wait3A_548] : memref<100000x64xf32, #tpu.memory_space<hbm>> -> memref<40x64xf32, #tpu.memory_space<hbm>>
        tpu.wait_dma2 semaphore(%run_scoped3A : memref<!tpu.dma_semaphore, #tpu.memory_space<semaphore_mem>>) src(%arg15 : memref<40x64xf32, #tpu.memory_space<vmem>>) dst(%dma_wait3A_549 : memref<40x64xf32, #tpu.memory_space<hbm>>)
        tpu.yield
      }) : () -> ()
    }
    %scan3A_97 = arith.constant 39 : i32
    %add3A_98 = arith.constant 78 : i32
    %add3A_99 = arith.constant 1 : i32
    %add3A_100 = arith.addi %add3A_98, %add3A_99 : i32
    %mul3A_101 = arith.constant 32 : i32
    %mul3A_102 = arith.muli %add3A_100, %mul3A_101 : i32
    %add3A_103 = arith.addi %add3A, %mul3A_102 : i32
    %min3A_104 = arith.constant 2499 : i32
    %min3A_105 = arith.minsi %add3A_103, %min3A_104 : i32
    %mul3A_106 = arith.constant 320 : i32
    %mul3A_107 = arith.muli %min3A_105, %mul3A_106 : i32
    %dma_wait3A_108 = tpu.memref_slice %arg3[%mul3A_107] : memref<800000xi32, #tpu.memory_space<hbm>> -> memref<320xi32, #tpu.memory_space<hbm>>
    %dma_wait3A_109 = tpu.memref_slice %arg3[%mul3A_107] : memref<800000xi32, #tpu.memory_space<hbm>> -> memref<320xi32, #tpu.memory_space<hbm>>
    tpu.wait_dma2 semaphore(%arg17 : memref<!tpu.dma_semaphore, #tpu.memory_space<semaphore_mem>>) src(%dma_wait3A_109 : memref<320xi32, #tpu.memory_space<hbm>>) dst(%arg7 : memref<320xi32, #tpu.memory_space<vmem>>)
    %mul3A_110 = arith.constant 40 : i32
    %mul3A_111 = arith.muli %min3A_105, %mul3A_110 : i32
    %dma_wait3A_112 = tpu.memref_slice %arg4[%mul3A_111] : memref<100000xi32, #tpu.memory_space<hbm>> -> memref<40xi32, #tpu.memory_space<hbm>>
    %dma_wait3A_113 = tpu.memref_slice %arg4[%mul3A_111] : memref<100000xi32, #tpu.memory_space<hbm>> -> memref<40xi32, #tpu.memory_space<hbm>>
    tpu.wait_dma2 semaphore(%arg17 : memref<!tpu.dma_semaphore, #tpu.memory_space<semaphore_mem>>) src(%dma_wait3A_113 : memref<40xi32, #tpu.memory_space<hbm>>) dst(%arg9 : memref<40xi32, #tpu.memory_space<vmem>>)
    %scan3A_114 = arith.constant 0 : i32
    %scan3A_115 = arith.constant 0 : i32
    %scan3A_116 = arith.constant 20 : i32
    %scan3A_117 = arith.addi %scan3A_115, %scan3A_116 : i32
    %scan3A_118 = arith.constant 1 : i32
    scf.for %scan3A_275 = %scan3A_115 to %scan3A_117 step %scan3A_118  : i32 {
      %iota3A = tpu.iota {dimensions = array<i32: 0>} : vector<16xi32>
      %jit3A = arith.constant 8 : i32
      %eq3A = arith.constant 0 : i32
      %eq3A_276 = arith.cmpi eq, %jit3A, %eq3A : i32
      %jit3A_277 = arith.constant 1 : i32
      %select_n3A = arith.select %eq3A_276, %jit3A_277, %jit3A : i32
      %rem3A = vector.broadcast %select_n3A : i32 to vector<16xi32>
      %rem3A_278 = arith.remsi %iota3A, %rem3A : vector<16xi32>
      %ne3A = arith.constant 0 : i32
      %ne3A_279 = vector.broadcast %ne3A : i32 to vector<16xi32>
      %ne3A_280 = arith.cmpi ne, %rem3A_278, %ne3A_279 : vector<16xi32>
      %lt3A_281 = arith.constant 0 : i32
      %lt3A_282 = vector.broadcast %lt3A_281 : i32 to vector<16xi32>
      %lt3A_283 = arith.cmpi slt, %rem3A_278, %lt3A_282 : vector<16xi32>
      %lt3A_284 = arith.constant 0 : i32
      %lt3A_285 = arith.cmpi slt, %select_n3A, %lt3A_284 : i32
      %ne3A_286 = vector.broadcast %lt3A_285 : i1 to vector<16xi1>
      %ne3A_287 = vector.broadcast %ne3A_286 : vector<16xi1> to vector<16xi1>
      %ne3A_288 = arith.xori %lt3A_283, %ne3A_287 : vector<16xi1>
      %and3A = arith.andi %ne3A_288, %ne3A_280 : vector<16xi1>
      %add3A_289 = vector.broadcast %select_n3A : i32 to vector<16xi32>
      %add3A_290 = arith.addi %rem3A_278, %add3A_289 : vector<16xi32>
      %select_n3A_291 = arith.select %and3A, %add3A_290, %rem3A_278 : vector<16xi1>, vector<16xi32>
      %iota3A_292 = tpu.iota {dimensions = array<i32: 0>} : vector<16xi32>
      %jit3A_293 = arith.constant 8 : i32
      %div3A = vector.broadcast %jit3A_293 : i32 to vector<16xi32>
      %div3A_294 = arith.divsi %iota3A_292, %div3A : vector<16xi32>
      %sign3A = arith.constant 0 : i32
      %sign3A_295 = vector.broadcast %sign3A : i32 to vector<16xi32>
      %sign3A_296 = arith.cmpi sgt, %iota3A_292, %sign3A_295 : vector<16xi32>
      %sign3A_297 = arith.extui %sign3A_296 : vector<16xi1> to vector<16xi32>
      %sign3A_298 = arith.constant 0 : i32
      %sign3A_299 = vector.broadcast %sign3A_298 : i32 to vector<16xi32>
      %sign3A_300 = arith.cmpi slt, %iota3A_292, %sign3A_299 : vector<16xi32>
      %sign3A_301 = arith.extui %sign3A_300 : vector<16xi1> to vector<16xi32>
      %sign3A_302 = arith.subi %sign3A_297, %sign3A_301 : vector<16xi32>
      %sign3A_303 = arith.constant 0 : i32
      %sign3A_304 = arith.cmpi sgt, %jit3A_293, %sign3A_303 : i32
      %sign3A_305 = arith.extui %sign3A_304 : i1 to i32
      %sign3A_306 = arith.constant 0 : i32
      %sign3A_307 = arith.cmpi slt, %jit3A_293, %sign3A_306 : i32
      %sign3A_308 = arith.extui %sign3A_307 : i1 to i32
      %sign3A_309 = arith.subi %sign3A_305, %sign3A_308 : i32
      %ne3A_310 = vector.broadcast %sign3A_309 : i32 to vector<16xi32>
      %ne3A_311 = arith.cmpi ne, %sign3A_302, %ne3A_310 : vector<16xi32>
      %rem3A_312 = vector.broadcast %jit3A_293 : i32 to vector<16xi32>
      %rem3A_313 = arith.remsi %iota3A_292, %rem3A_312 : vector<16xi32>
      %ne3A_314 = arith.constant 0 : i32
      %ne3A_315 = vector.broadcast %ne3A_314 : i32 to vector<16xi32>
      %ne3A_316 = arith.cmpi ne, %rem3A_313, %ne3A_315 : vector<16xi32>
      %and3A_317 = arith.andi %ne3A_311, %ne3A_316 : vector<16xi1>
      %sub3A = arith.constant 1 : i32
      %sub3A_318 = vector.broadcast %sub3A : i32 to vector<16xi32>
      %sub3A_319 = arith.subi %div3A_294, %sub3A_318 : vector<16xi32>
      %select_n3A_320 = arith.select %and3A_317, %sub3A_319, %div3A_294 : vector<16xi1>, vector<16xi32>
      %broadcast_in_dim3A = arith.constant 32000 : i32
      %broadcast_in_dim3A_321 = vector.broadcast %broadcast_in_dim3A : i32 to vector<16xi32>
      %mul3A_322 = arith.constant 16 : i32
      %mul3A_323 = arith.muli %scan3A_275, %mul3A_322 : i32
      %get3A = arith.index_cast %mul3A_323 : i32 to index
      %get3A_324 = tpu.vector_load %arg7[%get3A] {strides = array<i32>} : memref<320xi32, #tpu.memory_space<vmem>>, vector<16xi32>,
      %mul3A_325 = arith.constant 2 : i32
      %mul3A_326 = arith.muli %scan3A_275, %mul3A_325 : i32
      %add3A_327 = vector.broadcast %mul3A_326 : i32 to vector<16xi32>
      %add3A_328 = arith.addi %add3A_327, %select_n3A_320 : vector<16xi32>
      %gather3A = tpu.vector_load_idx %arg9[%add3A_328] : memref<40xi32, #tpu.memory_space<vmem>>[vector<16xi32>], vector<16xi32>,
      %lt3A_329 = arith.cmpi slt, %select_n3A_291, %gather3A : vector<16xi32>
      %select_n3A_330 = arith.select %lt3A_329, %get3A_324, %broadcast_in_dim3A_321 : vector<16xi1>, vector<16xi32>
      %mul3A_331 = arith.constant 16 : i32
      %mul3A_332 = arith.muli %scan3A_275, %mul3A_331 : i32
      %swap3A = arith.index_cast %mul3A_332 : i32 to index
      %swap3A_333 = tpu.vector_load %arg7[%swap3A] {strides = array<i32>} : memref<320xi32, #tpu.memory_space<vmem>>, vector<16xi32>,
      tpu.vector_store %arg7[%swap3A], %select_n3A_330 {strides = array<i32>} : memref<320xi32, #tpu.memory_space<vmem>>, vector<16xi32>,
    }
    %scan3A_119 = arith.constant 20 : i32
    %scan3A_120 = arith.constant 0 : i32
    %scan3A_121 = arith.constant 0 : i32
    %scan3A_122 = arith.constant 2 : i32
    %scan3A_123 = arith.addi %scan3A_121, %scan3A_122 : i32
    %scan3A_124 = arith.constant 1 : i32
    scf.for %scan3A_275 = %scan3A_121 to %scan3A_123 step %scan3A_124  : i32 {
      %mul3A_276 = arith.constant 16 : i32
      %mul3A_277 = arith.muli %scan3A_275, %mul3A_276 : i32
      %get3A = arith.index_cast %mul3A_277 : i32 to index
      %get3A_278 = tpu.vector_load %arg9[%get3A] {strides = array<i32>} : memref<40xi32, #tpu.memory_space<vmem>>, vector<16xi32>,
      %convert_element_type3A_279 = arith.sitofp %get3A_278 : vector<16xi32> to vector<16xf32>
      %div3A = arith.constant 1.000000e+00 : f32
      %div3A_280 = vector.broadcast %div3A : f32 to vector<16xf32>
      %div3A_281 = arith.divf %div3A_280, %convert_element_type3A_279 : vector<16xf32>
      %mul3A_282 = arith.constant 16 : i32
      %mul3A_283 = arith.muli %scan3A_275, %mul3A_282 : i32
      %swap3A = arith.index_cast %mul3A_283 : i32 to index
      %swap3A_284 = tpu.vector_load %arg11[%swap3A] {strides = array<i32>} : memref<40xf32, #tpu.memory_space<vmem>>, vector<16xf32>,
      tpu.vector_store %arg11[%swap3A], %div3A_281 {strides = array<i32>} : memref<40xf32, #tpu.memory_space<vmem>>, vector<16xf32>,
    }
    %scan3A_125 = arith.constant 2 : i32
    %dma_wait3A_126 = arith.constant 0 : i32
    %dma_wait3A_127 = arith.constant 0 : i32
    %dma_wait3A_128 = tpu.memref_slice %arg12[%dma_wait3A_126, %dma_wait3A_127] : memref<320x128xf32, #tpu.memory_space<vmem>> -> memref<64x128xf32, #tpu.memory_space<vmem>>
    %dma_wait3A_129 = arith.constant 0 : i32
    %dma_wait3A_130 = tpu.memref_slice %arg6[%dma_wait3A_129] : memref<320xi32, #tpu.memory_space<vmem>> -> memref<64xi32, #tpu.memory_space<vmem>>
    %dma_wait3A_131 = arith.constant 0 : i32
    %dma_wait3A_132 = arith.constant 0 : i32
    %dma_wait3A_133 = tpu.memref_slice %arg2[%dma_wait3A_131, %dma_wait3A_132] : memref<32008x128xf32, #tpu.memory_space<hbm>> -> memref<32008x128xf32, #tpu.memory_space<hbm>>
    tpu.wait_indirect_dma semaphore(%arg18 : memref<!tpu.dma_semaphore, #tpu.memory_space<semaphore_mem>>) src(%dma_wait3A_133 : memref<32008x128xf32, #tpu.memory_space<hbm>>) dst(%dma_wait3A_128 : memref<64x128xf32, #tpu.memory_space<vmem>>)
    %dma_wait3A_134 = arith.constant 64 : i32
    %dma_wait3A_135 = arith.constant 0 : i32
    %dma_wait3A_136 = tpu.memref_slice %arg12[%dma_wait3A_134, %dma_wait3A_135] : memref<320x128xf32, #tpu.memory_space<vmem>> -> memref<64x128xf32, #tpu.memory_space<vmem>>
    %dma_wait3A_137 = arith.constant 64 : i32
    %dma_wait3A_138 = tpu.memref_slice %arg6[%dma_wait3A_137] : memref<320xi32, #tpu.memory_space<vmem>> -> memref<64xi32, #tpu.memory_space<vmem>>
    %dma_wait3A_139 = arith.constant 0 : i32
    %dma_wait3A_140 = arith.constant 0 : i32
    %dma_wait3A_141 = tpu.memref_slice %arg2[%dma_wait3A_139, %dma_wait3A_140] : memref<32008x128xf32, #tpu.memory_space<hbm>> -> memref<32008x128xf32, #tpu.memory_space<hbm>>
    tpu.wait_indirect_dma semaphore(%arg19 : memref<!tpu.dma_semaphore, #tpu.memory_space<semaphore_mem>>) src(%dma_wait3A_141 : memref<32008x128xf32, #tpu.memory_space<hbm>>) dst(%dma_wait3A_136 : memref<64x128xf32, #tpu.memory_space<vmem>>)
    %dma_wait3A_142 = arith.constant 128 : i32
    %dma_wait3A_143 = arith.constant 0 : i32
    %dma_wait3A_144 = tpu.memref_slice %arg12[%dma_wait3A_142, %dma_wait3A_143] : memref<320x128xf32, #tpu.memory_space<vmem>> -> memref<64x128xf32, #tpu.memory_space<vmem>>
    %dma_wait3A_145 = arith.constant 128 : i32
    %dma_wait3A_146 = tpu.memref_slice %arg6[%dma_wait3A_145] : memref<320xi32, #tpu.memory_space<vmem>> -> memref<64xi32, #tpu.memory_space<vmem>>
    %dma_wait3A_147 = arith.constant 0 : i32
    %dma_wait3A_148 = arith.constant 0 : i32
    %dma_wait3A_149 = tpu.memref_slice %arg2[%dma_wait3A_147, %dma_wait3A_148] : memref<32008x128xf32, #tpu.memory_space<hbm>> -> memref<32008x128xf32, #tpu.memory_space<hbm>>
    tpu.wait_indirect_dma semaphore(%arg20 : memref<!tpu.dma_semaphore, #tpu.memory_space<semaphore_mem>>) src(%dma_wait3A_149 : memref<32008x128xf32, #tpu.memory_space<hbm>>) dst(%dma_wait3A_144 : memref<64x128xf32, #tpu.memory_space<vmem>>)
    %dma_wait3A_150 = arith.constant 192 : i32
    %dma_wait3A_151 = arith.constant 0 : i32
    %dma_wait3A_152 = tpu.memref_slice %arg12[%dma_wait3A_150, %dma_wait3A_151] : memref<320x128xf32, #tpu.memory_space<vmem>> -> memref<64x128xf32, #tpu.memory_space<vmem>>
    %dma_wait3A_153 = arith.constant 192 : i32
    %dma_wait3A_154 = tpu.memref_slice %arg6[%dma_wait3A_153] : memref<320xi32, #tpu.memory_space<vmem>> -> memref<64xi32, #tpu.memory_space<vmem>>
    %dma_wait3A_155 = arith.constant 0 : i32
    %dma_wait3A_156 = arith.constant 0 : i32
    %dma_wait3A_157 = tpu.memref_slice %arg2[%dma_wait3A_155, %dma_wait3A_156] : memref<32008x128xf32, #tpu.memory_space<hbm>> -> memref<32008x128xf32, #tpu.memory_space<hbm>>
    tpu.wait_indirect_dma semaphore(%arg21 : memref<!tpu.dma_semaphore, #tpu.memory_space<semaphore_mem>>) src(%dma_wait3A_157 : memref<32008x128xf32, #tpu.memory_space<hbm>>) dst(%dma_wait3A_152 : memref<64x128xf32, #tpu.memory_space<vmem>>)
    %dma_wait3A_158 = arith.constant 256 : i32
    %dma_wait3A_159 = arith.constant 0 : i32
    %dma_wait3A_160 = tpu.memref_slice %arg12[%dma_wait3A_158, %dma_wait3A_159] : memref<320x128xf32, #tpu.memory_space<vmem>> -> memref<64x128xf32, #tpu.memory_space<vmem>>
    %dma_wait3A_161 = arith.constant 256 : i32
    %dma_wait3A_162 = tpu.memref_slice %arg6[%dma_wait3A_161] : memref<320xi32, #tpu.memory_space<vmem>> -> memref<64xi32, #tpu.memory_space<vmem>>
    %dma_wait3A_163 = arith.constant 0 : i32
    %dma_wait3A_164 = arith.constant 0 : i32
    %dma_wait3A_165 = tpu.memref_slice %arg2[%dma_wait3A_163, %dma_wait3A_164] : memref<32008x128xf32, #tpu.memory_space<hbm>> -> memref<32008x128xf32, #tpu.memory_space<hbm>>
    tpu.wait_indirect_dma semaphore(%arg22 : memref<!tpu.dma_semaphore, #tpu.memory_space<semaphore_mem>>) src(%dma_wait3A_165 : memref<32008x128xf32, #tpu.memory_space<hbm>>) dst(%dma_wait3A_160 : memref<64x128xf32, #tpu.memory_space<vmem>>)
    %dma_start3A_166 = arith.constant 0 : i32
    %dma_start3A_167 = arith.constant 0 : i32
    %dma_start3A_168 = tpu.memref_slice %arg13[%dma_start3A_166, %dma_start3A_167] : memref<320x128xf32, #tpu.memory_space<vmem>> -> memref<64x128xf32, #tpu.memory_space<vmem>>
    %dma_start3A_169 = arith.constant 0 : i32
    %dma_start3A_170 = tpu.memref_slice %arg7[%dma_start3A_169] : memref<320xi32, #tpu.memory_space<vmem>> -> memref<64xi32, #tpu.memory_space<vmem>>
    %dma_start3A_171 = arith.constant 0 : i32
    %dma_start3A_172 = arith.constant 0 : i32
    %dma_start3A_173 = tpu.memref_slice %arg2[%dma_start3A_171, %dma_start3A_172] : memref<32008x128xf32, #tpu.memory_space<hbm>> -> memref<32008x128xf32, #tpu.memory_space<hbm>>
    tpu.enqueue_indirect_dma source(%dma_start3A_173 : memref<32008x128xf32, #tpu.memory_space<hbm>>) target(%dma_start3A_168 : memref<64x128xf32, #tpu.memory_space<vmem>>) offsets(%dma_start3A_170 : memref<64xi32, #tpu.memory_space<vmem>>) semaphore(%arg23 : memref<!tpu.dma_semaphore, #tpu.memory_space<semaphore_mem>>)
    %dma_start3A_174 = arith.constant 64 : i32
    %dma_start3A_175 = arith.constant 0 : i32
    %dma_start3A_176 = tpu.memref_slice %arg13[%dma_start3A_174, %dma_start3A_175] : memref<320x128xf32, #tpu.memory_space<vmem>> -> memref<64x128xf32, #tpu.memory_space<vmem>>
    %dma_start3A_177 = arith.constant 64 : i32
    %dma_start3A_178 = tpu.memref_slice %arg7[%dma_start3A_177] : memref<320xi32, #tpu.memory_space<vmem>> -> memref<64xi32, #tpu.memory_space<vmem>>
    %dma_start3A_179 = arith.constant 0 : i32
    %dma_start3A_180 = arith.constant 0 : i32
    %dma_start3A_181 = tpu.memref_slice %arg2[%dma_start3A_179, %dma_start3A_180] : memref<32008x128xf32, #tpu.memory_space<hbm>> -> memref<32008x128xf32, #tpu.memory_space<hbm>>
    tpu.enqueue_indirect_dma source(%dma_start3A_181 : memref<32008x128xf32, #tpu.memory_space<hbm>>) target(%dma_start3A_176 : memref<64x128xf32, #tpu.memory_space<vmem>>) offsets(%dma_start3A_178 : memref<64xi32, #tpu.memory_space<vmem>>) semaphore(%arg24 : memref<!tpu.dma_semaphore, #tpu.memory_space<semaphore_mem>>)
    %dma_start3A_182 = arith.constant 128 : i32
    %dma_start3A_183 = arith.constant 0 : i32
    %dma_start3A_184 = tpu.memref_slice %arg13[%dma_start3A_182, %dma_start3A_183] : memref<320x128xf32, #tpu.memory_space<vmem>> -> memref<64x128xf32, #tpu.memory_space<vmem>>
    %dma_start3A_185 = arith.constant 128 : i32
    %dma_start3A_186 = tpu.memref_slice %arg7[%dma_start3A_185] : memref<320xi32, #tpu.memory_space<vmem>> -> memref<64xi32, #tpu.memory_space<vmem>>
    %dma_start3A_187 = arith.constant 0 : i32
    %dma_start3A_188 = arith.constant 0 : i32
    %dma_start3A_189 = tpu.memref_slice %arg2[%dma_start3A_187, %dma_start3A_188] : memref<32008x128xf32, #tpu.memory_space<hbm>> -> memref<32008x128xf32, #tpu.memory_space<hbm>>
    tpu.enqueue_indirect_dma source(%dma_start3A_189 : memref<32008x128xf32, #tpu.memory_space<hbm>>) target(%dma_start3A_184 : memref<64x128xf32, #tpu.memory_space<vmem>>) offsets(%dma_start3A_186 : memref<64xi32, #tpu.memory_space<vmem>>) semaphore(%arg25 : memref<!tpu.dma_semaphore, #tpu.memory_space<semaphore_mem>>)
    %dma_start3A_190 = arith.constant 192 : i32
    %dma_start3A_191 = arith.constant 0 : i32
    %dma_start3A_192 = tpu.memref_slice %arg13[%dma_start3A_190, %dma_start3A_191] : memref<320x128xf32, #tpu.memory_space<vmem>> -> memref<64x128xf32, #tpu.memory_space<vmem>>
    %dma_start3A_193 = arith.constant 192 : i32
    %dma_start3A_194 = tpu.memref_slice %arg7[%dma_start3A_193] : memref<320xi32, #tpu.memory_space<vmem>> -> memref<64xi32, #tpu.memory_space<vmem>>
    %dma_start3A_195 = arith.constant 0 : i32
    %dma_start3A_196 = arith.constant 0 : i32
    %dma_start3A_197 = tpu.memref_slice %arg2[%dma_start3A_195, %dma_start3A_196] : memref<32008x128xf32, #tpu.memory_space<hbm>> -> memref<32008x128xf32, #tpu.memory_space<hbm>>
    tpu.enqueue_indirect_dma source(%dma_start3A_197 : memref<32008x128xf32, #tpu.memory_space<hbm>>) target(%dma_start3A_192 : memref<64x128xf32, #tpu.memory_space<vmem>>) offsets(%dma_start3A_194 : memref<64xi32, #tpu.memory_space<vmem>>) semaphore(%arg26 : memref<!tpu.dma_semaphore, #tpu.memory_space<semaphore_mem>>)
    %dma_start3A_198 = arith.constant 256 : i32
    %dma_start3A_199 = arith.constant 0 : i32
    %dma_start3A_200 = tpu.memref_slice %arg13[%dma_start3A_198, %dma_start3A_199] : memref<320x128xf32, #tpu.memory_space<vmem>> -> memref<64x128xf32, #tpu.memory_space<vmem>>
    %dma_start3A_201 = arith.constant 256 : i32
    %dma_start3A_202 = tpu.memref_slice %arg7[%dma_start3A_201] : memref<320xi32, #tpu.memory_space<vmem>> -> memref<64xi32, #tpu.memory_space<vmem>>
    %dma_start3A_203 = arith.constant 0 : i32
    %dma_start3A_204 = arith.constant 0 : i32
    %dma_start3A_205 = tpu.memref_slice %arg2[%dma_start3A_203, %dma_start3A_204] : memref<32008x128xf32, #tpu.memory_space<hbm>> -> memref<32008x128xf32, #tpu.memory_space<hbm>>
    tpu.enqueue_indirect_dma source(%dma_start3A_205 : memref<32008x128xf32, #tpu.memory_space<hbm>>) target(%dma_start3A_200 : memref<64x128xf32, #tpu.memory_space<vmem>>) offsets(%dma_start3A_202 : memref<64xi32, #tpu.memory_space<vmem>>) semaphore(%arg27 : memref<!tpu.dma_semaphore, #tpu.memory_space<semaphore_mem>>)
    %scan3A_206 = arith.constant 0 : i32
    %scan3A_207 = arith.constant 0 : i32
    %scan3A_208 = arith.constant 40 : i32
    %scan3A_209 = arith.addi %scan3A_207, %scan3A_208 : i32
    %scan3A_210 = arith.constant 1 : i32
    scf.for %scan3A_275 = %scan3A_207 to %scan3A_209 step %scan3A_210  : i32 {
      %mul3A_276 = arith.constant 8 : i32
      %mul3A_277 = arith.muli %scan3A_275, %mul3A_276 : i32
      %broadcast_in_dim3A = vector.broadcast %scan3A_275 : i32 to vector<16xi32>
      %gather3A = tpu.vector_load_idx %arg10[%broadcast_in_dim3A] : memref<40xf32, #tpu.memory_space<vmem>>[vector<16xi32>], vector<16xf32>,
      %get3A = arith.index_cast %mul3A_277 : i32 to index
      %get3A_278 = arith.constant 0 : index
      %get3A_279 = tpu.vector_load %arg12[%get3A, %get3A_278] {strides = array<i32>} : memref<320x128xf32, #tpu.memory_space<vmem>>, vector<16xf32>,
      %add3A_280 = arith.constant 1 : i32
      %add3A_281 = arith.addi %mul3A_277, %add3A_280 : i32
      %get3A_282 = arith.index_cast %add3A_281 : i32 to index
      %get3A_283 = arith.constant 0 : index
      %get3A_284 = tpu.vector_load %arg12[%get3A_282, %get3A_283] {strides = array<i32>} : memref<320x128xf32, #tpu.memory_space<vmem>>, vector<16xf32>,
      %add3A_285 = arith.addf %get3A_279, %get3A_284 : vector<16xf32>
      %add3A_286 = arith.constant 2 : i32
      %add3A_287 = arith.addi %mul3A_277, %add3A_286 : i32
      %get3A_288 = arith.index_cast %add3A_287 : i32 to index
      %get3A_289 = arith.constant 0 : index
      %get3A_290 = tpu.vector_load %arg12[%get3A_288, %get3A_289] {strides = array<i32>} : memref<320x128xf32, #tpu.memory_space<vmem>>, vector<16xf32>,
      %add3A_291 = arith.addf %add3A_285, %get3A_290 : vector<16xf32>
      %add3A_292 = arith.constant 3 : i32
      %add3A_293 = arith.addi %mul3A_277, %add3A_292 : i32
      %get3A_294 = arith.index_cast %add3A_293 : i32 to index
      %get3A_295 = arith.constant 0 : index
      %get3A_296 = tpu.vector_load %arg12[%get3A_294, %get3A_295] {strides = array<i32>} : memref<320x128xf32, #tpu.memory_space<vmem>>, vector<16xf32>,
      %add3A_297 = arith.addf %add3A_291, %get3A_296 : vector<16xf32>
      %add3A_298 = arith.constant 4 : i32
      %add3A_299 = arith.addi %mul3A_277, %add3A_298 : i32
      %get3A_300 = arith.index_cast %add3A_299 : i32 to index
      %get3A_301 = arith.constant 0 : index
      %get3A_302 = tpu.vector_load %arg12[%get3A_300, %get3A_301] {strides = array<i32>} : memref<320x128xf32, #tpu.memory_space<vmem>>, vector<16xf32>,
      %add3A_303 = arith.addf %add3A_297, %get3A_302 : vector<16xf32>
      %add3A_304 = arith.constant 5 : i32
      %add3A_305 = arith.addi %mul3A_277, %add3A_304 : i32
      %get3A_306 = arith.index_cast %add3A_305 : i32 to index
      %get3A_307 = arith.constant 0 : index
      %get3A_308 = tpu.vector_load %arg12[%get3A_306, %get3A_307] {strides = array<i32>} : memref<320x128xf32, #tpu.memory_space<vmem>>, vector<16xf32>,
      %add3A_309 = arith.addf %add3A_303, %get3A_308 : vector<16xf32>
      %add3A_310 = arith.constant 6 : i32
      %add3A_311 = arith.addi %mul3A_277, %add3A_310 : i32
      %get3A_312 = arith.index_cast %add3A_311 : i32 to index
      %get3A_313 = arith.constant 0 : index
      %get3A_314 = tpu.vector_load %arg12[%get3A_312, %get3A_313] {strides = array<i32>} : memref<320x128xf32, #tpu.memory_space<vmem>>, vector<16xf32>,
      %add3A_315 = arith.addf %add3A_309, %get3A_314 : vector<16xf32>
      %add3A_316 = arith.constant 7 : i32
      %add3A_317 = arith.addi %mul3A_277, %add3A_316 : i32
      %get3A_318 = arith.index_cast %add3A_317 : i32 to index
      %get3A_319 = arith.constant 0 : index
      %get3A_320 = tpu.vector_load %arg12[%get3A_318, %get3A_319] {strides = array<i32>} : memref<320x128xf32, #tpu.memory_space<vmem>>, vector<16xf32>,
      %add3A_321 = arith.addf %add3A_315, %get3A_320 : vector<16xf32>
      %mul3A_322 = arith.mulf %add3A_321, %gather3A : vector<16xf32>
      %swap3A = arith.index_cast %scan3A_275 : i32 to index
      %swap3A_323 = arith.constant 0 : index
      %swap3A_324 = tpu.vector_load %arg14[%swap3A, %swap3A_323] {strides = array<i32>} : memref<40x64xf32, #tpu.memory_space<vmem>>, vector<16xf32>,
      tpu.vector_store %arg14[%swap3A, %swap3A_323], %mul3A_322 {strides = array<i32>} : memref<40x64xf32, #tpu.memory_space<vmem>>, vector<16xf32>,
      %get3A_325 = arith.index_cast %mul3A_277 : i32 to index
      %get3A_326 = arith.constant 16 : index
      %get3A_327 = tpu.vector_load %arg12[%get3A_325, %get3A_326] {strides = array<i32>} : memref<320x128xf32, #tpu.memory_space<vmem>>, vector<16xf32>,
      %add3A_328 = arith.constant 1 : i32
      %add3A_329 = arith.addi %mul3A_277, %add3A_328 : i32
      %get3A_330 = arith.index_cast %add3A_329 : i32 to index
      %get3A_331 = arith.constant 16 : index
      %get3A_332 = tpu.vector_load %arg12[%get3A_330, %get3A_331] {strides = array<i32>} : memref<320x128xf32, #tpu.memory_space<vmem>>, vector<16xf32>,
      %add3A_333 = arith.addf %get3A_327, %get3A_332 : vector<16xf32>
      %add3A_334 = arith.constant 2 : i32
      %add3A_335 = arith.addi %mul3A_277, %add3A_334 : i32
      %get3A_336 = arith.index_cast %add3A_335 : i32 to index
      %get3A_337 = arith.constant 16 : index
      %get3A_338 = tpu.vector_load %arg12[%get3A_336, %get3A_337] {strides = array<i32>} : memref<320x128xf32, #tpu.memory_space<vmem>>, vector<16xf32>,
      %add3A_339 = arith.addf %add3A_333, %get3A_338 : vector<16xf32>
      %add3A_340 = arith.constant 3 : i32
      %add3A_341 = arith.addi %mul3A_277, %add3A_340 : i32
      %get3A_342 = arith.index_cast %add3A_341 : i32 to index
      %get3A_343 = arith.constant 16 : index
      %get3A_344 = tpu.vector_load %arg12[%get3A_342, %get3A_343] {strides = array<i32>} : memref<320x128xf32, #tpu.memory_space<vmem>>, vector<16xf32>,
      %add3A_345 = arith.addf %add3A_339, %get3A_344 : vector<16xf32>
      %add3A_346 = arith.constant 4 : i32
      %add3A_347 = arith.addi %mul3A_277, %add3A_346 : i32
      %get3A_348 = arith.index_cast %add3A_347 : i32 to index
      %get3A_349 = arith.constant 16 : index
      %get3A_350 = tpu.vector_load %arg12[%get3A_348, %get3A_349] {strides = array<i32>} : memref<320x128xf32, #tpu.memory_space<vmem>>, vector<16xf32>,
      %add3A_351 = arith.addf %add3A_345, %get3A_350 : vector<16xf32>
      %add3A_352 = arith.constant 5 : i32
      %add3A_353 = arith.addi %mul3A_277, %add3A_352 : i32
      %get3A_354 = arith.index_cast %add3A_353 : i32 to index
      %get3A_355 = arith.constant 16 : index
      %get3A_356 = tpu.vector_load %arg12[%get3A_354, %get3A_355] {strides = array<i32>} : memref<320x128xf32, #tpu.memory_space<vmem>>, vector<16xf32>,
      %add3A_357 = arith.addf %add3A_351, %get3A_356 : vector<16xf32>
      %add3A_358 = arith.constant 6 : i32
      %add3A_359 = arith.addi %mul3A_277, %add3A_358 : i32
      %get3A_360 = arith.index_cast %add3A_359 : i32 to index
      %get3A_361 = arith.constant 16 : index
      %get3A_362 = tpu.vector_load %arg12[%get3A_360, %get3A_361] {strides = array<i32>} : memref<320x128xf32, #tpu.memory_space<vmem>>, vector<16xf32>,
      %add3A_363 = arith.addf %add3A_357, %get3A_362 : vector<16xf32>
      %add3A_364 = arith.constant 7 : i32
      %add3A_365 = arith.addi %mul3A_277, %add3A_364 : i32
      %get3A_366 = arith.index_cast %add3A_365 : i32 to index
      %get3A_367 = arith.constant 16 : index
      %get3A_368 = tpu.vector_load %arg12[%get3A_366, %get3A_367] {strides = array<i32>} : memref<320x128xf32, #tpu.memory_space<vmem>>, vector<16xf32>,
      %add3A_369 = arith.addf %add3A_363, %get3A_368 : vector<16xf32>
      %mul3A_370 = arith.mulf %add3A_369, %gather3A : vector<16xf32>
      %swap3A_371 = arith.index_cast %scan3A_275 : i32 to index
      %swap3A_372 = arith.constant 16 : index
      %swap3A_373 = tpu.vector_load %arg14[%swap3A_371, %swap3A_372] {strides = array<i32>} : memref<40x64xf32, #tpu.memory_space<vmem>>, vector<16xf32>,
      tpu.vector_store %arg14[%swap3A_371, %swap3A_372], %mul3A_370 {strides = array<i32>} : memref<40x64xf32, #tpu.memory_space<vmem>>, vector<16xf32>,
      %get3A_374 = arith.index_cast %mul3A_277 : i32 to index
      %get3A_375 = arith.constant 32 : index
      %get3A_376 = tpu.vector_load %arg12[%get3A_374, %get3A_375] {strides = array<i32>} : memref<320x128xf32, #tpu.memory_space<vmem>>, vector<16xf32>,
      %add3A_377 = arith.constant 1 : i32
      %add3A_378 = arith.addi %mul3A_277, %add3A_377 : i32
      %get3A_379 = arith.index_cast %add3A_378 : i32 to index
      %get3A_380 = arith.constant 32 : index
      %get3A_381 = tpu.vector_load %arg12[%get3A_379, %get3A_380] {strides = array<i32>} : memref<320x128xf32, #tpu.memory_space<vmem>>, vector<16xf32>,
      %add3A_382 = arith.addf %get3A_376, %get3A_381 : vector<16xf32>
      %add3A_383 = arith.constant 2 : i32
      %add3A_384 = arith.addi %mul3A_277, %add3A_383 : i32
      %get3A_385 = arith.index_cast %add3A_384 : i32 to index
      %get3A_386 = arith.constant 32 : index
      %get3A_387 = tpu.vector_load %arg12[%get3A_385, %get3A_386] {strides = array<i32>} : memref<320x128xf32, #tpu.memory_space<vmem>>, vector<16xf32>,
      %add3A_388 = arith.addf %add3A_382, %get3A_387 : vector<16xf32>
      %add3A_389 = arith.constant 3 : i32
      %add3A_390 = arith.addi %mul3A_277, %add3A_389 : i32
      %get3A_391 = arith.index_cast %add3A_390 : i32 to index
      %get3A_392 = arith.constant 32 : index
      %get3A_393 = tpu.vector_load %arg12[%get3A_391, %get3A_392] {strides = array<i32>} : memref<320x128xf32, #tpu.memory_space<vmem>>, vector<16xf32>,
      %add3A_394 = arith.addf %add3A_388, %get3A_393 : vector<16xf32>
      %add3A_395 = arith.constant 4 : i32
      %add3A_396 = arith.addi %mul3A_277, %add3A_395 : i32
      %get3A_397 = arith.index_cast %add3A_396 : i32 to index
      %get3A_398 = arith.constant 32 : index
      %get3A_399 = tpu.vector_load %arg12[%get3A_397, %get3A_398] {strides = array<i32>} : memref<320x128xf32, #tpu.memory_space<vmem>>, vector<16xf32>,
      %add3A_400 = arith.addf %add3A_394, %get3A_399 : vector<16xf32>
      %add3A_401 = arith.constant 5 : i32
      %add3A_402 = arith.addi %mul3A_277, %add3A_401 : i32
      %get3A_403 = arith.index_cast %add3A_402 : i32 to index
      %get3A_404 = arith.constant 32 : index
      %get3A_405 = tpu.vector_load %arg12[%get3A_403, %get3A_404] {strides = array<i32>} : memref<320x128xf32, #tpu.memory_space<vmem>>, vector<16xf32>,
      %add3A_406 = arith.addf %add3A_400, %get3A_405 : vector<16xf32>
      %add3A_407 = arith.constant 6 : i32
      %add3A_408 = arith.addi %mul3A_277, %add3A_407 : i32
      %get3A_409 = arith.index_cast %add3A_408 : i32 to index
      %get3A_410 = arith.constant 32 : index
      %get3A_411 = tpu.vector_load %arg12[%get3A_409, %get3A_410] {strides = array<i32>} : memref<320x128xf32, #tpu.memory_space<vmem>>, vector<16xf32>,
      %add3A_412 = arith.addf %add3A_406, %get3A_411 : vector<16xf32>
      %add3A_413 = arith.constant 7 : i32
      %add3A_414 = arith.addi %mul3A_277, %add3A_413 : i32
      %get3A_415 = arith.index_cast %add3A_414 : i32 to index
      %get3A_416 = arith.constant 32 : index
      %get3A_417 = tpu.vector_load %arg12[%get3A_415, %get3A_416] {strides = array<i32>} : memref<320x128xf32, #tpu.memory_space<vmem>>, vector<16xf32>,
      %add3A_418 = arith.addf %add3A_412, %get3A_417 : vector<16xf32>
      %mul3A_419 = arith.mulf %add3A_418, %gather3A : vector<16xf32>
      %swap3A_420 = arith.index_cast %scan3A_275 : i32 to index
      %swap3A_421 = arith.constant 32 : index
      %swap3A_422 = tpu.vector_load %arg14[%swap3A_420, %swap3A_421] {strides = array<i32>} : memref<40x64xf32, #tpu.memory_space<vmem>>, vector<16xf32>,
      tpu.vector_store %arg14[%swap3A_420, %swap3A_421], %mul3A_419 {strides = array<i32>} : memref<40x64xf32, #tpu.memory_space<vmem>>, vector<16xf32>,
      %get3A_423 = arith.index_cast %mul3A_277 : i32 to index
      %get3A_424 = arith.constant 48 : index
      %get3A_425 = tpu.vector_load %arg12[%get3A_423, %get3A_424] {strides = array<i32>} : memref<320x128xf32, #tpu.memory_space<vmem>>, vector<16xf32>,
      %add3A_426 = arith.constant 1 : i32
      %add3A_427 = arith.addi %mul3A_277, %add3A_426 : i32
      %get3A_428 = arith.index_cast %add3A_427 : i32 to index
      %get3A_429 = arith.constant 48 : index
      %get3A_430 = tpu.vector_load %arg12[%get3A_428, %get3A_429] {strides = array<i32>} : memref<320x128xf32, #tpu.memory_space<vmem>>, vector<16xf32>,
      %add3A_431 = arith.addf %get3A_425, %get3A_430 : vector<16xf32>
      %add3A_432 = arith.constant 2 : i32
      %add3A_433 = arith.addi %mul3A_277, %add3A_432 : i32
      %get3A_434 = arith.index_cast %add3A_433 : i32 to index
      %get3A_435 = arith.constant 48 : index
      %get3A_436 = tpu.vector_load %arg12[%get3A_434, %get3A_435] {strides = array<i32>} : memref<320x128xf32, #tpu.memory_space<vmem>>, vector<16xf32>,
      %add3A_437 = arith.addf %add3A_431, %get3A_436 : vector<16xf32>
      %add3A_438 = arith.constant 3 : i32
      %add3A_439 = arith.addi %mul3A_277, %add3A_438 : i32
      %get3A_440 = arith.index_cast %add3A_439 : i32 to index
      %get3A_441 = arith.constant 48 : index
      %get3A_442 = tpu.vector_load %arg12[%get3A_440, %get3A_441] {strides = array<i32>} : memref<320x128xf32, #tpu.memory_space<vmem>>, vector<16xf32>,
      %add3A_443 = arith.addf %add3A_437, %get3A_442 : vector<16xf32>
      %add3A_444 = arith.constant 4 : i32
      %add3A_445 = arith.addi %mul3A_277, %add3A_444 : i32
      %get3A_446 = arith.index_cast %add3A_445 : i32 to index
      %get3A_447 = arith.constant 48 : index
      %get3A_448 = tpu.vector_load %arg12[%get3A_446, %get3A_447] {strides = array<i32>} : memref<320x128xf32, #tpu.memory_space<vmem>>, vector<16xf32>,
      %add3A_449 = arith.addf %add3A_443, %get3A_448 : vector<16xf32>
      %add3A_450 = arith.constant 5 : i32
      %add3A_451 = arith.addi %mul3A_277, %add3A_450 : i32
      %get3A_452 = arith.index_cast %add3A_451 : i32 to index
      %get3A_453 = arith.constant 48 : index
      %get3A_454 = tpu.vector_load %arg12[%get3A_452, %get3A_453] {strides = array<i32>} : memref<320x128xf32, #tpu.memory_space<vmem>>, vector<16xf32>,
      %add3A_455 = arith.addf %add3A_449, %get3A_454 : vector<16xf32>
      %add3A_456 = arith.constant 6 : i32
      %add3A_457 = arith.addi %mul3A_277, %add3A_456 : i32
      %get3A_458 = arith.index_cast %add3A_457 : i32 to index
      %get3A_459 = arith.constant 48 : index
      %get3A_460 = tpu.vector_load %arg12[%get3A_458, %get3A_459] {strides = array<i32>} : memref<320x128xf32, #tpu.memory_space<vmem>>, vector<16xf32>,
      %add3A_461 = arith.addf %add3A_455, %get3A_460 : vector<16xf32>
      %add3A_462 = arith.constant 7 : i32
      %add3A_463 = arith.addi %mul3A_277, %add3A_462 : i32
      %get3A_464 = arith.index_cast %add3A_463 : i32 to index
      %get3A_465 = arith.constant 48 : index
      %get3A_466 = tpu.vector_load %arg12[%get3A_464, %get3A_465] {strides = array<i32>} : memref<320x128xf32, #tpu.memory_space<vmem>>, vector<16xf32>,
      %add3A_467 = arith.addf %add3A_461, %get3A_466 : vector<16xf32>
      %mul3A_468 = arith.mulf %add3A_467, %gather3A : vector<16xf32>
      %swap3A_469 = arith.index_cast %scan3A_275 : i32 to index
      %swap3A_470 = arith.constant 48 : index
      %swap3A_471 = tpu.vector_load %arg14[%swap3A_469, %swap3A_470] {strides = array<i32>} : memref<40x64xf32, #tpu.memory_space<vmem>>, vector<16xf32>,
      tpu.vector_store %arg14[%swap3A_469, %swap3A_470], %mul3A_468 {strides = array<i32>} : memref<40x64xf32, #tpu.memory_space<vmem>>, vector<16xf32>,
    }
    %scan3A_211 = arith.constant 40 : i32
    %mul3A_212 = arith.constant 78 : i32
    %mul3A_213 = arith.constant 32 : i32
    %mul3A_214 = arith.muli %mul3A_212, %mul3A_213 : i32
    %add3A_215 = arith.addi %add3A, %mul3A_214 : i32
    %lt3A = arith.constant 2500 : i32
    %lt3A_216 = arith.cmpi slt, %add3A_215, %lt3A : i32
    %convert_element_type3A = arith.extui %lt3A_216 : i1 to i32
    %cond3A = arith.constant 0 : i32
    %cond3A_217 = arith.cmpi ne, %convert_element_type3A, %cond3A : i32
    scf.if %cond3A_217 {
      %mul3A_275 = arith.constant 40 : i32
      %mul3A_276 = arith.muli %add3A_215, %mul3A_275 : i32
      "tpu.region"() ({
        %run_scoped3A = tpu.sem_alloc : memref<!tpu.dma_semaphore, #tpu.memory_space<semaphore_mem>>
        %dma_start3A_277 = arith.constant 0 : i32
        %dma_start3A_278 = tpu.memref_slice %arg5[%mul3A_276, %dma_start3A_277] : memref<100000x64xf32, #tpu.memory_space<hbm>> -> memref<40x64xf32, #tpu.memory_space<hbm>>
        %dma_start3A_279 = arith.constant 0 : i32
        %dma_start3A_280 = tpu.memref_slice %arg5[%mul3A_276, %dma_start3A_279] : memref<100000x64xf32, #tpu.memory_space<hbm>> -> memref<40x64xf32, #tpu.memory_space<hbm>>
        tpu.enqueue_dma source(%arg14 : memref<40x64xf32, #tpu.memory_space<vmem>>) target(%dma_start3A_280 : memref<40x64xf32, #tpu.memory_space<hbm>>) target_semaphore(%run_scoped3A : memref<!tpu.dma_semaphore, #tpu.memory_space<semaphore_mem>>)
        %dma_wait3A_281 = arith.constant 0 : i32
        %dma_wait3A_282 = tpu.memref_slice %arg5[%mul3A_276, %dma_wait3A_281] : memref<100000x64xf32, #tpu.memory_space<hbm>> -> memref<40x64xf32, #tpu.memory_space<hbm>>
        %dma_wait3A_283 = arith.constant 0 : i32
        %dma_wait3A_284 = tpu.memref_slice %arg5[%mul3A_276, %dma_wait3A_283] : memref<100000x64xf32, #tpu.memory_space<hbm>> -> memref<40x64xf32, #tpu.memory_space<hbm>>
        tpu.wait_dma2 semaphore(%run_scoped3A : memref<!tpu.dma_semaphore, #tpu.memory_space<semaphore_mem>>) src(%arg14 : memref<40x64xf32, #tpu.memory_space<vmem>>) dst(%dma_wait3A_284 : memref<40x64xf32, #tpu.memory_space<hbm>>)
        tpu.yield
      }) : () -> ()
    } else {
    }
    %add3A_218 = arith.constant 78 : i32
    %add3A_219 = arith.constant 1 : i32
    %add3A_220 = arith.addi %add3A_218, %add3A_219 : i32
    %dma_wait3A_221 = arith.constant 0 : i32
    %dma_wait3A_222 = arith.constant 0 : i32
    %dma_wait3A_223 = tpu.memref_slice %arg13[%dma_wait3A_221, %dma_wait3A_222] : memref<320x128xf32, #tpu.memory_space<vmem>> -> memref<64x128xf32, #tpu.memory_space<vmem>>
    %dma_wait3A_224 = arith.constant 0 : i32
    %dma_wait3A_225 = tpu.memref_slice %arg7[%dma_wait3A_224] : memref<320xi32, #tpu.memory_space<vmem>> -> memref<64xi32, #tpu.memory_space<vmem>>
    %dma_wait3A_226 = arith.constant 0 : i32
    %dma_wait3A_227 = arith.constant 0 : i32
    %dma_wait3A_228 = tpu.memref_slice %arg2[%dma_wait3A_226, %dma_wait3A_227] : memref<32008x128xf32, #tpu.memory_space<hbm>> -> memref<32008x128xf32, #tpu.memory_space<hbm>>
    tpu.wait_indirect_dma semaphore(%arg23 : memref<!tpu.dma_semaphore, #tpu.memory_space<semaphore_mem>>) src(%dma_wait3A_228 : memref<32008x128xf32, #tpu.memory_space<hbm>>) dst(%dma_wait3A_223 : memref<64x128xf32, #tpu.memory_space<vmem>>)
    %dma_wait3A_229 = arith.constant 64 : i32
    %dma_wait3A_230 = arith.constant 0 : i32
    %dma_wait3A_231 = tpu.memref_slice %arg13[%dma_wait3A_229, %dma_wait3A_230] : memref<320x128xf32, #tpu.memory_space<vmem>> -> memref<64x128xf32, #tpu.memory_space<vmem>>
    %dma_wait3A_232 = arith.constant 64 : i32
    %dma_wait3A_233 = tpu.memref_slice %arg7[%dma_wait3A_232] : memref<320xi32, #tpu.memory_space<vmem>> -> memref<64xi32, #tpu.memory_space<vmem>>
    %dma_wait3A_234 = arith.constant 0 : i32
    %dma_wait3A_235 = arith.constant 0 : i32
    %dma_wait3A_236 = tpu.memref_slice %arg2[%dma_wait3A_234, %dma_wait3A_235] : memref<32008x128xf32, #tpu.memory_space<hbm>> -> memref<32008x128xf32, #tpu.memory_space<hbm>>
    tpu.wait_indirect_dma semaphore(%arg24 : memref<!tpu.dma_semaphore, #tpu.memory_space<semaphore_mem>>) src(%dma_wait3A_236 : memref<32008x128xf32, #tpu.memory_space<hbm>>) dst(%dma_wait3A_231 : memref<64x128xf32, #tpu.memory_space<vmem>>)
    %dma_wait3A_237 = arith.constant 128 : i32
    %dma_wait3A_238 = arith.constant 0 : i32
    %dma_wait3A_239 = tpu.memref_slice %arg13[%dma_wait3A_237, %dma_wait3A_238] : memref<320x128xf32, #tpu.memory_space<vmem>> -> memref<64x128xf32, #tpu.memory_space<vmem>>
    %dma_wait3A_240 = arith.constant 128 : i32
    %dma_wait3A_241 = tpu.memref_slice %arg7[%dma_wait3A_240] : memref<320xi32, #tpu.memory_space<vmem>> -> memref<64xi32, #tpu.memory_space<vmem>>
    %dma_wait3A_242 = arith.constant 0 : i32
    %dma_wait3A_243 = arith.constant 0 : i32
    %dma_wait3A_244 = tpu.memref_slice %arg2[%dma_wait3A_242, %dma_wait3A_243] : memref<32008x128xf32, #tpu.memory_space<hbm>> -> memref<32008x128xf32, #tpu.memory_space<hbm>>
    tpu.wait_indirect_dma semaphore(%arg25 : memref<!tpu.dma_semaphore, #tpu.memory_space<semaphore_mem>>) src(%dma_wait3A_244 : memref<32008x128xf32, #tpu.memory_space<hbm>>) dst(%dma_wait3A_239 : memref<64x128xf32, #tpu.memory_space<vmem>>)
    %dma_wait3A_245 = arith.constant 192 : i32
    %dma_wait3A_246 = arith.constant 0 : i32
    %dma_wait3A_247 = tpu.memref_slice %arg13[%dma_wait3A_245, %dma_wait3A_246] : memref<320x128xf32, #tpu.memory_space<vmem>> -> memref<64x128xf32, #tpu.memory_space<vmem>>
    %dma_wait3A_248 = arith.constant 192 : i32
    %dma_wait3A_249 = tpu.memref_slice %arg7[%dma_wait3A_248] : memref<320xi32, #tpu.memory_space<vmem>> -> memref<64xi32, #tpu.memory_space<vmem>>
    %dma_wait3A_250 = arith.constant 0 : i32
    %dma_wait3A_251 = arith.constant 0 : i32
    %dma_wait3A_252 = tpu.memref_slice %arg2[%dma_wait3A_250, %dma_wait3A_251] : memref<32008x128xf32, #tpu.memory_space<hbm>> -> memref<32008x128xf32, #tpu.memory_space<hbm>>
    tpu.wait_indirect_dma semaphore(%arg26 : memref<!tpu.dma_semaphore, #tpu.memory_space<semaphore_mem>>) src(%dma_wait3A_252 : memref<32008x128xf32, #tpu.memory_space<hbm>>) dst(%dma_wait3A_247 : memref<64x128xf32, #tpu.memory_space<vmem>>)
    %dma_wait3A_253 = arith.constant 256 : i32
    %dma_wait3A_254 = arith.constant 0 : i32
    %dma_wait3A_255 = tpu.memref_slice %arg13[%dma_wait3A_253, %dma_wait3A_254] : memref<320x128xf32, #tpu.memory_space<vmem>> -> memref<64x128xf32, #tpu.memory_space<vmem>>
    %dma_wait3A_256 = arith.constant 256 : i32
    %dma_wait3A_257 = tpu.memref_slice %arg7[%dma_wait3A_256] : memref<320xi32, #tpu.memory_space<vmem>> -> memref<64xi32, #tpu.memory_space<vmem>>
    %dma_wait3A_258 = arith.constant 0 : i32
    %dma_wait3A_259 = arith.constant 0 : i32
    %dma_wait3A_260 = tpu.memref_slice %arg2[%dma_wait3A_258, %dma_wait3A_259] : memref<32008x128xf32, #tpu.memory_space<hbm>> -> memref<32008x128xf32, #tpu.memory_space<hbm>>
    tpu.wait_indirect_dma semaphore(%arg27 : memref<!tpu.dma_semaphore, #tpu.memory_space<semaphore_mem>>) src(%dma_wait3A_260 : memref<32008x128xf32, #tpu.memory_space<hbm>>) dst(%dma_wait3A_255 : memref<64x128xf32, #tpu.memory_space<vmem>>)
    %scan3A_261 = arith.constant 0 : i32
    %scan3A_262 = arith.constant 0 : i32
    %scan3A_263 = arith.constant 40 : i32
    %scan3A_264 = arith.addi %scan3A_262, %scan3A_263 : i32
    %scan3A_265 = arith.constant 1 : i32
    scf.for %scan3A_275 = %scan3A_262 to %scan3A_264 step %scan3A_265  : i32 {
      %mul3A_276 = arith.constant 8 : i32
      %mul3A_277 = arith.muli %scan3A_275, %mul3A_276 : i32
      %broadcast_in_dim3A = vector.broadcast %scan3A_275 : i32 to vector<16xi32>
      %gather3A = tpu.vector_load_idx %arg11[%broadcast_in_dim3A] : memref<40xf32, #tpu.memory_space<vmem>>[vector<16xi32>], vector<16xf32>,
      %get3A = arith.index_cast %mul3A_277 : i32 to index
      %get3A_278 = arith.constant 0 : index
      %get3A_279 = tpu.vector_load %arg13[%get3A, %get3A_278] {strides = array<i32>} : memref<320x128xf32, #tpu.memory_space<vmem>>, vector<16xf32>,
      %add3A_280 = arith.constant 1 : i32
      %add3A_281 = arith.addi %mul3A_277, %add3A_280 : i32
      %get3A_282 = arith.index_cast %add3A_281 : i32 to index
      %get3A_283 = arith.constant 0 : index
      %get3A_284 = tpu.vector_load %arg13[%get3A_282, %get3A_283] {strides = array<i32>} : memref<320x128xf32, #tpu.memory_space<vmem>>, vector<16xf32>,
      %add3A_285 = arith.addf %get3A_279, %get3A_284 : vector<16xf32>
      %add3A_286 = arith.constant 2 : i32
      %add3A_287 = arith.addi %mul3A_277, %add3A_286 : i32
      %get3A_288 = arith.index_cast %add3A_287 : i32 to index
      %get3A_289 = arith.constant 0 : index
      %get3A_290 = tpu.vector_load %arg13[%get3A_288, %get3A_289] {strides = array<i32>} : memref<320x128xf32, #tpu.memory_space<vmem>>, vector<16xf32>,
      %add3A_291 = arith.addf %add3A_285, %get3A_290 : vector<16xf32>
      %add3A_292 = arith.constant 3 : i32
      %add3A_293 = arith.addi %mul3A_277, %add3A_292 : i32
      %get3A_294 = arith.index_cast %add3A_293 : i32 to index
      %get3A_295 = arith.constant 0 : index
      %get3A_296 = tpu.vector_load %arg13[%get3A_294, %get3A_295] {strides = array<i32>} : memref<320x128xf32, #tpu.memory_space<vmem>>, vector<16xf32>,
      %add3A_297 = arith.addf %add3A_291, %get3A_296 : vector<16xf32>
      %add3A_298 = arith.constant 4 : i32
      %add3A_299 = arith.addi %mul3A_277, %add3A_298 : i32
      %get3A_300 = arith.index_cast %add3A_299 : i32 to index
      %get3A_301 = arith.constant 0 : index
      %get3A_302 = tpu.vector_load %arg13[%get3A_300, %get3A_301] {strides = array<i32>} : memref<320x128xf32, #tpu.memory_space<vmem>>, vector<16xf32>,
      %add3A_303 = arith.addf %add3A_297, %get3A_302 : vector<16xf32>
      %add3A_304 = arith.constant 5 : i32
      %add3A_305 = arith.addi %mul3A_277, %add3A_304 : i32
      %get3A_306 = arith.index_cast %add3A_305 : i32 to index
      %get3A_307 = arith.constant 0 : index
      %get3A_308 = tpu.vector_load %arg13[%get3A_306, %get3A_307] {strides = array<i32>} : memref<320x128xf32, #tpu.memory_space<vmem>>, vector<16xf32>,
      %add3A_309 = arith.addf %add3A_303, %get3A_308 : vector<16xf32>
      %add3A_310 = arith.constant 6 : i32
      %add3A_311 = arith.addi %mul3A_277, %add3A_310 : i32
      %get3A_312 = arith.index_cast %add3A_311 : i32 to index
      %get3A_313 = arith.constant 0 : index
      %get3A_314 = tpu.vector_load %arg13[%get3A_312, %get3A_313] {strides = array<i32>} : memref<320x128xf32, #tpu.memory_space<vmem>>, vector<16xf32>,
      %add3A_315 = arith.addf %add3A_309, %get3A_314 : vector<16xf32>
      %add3A_316 = arith.constant 7 : i32
      %add3A_317 = arith.addi %mul3A_277, %add3A_316 : i32
      %get3A_318 = arith.index_cast %add3A_317 : i32 to index
      %get3A_319 = arith.constant 0 : index
      %get3A_320 = tpu.vector_load %arg13[%get3A_318, %get3A_319] {strides = array<i32>} : memref<320x128xf32, #tpu.memory_space<vmem>>, vector<16xf32>,
      %add3A_321 = arith.addf %add3A_315, %get3A_320 : vector<16xf32>
      %mul3A_322 = arith.mulf %add3A_321, %gather3A : vector<16xf32>
      %swap3A = arith.index_cast %scan3A_275 : i32 to index
      %swap3A_323 = arith.constant 0 : index
      %swap3A_324 = tpu.vector_load %arg15[%swap3A, %swap3A_323] {strides = array<i32>} : memref<40x64xf32, #tpu.memory_space<vmem>>, vector<16xf32>,
      tpu.vector_store %arg15[%swap3A, %swap3A_323], %mul3A_322 {strides = array<i32>} : memref<40x64xf32, #tpu.memory_space<vmem>>, vector<16xf32>,
      %get3A_325 = arith.index_cast %mul3A_277 : i32 to index
      %get3A_326 = arith.constant 16 : index
      %get3A_327 = tpu.vector_load %arg13[%get3A_325, %get3A_326] {strides = array<i32>} : memref<320x128xf32, #tpu.memory_space<vmem>>, vector<16xf32>,
      %add3A_328 = arith.constant 1 : i32
      %add3A_329 = arith.addi %mul3A_277, %add3A_328 : i32
      %get3A_330 = arith.index_cast %add3A_329 : i32 to index
      %get3A_331 = arith.constant 16 : index
      %get3A_332 = tpu.vector_load %arg13[%get3A_330, %get3A_331] {strides = array<i32>} : memref<320x128xf32, #tpu.memory_space<vmem>>, vector<16xf32>,
      %add3A_333 = arith.addf %get3A_327, %get3A_332 : vector<16xf32>
      %add3A_334 = arith.constant 2 : i32
      %add3A_335 = arith.addi %mul3A_277, %add3A_334 : i32
      %get3A_336 = arith.index_cast %add3A_335 : i32 to index
      %get3A_337 = arith.constant 16 : index
      %get3A_338 = tpu.vector_load %arg13[%get3A_336, %get3A_337] {strides = array<i32>} : memref<320x128xf32, #tpu.memory_space<vmem>>, vector<16xf32>,
      %add3A_339 = arith.addf %add3A_333, %get3A_338 : vector<16xf32>
      %add3A_340 = arith.constant 3 : i32
      %add3A_341 = arith.addi %mul3A_277, %add3A_340 : i32
      %get3A_342 = arith.index_cast %add3A_341 : i32 to index
      %get3A_343 = arith.constant 16 : index
      %get3A_344 = tpu.vector_load %arg13[%get3A_342, %get3A_343] {strides = array<i32>} : memref<320x128xf32, #tpu.memory_space<vmem>>, vector<16xf32>,
      %add3A_345 = arith.addf %add3A_339, %get3A_344 : vector<16xf32>
      %add3A_346 = arith.constant 4 : i32
      %add3A_347 = arith.addi %mul3A_277, %add3A_346 : i32
      %get3A_348 = arith.index_cast %add3A_347 : i32 to index
      %get3A_349 = arith.constant 16 : index
      %get3A_350 = tpu.vector_load %arg13[%get3A_348, %get3A_349] {strides = array<i32>} : memref<320x128xf32, #tpu.memory_space<vmem>>, vector<16xf32>,
      %add3A_351 = arith.addf %add3A_345, %get3A_350 : vector<16xf32>
      %add3A_352 = arith.constant 5 : i32
      %add3A_353 = arith.addi %mul3A_277, %add3A_352 : i32
      %get3A_354 = arith.index_cast %add3A_353 : i32 to index
      %get3A_355 = arith.constant 16 : index
      %get3A_356 = tpu.vector_load %arg13[%get3A_354, %get3A_355] {strides = array<i32>} : memref<320x128xf32, #tpu.memory_space<vmem>>, vector<16xf32>,
      %add3A_357 = arith.addf %add3A_351, %get3A_356 : vector<16xf32>
      %add3A_358 = arith.constant 6 : i32
      %add3A_359 = arith.addi %mul3A_277, %add3A_358 : i32
      %get3A_360 = arith.index_cast %add3A_359 : i32 to index
      %get3A_361 = arith.constant 16 : index
      %get3A_362 = tpu.vector_load %arg13[%get3A_360, %get3A_361] {strides = array<i32>} : memref<320x128xf32, #tpu.memory_space<vmem>>, vector<16xf32>,
      %add3A_363 = arith.addf %add3A_357, %get3A_362 : vector<16xf32>
      %add3A_364 = arith.constant 7 : i32
      %add3A_365 = arith.addi %mul3A_277, %add3A_364 : i32
      %get3A_366 = arith.index_cast %add3A_365 : i32 to index
      %get3A_367 = arith.constant 16 : index
      %get3A_368 = tpu.vector_load %arg13[%get3A_366, %get3A_367] {strides = array<i32>} : memref<320x128xf32, #tpu.memory_space<vmem>>, vector<16xf32>,
      %add3A_369 = arith.addf %add3A_363, %get3A_368 : vector<16xf32>
      %mul3A_370 = arith.mulf %add3A_369, %gather3A : vector<16xf32>
      %swap3A_371 = arith.index_cast %scan3A_275 : i32 to index
      %swap3A_372 = arith.constant 16 : index
      %swap3A_373 = tpu.vector_load %arg15[%swap3A_371, %swap3A_372] {strides = array<i32>} : memref<40x64xf32, #tpu.memory_space<vmem>>, vector<16xf32>,
      tpu.vector_store %arg15[%swap3A_371, %swap3A_372], %mul3A_370 {strides = array<i32>} : memref<40x64xf32, #tpu.memory_space<vmem>>, vector<16xf32>,
      %get3A_374 = arith.index_cast %mul3A_277 : i32 to index
      %get3A_375 = arith.constant 32 : index
      %get3A_376 = tpu.vector_load %arg13[%get3A_374, %get3A_375] {strides = array<i32>} : memref<320x128xf32, #tpu.memory_space<vmem>>, vector<16xf32>,
      %add3A_377 = arith.constant 1 : i32
      %add3A_378 = arith.addi %mul3A_277, %add3A_377 : i32
      %get3A_379 = arith.index_cast %add3A_378 : i32 to index
      %get3A_380 = arith.constant 32 : index
      %get3A_381 = tpu.vector_load %arg13[%get3A_379, %get3A_380] {strides = array<i32>} : memref<320x128xf32, #tpu.memory_space<vmem>>, vector<16xf32>,
      %add3A_382 = arith.addf %get3A_376, %get3A_381 : vector<16xf32>
      %add3A_383 = arith.constant 2 : i32
      %add3A_384 = arith.addi %mul3A_277, %add3A_383 : i32
      %get3A_385 = arith.index_cast %add3A_384 : i32 to index
      %get3A_386 = arith.constant 32 : index
      %get3A_387 = tpu.vector_load %arg13[%get3A_385, %get3A_386] {strides = array<i32>} : memref<320x128xf32, #tpu.memory_space<vmem>>, vector<16xf32>,
      %add3A_388 = arith.addf %add3A_382, %get3A_387 : vector<16xf32>
      %add3A_389 = arith.constant 3 : i32
      %add3A_390 = arith.addi %mul3A_277, %add3A_389 : i32
      %get3A_391 = arith.index_cast %add3A_390 : i32 to index
      %get3A_392 = arith.constant 32 : index
      %get3A_393 = tpu.vector_load %arg13[%get3A_391, %get3A_392] {strides = array<i32>} : memref<320x128xf32, #tpu.memory_space<vmem>>, vector<16xf32>,
      %add3A_394 = arith.addf %add3A_388, %get3A_393 : vector<16xf32>
      %add3A_395 = arith.constant 4 : i32
      %add3A_396 = arith.addi %mul3A_277, %add3A_395 : i32
      %get3A_397 = arith.index_cast %add3A_396 : i32 to index
      %get3A_398 = arith.constant 32 : index
      %get3A_399 = tpu.vector_load %arg13[%get3A_397, %get3A_398] {strides = array<i32>} : memref<320x128xf32, #tpu.memory_space<vmem>>, vector<16xf32>,
      %add3A_400 = arith.addf %add3A_394, %get3A_399 : vector<16xf32>
      %add3A_401 = arith.constant 5 : i32
      %add3A_402 = arith.addi %mul3A_277, %add3A_401 : i32
      %get3A_403 = arith.index_cast %add3A_402 : i32 to index
      %get3A_404 = arith.constant 32 : index
      %get3A_405 = tpu.vector_load %arg13[%get3A_403, %get3A_404] {strides = array<i32>} : memref<320x128xf32, #tpu.memory_space<vmem>>, vector<16xf32>,
      %add3A_406 = arith.addf %add3A_400, %get3A_405 : vector<16xf32>
      %add3A_407 = arith.constant 6 : i32
      %add3A_408 = arith.addi %mul3A_277, %add3A_407 : i32
      %get3A_409 = arith.index_cast %add3A_408 : i32 to index
      %get3A_410 = arith.constant 32 : index
      %get3A_411 = tpu.vector_load %arg13[%get3A_409, %get3A_410] {strides = array<i32>} : memref<320x128xf32, #tpu.memory_space<vmem>>, vector<16xf32>,
      %add3A_412 = arith.addf %add3A_406, %get3A_411 : vector<16xf32>
      %add3A_413 = arith.constant 7 : i32
      %add3A_414 = arith.addi %mul3A_277, %add3A_413 : i32
      %get3A_415 = arith.index_cast %add3A_414 : i32 to index
      %get3A_416 = arith.constant 32 : index
      %get3A_417 = tpu.vector_load %arg13[%get3A_415, %get3A_416] {strides = array<i32>} : memref<320x128xf32, #tpu.memory_space<vmem>>, vector<16xf32>,
      %add3A_418 = arith.addf %add3A_412, %get3A_417 : vector<16xf32>
      %mul3A_419 = arith.mulf %add3A_418, %gather3A : vector<16xf32>
      %swap3A_420 = arith.index_cast %scan3A_275 : i32 to index
      %swap3A_421 = arith.constant 32 : index
      %swap3A_422 = tpu.vector_load %arg15[%swap3A_420, %swap3A_421] {strides = array<i32>} : memref<40x64xf32, #tpu.memory_space<vmem>>, vector<16xf32>,
      tpu.vector_store %arg15[%swap3A_420, %swap3A_421], %mul3A_419 {strides = array<i32>} : memref<40x64xf32, #tpu.memory_space<vmem>>, vector<16xf32>,
      %get3A_423 = arith.index_cast %mul3A_277 : i32 to index
      %get3A_424 = arith.constant 48 : index
      %get3A_425 = tpu.vector_load %arg13[%get3A_423, %get3A_424] {strides = array<i32>} : memref<320x128xf32, #tpu.memory_space<vmem>>, vector<16xf32>,
      %add3A_426 = arith.constant 1 : i32
      %add3A_427 = arith.addi %mul3A_277, %add3A_426 : i32
      %get3A_428 = arith.index_cast %add3A_427 : i32 to index
      %get3A_429 = arith.constant 48 : index
      %get3A_430 = tpu.vector_load %arg13[%get3A_428, %get3A_429] {strides = array<i32>} : memref<320x128xf32, #tpu.memory_space<vmem>>, vector<16xf32>,
      %add3A_431 = arith.addf %get3A_425, %get3A_430 : vector<16xf32>
      %add3A_432 = arith.constant 2 : i32
      %add3A_433 = arith.addi %mul3A_277, %add3A_432 : i32
      %get3A_434 = arith.index_cast %add3A_433 : i32 to index
      %get3A_435 = arith.constant 48 : index
      %get3A_436 = tpu.vector_load %arg13[%get3A_434, %get3A_435] {strides = array<i32>} : memref<320x128xf32, #tpu.memory_space<vmem>>, vector<16xf32>,
      %add3A_437 = arith.addf %add3A_431, %get3A_436 : vector<16xf32>
      %add3A_438 = arith.constant 3 : i32
      %add3A_439 = arith.addi %mul3A_277, %add3A_438 : i32
      %get3A_440 = arith.index_cast %add3A_439 : i32 to index
      %get3A_441 = arith.constant 48 : index
      %get3A_442 = tpu.vector_load %arg13[%get3A_440, %get3A_441] {strides = array<i32>} : memref<320x128xf32, #tpu.memory_space<vmem>>, vector<16xf32>,
      %add3A_443 = arith.addf %add3A_437, %get3A_442 : vector<16xf32>
      %add3A_444 = arith.constant 4 : i32
      %add3A_445 = arith.addi %mul3A_277, %add3A_444 : i32
      %get3A_446 = arith.index_cast %add3A_445 : i32 to index
      %get3A_447 = arith.constant 48 : index
      %get3A_448 = tpu.vector_load %arg13[%get3A_446, %get3A_447] {strides = array<i32>} : memref<320x128xf32, #tpu.memory_space<vmem>>, vector<16xf32>,
      %add3A_449 = arith.addf %add3A_443, %get3A_448 : vector<16xf32>
      %add3A_450 = arith.constant 5 : i32
      %add3A_451 = arith.addi %mul3A_277, %add3A_450 : i32
      %get3A_452 = arith.index_cast %add3A_451 : i32 to index
      %get3A_453 = arith.constant 48 : index
      %get3A_454 = tpu.vector_load %arg13[%get3A_452, %get3A_453] {strides = array<i32>} : memref<320x128xf32, #tpu.memory_space<vmem>>, vector<16xf32>,
      %add3A_455 = arith.addf %add3A_449, %get3A_454 : vector<16xf32>
      %add3A_456 = arith.constant 6 : i32
      %add3A_457 = arith.addi %mul3A_277, %add3A_456 : i32
      %get3A_458 = arith.index_cast %add3A_457 : i32 to index
      %get3A_459 = arith.constant 48 : index
      %get3A_460 = tpu.vector_load %arg13[%get3A_458, %get3A_459] {strides = array<i32>} : memref<320x128xf32, #tpu.memory_space<vmem>>, vector<16xf32>,
      %add3A_461 = arith.addf %add3A_455, %get3A_460 : vector<16xf32>
      %add3A_462 = arith.constant 7 : i32
      %add3A_463 = arith.addi %mul3A_277, %add3A_462 : i32
      %get3A_464 = arith.index_cast %add3A_463 : i32 to index
      %get3A_465 = arith.constant 48 : index
      %get3A_466 = tpu.vector_load %arg13[%get3A_464, %get3A_465] {strides = array<i32>} : memref<320x128xf32, #tpu.memory_space<vmem>>, vector<16xf32>,
      %add3A_467 = arith.addf %add3A_461, %get3A_466 : vector<16xf32>
      %mul3A_468 = arith.mulf %add3A_467, %gather3A : vector<16xf32>
      %swap3A_469 = arith.index_cast %scan3A_275 : i32 to index
      %swap3A_470 = arith.constant 48 : index
      %swap3A_471 = tpu.vector_load %arg15[%swap3A_469, %swap3A_470] {strides = array<i32>} : memref<40x64xf32, #tpu.memory_space<vmem>>, vector<16xf32>,
      tpu.vector_store %arg15[%swap3A_469, %swap3A_470], %mul3A_468 {strides = array<i32>} : memref<40x64xf32, #tpu.memory_space<vmem>>, vector<16xf32>,
    }
    %scan3A_266 = arith.constant 40 : i32
    %mul3A_267 = arith.constant 32 : i32
    %mul3A_268 = arith.muli %add3A_220, %mul3A_267 : i32
    %add3A_269 = arith.addi %add3A, %mul3A_268 : i32
    %lt3A_270 = arith.constant 2500 : i32
    %lt3A_271 = arith.cmpi slt, %add3A_269, %lt3A_270 : i32
    %convert_element_type3A_272 = arith.extui %lt3A_271 : i1 to i32
    %cond3A_273 = arith.constant 0 : i32
    %cond3A_274 = arith.cmpi ne, %convert_element_type3A_272, %cond3A_273 : i32
    scf.if %cond3A_274 {
      %mul3A_275 = arith.constant 40 : i32
      %mul3A_276 = arith.muli %add3A_269, %mul3A_275 : i32
      "tpu.region"() ({
        %run_scoped3A = tpu.sem_alloc : memref<!tpu.dma_semaphore, #tpu.memory_space<semaphore_mem>>
        %dma_start3A_277 = arith.constant 0 : i32
        %dma_start3A_278 = tpu.memref_slice %arg5[%mul3A_276, %dma_start3A_277] : memref<100000x64xf32, #tpu.memory_space<hbm>> -> memref<40x64xf32, #tpu.memory_space<hbm>>
        %dma_start3A_279 = arith.constant 0 : i32
        %dma_start3A_280 = tpu.memref_slice %arg5[%mul3A_276, %dma_start3A_279] : memref<100000x64xf32, #tpu.memory_space<hbm>> -> memref<40x64xf32, #tpu.memory_space<hbm>>
        tpu.enqueue_dma source(%arg15 : memref<40x64xf32, #tpu.memory_space<vmem>>) target(%dma_start3A_280 : memref<40x64xf32, #tpu.memory_space<hbm>>) target_semaphore(%run_scoped3A : memref<!tpu.dma_semaphore, #tpu.memory_space<semaphore_mem>>)
        %dma_wait3A_281 = arith.constant 0 : i32
        %dma_wait3A_282 = tpu.memref_slice %arg5[%mul3A_276, %dma_wait3A_281] : memref<100000x64xf32, #tpu.memory_space<hbm>> -> memref<40x64xf32, #tpu.memory_space<hbm>>
        %dma_wait3A_283 = arith.constant 0 : i32
        %dma_wait3A_284 = tpu.memref_slice %arg5[%mul3A_276, %dma_wait3A_283] : memref<100000x64xf32, #tpu.memory_space<hbm>> -> memref<40x64xf32, #tpu.memory_space<hbm>>
        tpu.wait_dma2 semaphore(%run_scoped3A : memref<!tpu.dma_semaphore, #tpu.memory_space<semaphore_mem>>) src(%arg15 : memref<40x64xf32, #tpu.memory_space<vmem>>) dst(%dma_wait3A_284 : memref<40x64xf32, #tpu.memory_space<hbm>>)
        tpu.yield
      }) : () -> ()
    } else {
    }
    return
  }
}

</mosaic_0001>

<sc_bundles>
// kernel: kernel.3.cloned.1.call-start
scs
__scs_entry_jumppad:
0x0: {  	(pc) =	sbr.rel $0x88, $3  }
0x1: {  	(tag) =	ssettag $0x0;
	lr =	simm.s32 $0x1  }
0x2: {  	[smem:$0x3F9E] =	sst lr;
	_ =	strace $0xD0000000  }
0x3: {  	_ = 	snop  }
0x4: {  	_ = 	snop  }
0x5: {  	_ = 	snop  }
0x6: {  	_ = 	snop  }
0x7: {  	_ = 	snop  }
__scs_overlays_trampoline_lowered:
0x8: {  	[smem:$0x3FAD] =	sst s0  }
0x9: {  	[smem:$0x3FAE] =	sst s1  }
0xa: {  	[smem:$0x3FAF] =	sst s2  }
0xb: {  	[smem:$0x3FB0] =	sst s3  }
0xc: {  	[smem:$0x3FB1] =	sst s4  }
0xd: {  	[smem:$0x3FB2] =	sst s5  }
0xe: {  	[smem:$0x3FB3] =	sst s6  }
0xf: {  	[smem:$0x3FB4] =	sst s7  }
0x10: {  	[smem:$0x3FB5] =	sst s8  }
0x11: {  	[smem:$0x3FB6] =	sst s9;
	s0 =	simm.s32 @!p0 $0x0  }
0x12: {  	s1 =	sld [smem:$0x3F9C];
	s0 =	simm.s32 @p0 $0x1  }
0x13: {  	[smem:$0x3FB7] =	sst s0;
	s0 =	simm.s32 @!p1 $0x0  }
0x14: {  	s2 =	sld [smem:$0x3F9B];
	s0 =	simm.s32 @p1 $0x1  }
0x15: {  	[smem:$0x3FB8] =	sst s0;
	s0 =	simm.s32 @!p2 $0x0  }
0x16: {  	s3 =	sld [smem:$0x3FDB];
	s0 =	simm.s32 @p2 $0x1  }
0x17: {  	s4 =	simm.s32 $0x1BF5;
	[smem:$0x3FBA] =	sst s0  }
0x18: {  	s0 =	sld [smem:$0x3F9D];
	_ =	swait.ge [sflag:s4], $0x0  }
0x19: {  	s7 =	sld [smem:$0x3F9E]  }
0x1a: {  	s8 =	sadd.s32 $0xFFFFE003, lr  }
0x1b: {  	s9 =	sadd.s32 $0xFFFFFEF7, lr;
	s5 =	simm.s32 $0xFFFFFFFF;
	p2 =	slt.u32 s8, $0xFFFFF086  }
0x1c: {  	p1 =	slt.u32 s9, $0xF7A;
	s5 =	simm.s32 @!p2 $0x0  }
0x1d: {  	s5 =	simm.s32 @p1 $0x1;
	p0 =	seq.s32 s7, s2  }
0x1e: {  	s7 =	smul.u32 @!p0 $0xF7A, s2;
	p2 =	seq.s32 @!p0 s5, $0x0  }
0x1f: {  	s9 =	smul.u32 $0xF7A, s1;
	s8 =	simm.s32 @!p0 $0x1BF5;
	p2 =	por !p2, p0  }
0x20: {  	[sflag:s8] =	ssyncset.s32 @!p0 $0xFFFFF086;
	s6 =	sadd.s32 @!p0 s3, s7;
	s7 =	simm.s32 @!p0 $0x108  }
0x21: {  	s3 =	sadd.s32 s3, s9;
	s6 =	sadd.s32 @!p0 $0x88, s6;
	s7 =	simm.s32 @p2 $0x1082  }
0x22: {  	[simem:s7], [sflag:s8] =	dma.local @!p0 [hbm:s6], $0xF7A  }
0x23: {  	s9 =	sor.u32 $0xD0000000, s2;
	s6 =	simm.s32 $0x108;
	_ =	swait.ge @!p0 [sflag:s8], $0x0  }
0x24: {  	s3 =	sadd.s32 $0x88, s3;
	s6 =	simm.s32 @!p1 $0x1082;
	[sflag:s4] =	ssyncset.s32 $0xFFFFF086  }
0x25: {  	[simem:s6], [sflag:s4] =	dma.local [hbm:s3], $0xF7A  }
0x26: {  	[smem:$0x3F9E] =	sst s1;
	(tag) =	ssettag s2;
	_ =	strace s9  }
0x27: {  	s1 =	sld [smem:$0x3FAE]  }
0x28: {  	s2 =	sld [smem:$0x3FAF]  }
0x29: {  	s4 =	sld [smem:$0x3FB1]  }
0x2a: {  	p0 =	seq.s32 s5, $0x0;
	s5 =	sld [smem:$0x3FB2]  }
0x2b: {  	s6 =	sld [smem:$0x3FB3]  }
0x2c: {  	s7 =	sld [smem:$0x3FB4]  }
0x2d: {  	s3 =	simm.s32 $0x108;
	s8 =	sld [smem:$0x3FB5]  }
0x2e: {  	s3 =	simm.s32 @!p0 $0x1082;
	s9 =	sld [smem:$0x3FB6]  }
0x2f: {  	lr =	sadd.s32 s0, s3;
	s0 =	sld [smem:$0x3FAD]  }
0x30: {  	s3 =	sld [smem:$0x3FB0]  }
0x31: {  	[smem:$0x3FB9] =	sst s10  }
0x32: {  	s10 =	sld [smem:$0x3FB7];
	_ =	sdelay $0x3  }
0x33: {  	p0 =	seq.s32 s10, $0x1;
	s10 =	sld [smem:$0x3FB9];
	_ =	sdelay $0x3  }
0x34: {  	[smem:$0x3FB9] =	sst s10  }
0x35: {  	s10 =	sld [smem:$0x3FB8];
	_ =	sdelay $0x3  }
0x36: {  	p1 =	seq.s32 s10, $0x1;
	s10 =	sld [smem:$0x3FB9];
	_ =	sdelay $0x3  }
0x37: {  	[smem:$0x3FB9] =	sst s10  }
0x38: {  	s10 =	sld [smem:$0x3FBA]  }
0x39: {  	_ = 	snop;
	(pc) =	sbr.ind lr, $3  }
0x3a: {  	_ = 	snop  }
0x3b: {  	_ = 	snop  }
0x3c: {  	p2 =	seq.s32 s10, $0x1;
	s10 =	sld [smem:$0x3FB9]  }
0x3d: {  	_ =	shalt  }
0x3e: {  	_ =	shalt  }
0x3f: {  	_ =	shalt  }
0x40: {  	_ =	shalt  }
0x41: {  	_ =	shalt  }
0x42: {  	_ =	shalt  }
0x43: {  	_ =	shalt  }
0x44: {  	_ =	shalt  }
0x45: {  	_ =	shalt  }
0x46: {  	_ =	shalt  }
0x47: {  	_ =	shalt  }
0x48: {  	_ =	shalt  }
0x49: {  	_ =	shalt  }
0x4a: {  	_ =	shalt  }
0x4b: {  	_ =	shalt  }
0x4c: {  	_ =	shalt  }
0x4d: {  	_ =	shalt  }
0x4e: {  	_ =	shalt  }
0x4f: {  	_ =	shalt  }
0x50: {  	_ =	shalt  }
0x51: {  	_ =	shalt  }
0x52: {  	_ =	shalt  }
0x53: {  	_ =	shalt  }
0x54: {  	_ =	shalt  }
0x55: {  	_ =	shalt  }
0x56: {  	_ =	shalt  }
0x57: {  	_ =	shalt  }
0x58: {  	_ =	shalt  }
0x59: {  	_ =	shalt  }
0x5a: {  	_ =	shalt  }
0x5b: {  	_ =	shalt  }
0x5c: {  	_ =	shalt  }
0x5d: {  	_ =	shalt  }
0x5e: {  	_ =	shalt  }
0x5f: {  	_ =	shalt  }
0x60: {  	_ =	shalt  }
0x61: {  	_ =	shalt  }
0x62: {  	_ =	shalt  }
0x63: {  	_ =	shalt  }
0x64: {  	_ =	shalt  }
0x65: {  	_ =	shalt  }
0x66: {  	_ =	shalt  }
0x67: {  	_ =	shalt  }
0x68: {  	_ =	shalt  }
0x69: {  	_ =	shalt  }
0x6a: {  	_ =	shalt  }
0x6b: {  	_ =	shalt  }
0x6c: {  	_ =	shalt  }
0x6d: {  	_ =	shalt  }
0x6e: {  	_ =	shalt  }
0x6f: {  	_ =	shalt  }
0x70: {  	_ =	shalt  }
0x71: {  	_ =	shalt  }
0x72: {  	_ =	shalt  }
0x73: {  	_ =	shalt  }
0x74: {  	_ =	shalt  }
0x75: {  	_ =	shalt  }
0x76: {  	_ =	shalt  }
0x77: {  	_ =	shalt  }
0x78: {  	_ =	shalt  }
0x79: {  	_ =	shalt  }
0x7a: {  	_ =	shalt  }
0x7b: {  	_ =	shalt  }
0x7c: {  	_ =	shalt  }
0x7d: {  	_ =	shalt  }
0x7e: {  	_ =	shalt  }
0x7f: {  	_ =	shalt  }
0x80: {  	_ =	shalt  }
0x81: {  	_ =	shalt  }
0x82: {  	_ =	shalt  }
0x83: {  	_ =	shalt  }
0x84: {  	_ =	shalt  }
0x85: {  	_ =	shalt  }
0x86: {  	_ =	shalt  }
0x87: {  	_ =	shalt  }
.Lfunc_end0:
.L_simem_size_0:
called_computation_lowered:
.L_overlay_start_0:
0x88: {  	s2 =	sld [smem:$0x3FD9]  }
0x89: {  	s3 =	sld [smem:$0x3FFE];
	_ =	sdelay $0x1  }
0x8a: {  	s1 =	srdreg.scid  }
0x8b: {  	s0 =	sand.u32 $0x1, s1  }
0x8c: {  	s17 =	sshll.u32 s0, $0xA;
	s2 =	sadd.s32 s3, s2  }
0x8d: {  	s2 =	sadd.s32 s2, s17  }
0x8e: {  	[smem:$0x3FC5] =	sst s2  }
0x8f: {  	_ = 	snop  }
0x90: {  	s2 =	sld [smem:$0x3FC7]  }
0x91: {  	s18 =	sld [smem:$0x3FD0];
	(tm) =	ssettm $0x1  }
0x92: {  	s4 =	sld [smem:$0x3FFB];
	_ =	sdelay $0x3  }
0x93: {  	_ =	strace s4  }
0x94: {  	s4 =	sld [smem:$0x3FFC];
	_ =	sdelay $0x3  }
0x95: {  	_ =	strace s4  }
0x96: {  	s4 =	sld [smem:$0x3FFD];
	_ =	sdelay $0x3  }
0x97: {  	_ =	strace s4  }
0x98: {  	_ =	strace $0x8FFFFFFF  }
0x99: {  	s19 =	sld [smem:$0x3FDB];
	_ =	sdelay $0x1  }
0x9a: {  	s5 =	simm.s32 $_scs_section_size  }
0x9b: {  	s6 =	simm.s32 $_size__tile_overlayer_lowered;
	s7 =	simm.s32 $_tile_overlayer_lowered  }
0x9c: {  	s22 =	simm.s32 $0x1BFF;
	s21 =	sshll.u32 s7, $0x1;
	s4 =	sadd.s32 s5, s19  }
0x9d: {  	s8 =	simm.s32 $0x0;
	s20 =	sshll.u32 s6, $0x1;
	s6 =	sadd.s32 s21, s4  }
0x9e: {  	[timem:s8], [sflag:s22] =	dma.local [hbm:s6], s20  }
0x9f: {  	_ =	swait.ge [sflag:s22], s20  }
0xa0: {  	s5 =	ssub.s32 $0x0, s20;
	[sflag:s22] =	ssyncset.done $0x0  }
0xa1: {  	[sflag:s22] =	ssyncadd.s32 s5;
	_ =	sdelay $0x1  }
0xa2: {  	s23 =	simm.s32 $0x1B8B  }
0xa3: {  	_ =	swait.ge [sflag:s23], $0x1  }
0xa4: {  	[sflag:s23] =	ssyncset.done $0x0  }
0xa5: {  	s25 =	simm.s32 $0x1B8E;
	s24 =	sld [smem:$0x3FFE];
	[sflag:s23] =	ssyncadd.s32 $0xFFFFFFFF  }
0xa6: {  	s26 =	simm.s32 $execute0_lowered;
	[smem:$0x3FD2] =	sst s25  }
0xa7: {  	s6 =	sshll.u32 s26, $0x1;
	_ =	strace $0x80000046;
	[dreg:$0x1] =	wrdreg $0xFFFFFFFF  }
0xa8: {  	s28 =	simm.s32 $_size_execute0_lowered;
	s4 =	sadd.s32 s4, s6;
	[dreg:$0x0] =	wrdreg $0x0  }
0xa9: {  	s6 =	sshll.u32 s28, $0x1;
	[dreg:$0x2] =	wrdreg s4  }
0xaa: {  	[dreg:$0x3] =	wrdreg s6  }
0xab: {  	[dreg:$0x4] =	wrdreg $0xC0  }
0xac: {  	_ =	task [dreg:s8], $0x5FFFF  }
0xad: {  	[dreg:$0x1] =	wrdreg $0xFFFFFFFF  }
0xae: {  	[dreg:$0x0] =	wrdreg $0x60  }
0xaf: {  	[dreg:$0x2] =	wrdreg s18  }
0xb0: {  	[dreg:$0x3] =	wrdreg s24  }
0xb1: {  	[dreg:$0x4] =	wrdreg s2  }
0xb2: {  	[dreg:$0x5] =	wrdreg $0x9  }
0xb3: {  	_ =	task.clear_ibuf [dreg:s8], $0x6FFFF;
	_ =	strace $0x90000046  }
0xb4: {  	s29 =	simm.s32 $0x9;
	_ =	strace $0x80000048  }
0xb5: {  	_ =	swait.ge [sflag:s29], $0x1  }
0xb6: {  	[sflag:s29] =	ssyncadd.s32 $0xFFFFFFFF  }
0xb7: {  	_ =	strace $0x90000048  }
0xb8: {  	_ =	sfence  }
0xb9: {  	s30 =	sld [smem:$0x0];
	_ =	sdelay $0x2  }
0xba: {  	s31 =	sshll.u32 s1, $0xD;
	s1 =	sshrl.u32 s1, $0x2  }
0xbb: {  	s3 =	sand.u32 $0x4000, s31;
	s1 =	sadd.s32 s1, s30  }
0xbc: {  	s0 =	sor.u32 s3, s0;
	s1 =	sshll.u32 s1, $0x11  }
0xbd: {  	s0 =	sor.u32 s1, s0  }
0xbe: {  	s0 =	sadd.s32 $0x8F2B, s0  }
0xbf: {  	[sflag:s0] =	ssyncadd.remote.s32 $0x1  }
0xc0: {  	_ =	sfence.sel $0xFFFF  }
0xc1: {  	[dreg:$0x0] =	wrdreg $0xFFFFFFFF;
	(pc) =	sbr.abs _section_cstart, $3  }
0xc2: {  	[dreg:$0x1] =	wrdreg $0xFFFFFFFF  }
0xc3: {  	_ =	task.clear_ibuf [dreg:s8], $0x2FFFF;
	_ =	strace $0x9FFFFFFF  }
0xc4: {  	(tm) =	ssettm $0x7FFFFFFF  }
0xc5: {  	_ =	shalt  }
tec
execute0_lowered:
.L_overlay_start_1:
0x0: {  	(tag) =	ssettag $0x1  }
0x1: {  	s1 =	rddreg [dreg:$0x0]  }
0x2: {  	s0 =	srdreg.scid;
	s2 =	rddreg [dreg:$0x1]  }
0x3: {  	s10 =	stileid.u32;
	s11 =	rddreg [dreg:$0x2]  }
0x4: {  	s4 =	simm.s32 $0x0;
	s17 =	simm.s32 $0x300;
	s18 =	simm.s32 $0x1  }
0x5: {  	s29 =	simm.s32 $0x180;
	s30 =	simm.s32 $0x380;
	s31 =	simm.s32 $0x2  }
0x6: {  	s28 =	simm.s32 $0xD;
	s15 =	simm.s32 $0xA;
	s0 =	sand.u32 $0x1, s0  }
0x7: {  	s3 =	sshll.u32 s10, $0x1;
	[smem:$0x7FF] =	sst s4;
	s6 =	sadd.s32 $0x187000, s2  }
0x8: {  	s14 =	sadd.s32 $0x600, s2;
	s26 =	sadd.s32 $0x5600, s2;
	p0 =	sgt.u32 s10, $0x1  }
0x9: {  	s2 =	simm.s32 $0x3;
	s10 =	simm.s32 $0x7;
	s12 =	sor.u32 s0, s3  }
0xa: {  	_ =	strace $0x80000047;
	s0 =	ssub.s32 $0x2, s0;
	s13 =	smov.u32 s14  }
0xb: {  	[dreg:$0xc] =	wrdreg s26;
	s26 =	simm.s32 $0x400;
	s3 =	smul.u32 $0x28, s12  }
0xc: {  	s19 =	smul.u32 $0x5, s12;
	s5 =	sor.u32 $0x20, s12;
	s8 =	sshrl.u32 s0, $0x1  }
0xd: {  	s9 =	smul.u32 $0x280, s12;
	s24 =	sor.u32 $0x40, s12;
	s16 =	smov.u32 s12  }
0xe: {  	s25 =	sor.u32 $0x60, s12;
	s7 =	smul.u32 $0x28, s5;
	[dreg:$0x8] =	wrdreg s24  }
0xf: {  	s5 =	smul.u32 $0x5, s5;
	s0 =	ssub.s32 s0, s8;
	[dreg:$0x9] =	wrdreg s25  }
0x10: {  	s8 =	simm.s32 $0x5;
	s3 =	sadd.s32 s6, s3;
	s20 =	sadd.s32 s11, s19  }
0x11: {  	s23 =	sadd.s32 s9, s14;
	s0 =	smax.u32 s0, $0x1;
	s19 =	simm.s32 $0x40  }
0x12: {  	s9 =	simm.s32 $0x6;
	s14 =	simm.s32 $0x9;
	[dreg:$0x4] =	wrdreg s3  }
0x13: {  	[dreg:$0x5] =	wrdreg s20;
	s21 =	sadd.s32 s6, s7;
	s22 =	sadd.s32 s11, s5  }
0x14: {  	s3 =	sadd.s32 $0x186000, s23;
	[dreg:$0xb] =	wrdreg s0;
	s0 =	simm.s32 $0x4  }
0x15: {  	s11 =	simm.s32 $0x8;
	s20 =	simm.s32 $0xB;
	[dreg:$0x6] =	wrdreg s21  }
0x16: {  	v1 =	vlaneseq.u32;
	s5 =	simm.s32 $0x0;
	s23 =	simm.s32 $0x0;
	[dreg:$0x7] =	wrdreg s22  }
0x17: {  	v0 =	vshrl.u32 v1, $0x3;
	v1 =	vand.u32 $0x7, v1;
	[dreg:$0xa] =	wrdreg s3;
	s21 =	simm.s32 $0xC;
	s22 =	simm.s32 $0x480  }
.LBB2_1:
0x18: {  	[dreg:$0xd] =	wrdreg s5  }
0x19: {  	s4 =	simm.s32 $0x0;
	s3 =	rddreg [dreg:$0x4]  }
0x1a: {  	[tilespmem:s4], [sflag:$0x1] =	stream.linear.gather [hbm4b:s3+s4], $0x140, $0x38;
	[tilespmem:$0x16D00] =	vst v63  }
0x1b: {  	s24 =	rddreg [dreg:$0x5]  }
0x1c: {  	[tilespmem:s17], [sflag:$0x1] =	stream.linear.gather [hbm4b:s24+s4], $0x28, $0x38;
	[tilespmem:$0x16D00] =	vst v63  }
0x1d: {  	_ =	swait.ge [sflag:s18], $0x140  }
0x1e: {  	v2 =	vor.u32 s4, v0;
	[sflag:s18] =	ssyncset.done $0x0  }
0x1f: {  	[sflag:s18] =	ssyncadd.s32 $0xFFFFFEC0  }
0x20: {  	_ =	swait.ge [sflag:s18], $0x28  }
0x21: {  	[sflag:s18] =	ssyncset.done $0x0  }
0x22: {  	[sflag:s18] =	ssyncadd.s32 $0xFFFFFFD8  }
0x23: {  	v2 =	vld.idx.msk [tilespmem:v2+s17+$0x0], $0xffff  }
0x24: {  	v4 =	vld [tilespmem:s4+$0x0]  }
0x25: {  	s25 =	simm.s32 $0x2  }
0x26: {  	v3 =	vor.u32 s25, v0;
	s3 =	simm.s32 $0x0;
	s4 =	simm.s32 $0x4  }
.LBB2_2:
0x27: {  	p1 =	sne.s32 s4, $0x26  }
0x28: {  	vm0 =	vgt.s32 v2, v1  }
0x29: {  	v2 =	vnsel vm0, $0x7D00, v4  }
0x2a: {  	[tilespmem:s3+$0x0] =	vst v2  }
.Ltmp0:
0x2b: {  	v2 =	vld.idx.msk [tilespmem:v3+s17+$0x0], $0xffff;
	(pc) =	sbr.rel @p1 .LBB2_2-.Ltmp0, $3  }
0x2c: {  	s3 =	sadd.s32 $0x10, s3  }
0x2d: {  	v4 =	vld [tilespmem:s3+$0x0];
	_ =	sdelay $0x1  }
0x2e: {  	v3 =	vor.u32 s4, v0;
	s4 =	sadd.s32 $0x2, s4  }
0x2f: {  	_ = 	snop  }
0x30: {  	vm0 =	vgt.s32 v2, v1  }
0x31: {  	v2 =	vnsel vm0, $0x7D00, v4  }
0x32: {  	[tilespmem:s3+$0x0] =	vst v2  }
0x33: {  	s7 =	sadd.s32 $0x10, s3;
	v2 =	vld.idx.msk [tilespmem:v3+s17+$0x0], $0xffff  }
0x34: {  	v3 =	vld [tilespmem:s7+$0x0];
	_ =	sdelay $0x3  }
0x35: {  	vm15 =	vgt.s32 v2, v1  }
0x36: {  	v2 =	vnsel vm15, $0x7D00, v3  }
0x37: {  	[tilespmem:s7+$0x0] =	vst v2  }
0x38: {  	v2 =	vld [tilespmem:$0x300]  }
0x39: {  	v3 =	vld [tilespmem:$0x310];
	_ =	sdelay $0x3  }
0x3a: {  	v2 =	vcvt.s32.f32 v2  }
0x3b: {  	v3 =	vcvt.s32.f32 v3  }
0x3c: {  	(erf) = vrcp.f32 v2  }
0x3d: {  	(erf) = vrcp.f32 v3;
	_ =	sdelay $0x7  }
0x3e: {  	v2 =	vpop (erf)  }
0x3f: {  	[tilespmem:$0x400] =	vst v2;
	v2 =	vpop (erf)  }
0x40: {  	s12 =	simm.s32 $0x500;
	[tilespmem:$0x410] =	vst v2  }
0x41: {  	[tilespmem:s12], [sflag:$0x3] =	stream.indirect.gather [hbm4b:s1+s19], $0x80, s23, s19, $0xb8;
	[tilespmem:$0x16D00] =	vst v63  }
0x42: {  	s24 =	simm.s32 $0x2500  }
0x43: {  	[tilespmem:s24], [sflag:$0x4] =	stream.indirect.gather [hbm4b:s1+s19], $0x80, s19, s19, $0xb8;
	[tilespmem:$0x16D00] =	vst v63  }
0x44: {  	s25 =	simm.s32 $0x80;
	s4 =	simm.s32 $0x4500  }
0x45: {  	[tilespmem:s4], [sflag:$0x5] =	stream.indirect.gather [hbm4b:s1+s19], $0x80, s25, s19, $0xb8;
	[tilespmem:$0x16D00] =	vst v63  }
0x46: {  	s5 =	simm.s32 $0x6500;
	s4 =	simm.s32 $0xC0  }
0x47: {  	[tilespmem:s5], [sflag:$0x6] =	stream.indirect.gather [hbm4b:s1+s19], $0x80, s4, s19, $0xb8;
	[tilespmem:$0x16D00] =	vst v63  }
0x48: {  	s7 =	simm.s32 $0x100;
	s12 =	simm.s32 $0x8500  }
0x49: {  	[tilespmem:s12], [sflag:$0x7] =	stream.indirect.gather [hbm4b:s1+s19], $0x80, s7, s19, $0xb8;
	[tilespmem:$0x16D00] =	vst v63  }
0x4a: {  	s24 =	rddreg [dreg:$0x6]  }
0x4b: {  	[tilespmem:s29], [sflag:$0x2] =	stream.linear.gather [hbm4b:s24+s23], $0x140, $0x38;
	[tilespmem:$0x16D00] =	vst v63  }
0x4c: {  	s25 =	rddreg [dreg:$0x7];
	s24 =	simm.s32 $0x0  }
0x4d: {  	[tilespmem:s30], [sflag:$0x2] =	stream.linear.gather [hbm4b:s25+s23], $0x28, $0x38;
	[tilespmem:$0x16D00] =	vst v63  }
.LBB2_4:
0x4e: {  	_ =	swait.ge [sflag:s31], $0x140  }
0x4f: {  	v2 =	vor.u32 s23, v0;
	[sflag:s31] =	ssyncset.done $0x0  }
0x50: {  	[sflag:s31] =	ssyncadd.s32 $0xFFFFFEC0  }
0x51: {  	_ =	swait.ge [sflag:s31], $0x28  }
0x52: {  	[sflag:s31] =	ssyncset.done $0x0  }
0x53: {  	[sflag:s31] =	ssyncadd.s32 $0xFFFFFFD8  }
0x54: {  	s3 =	simm.s32 $0x180;
	v2 =	vld.idx.msk [tilespmem:v2+s30+$0x0], $0xffff  }
0x55: {  	v4 =	vld [tilespmem:s3+$0x0]  }
0x56: {  	s4 =	simm.s32 $0x2  }
0x57: {  	v3 =	vor.u32 s4, v0;
	s4 =	simm.s32 $0x4  }
.LBB2_5:
0x58: {  	p1 =	sne.s32 s4, $0x26  }
0x59: {  	vm0 =	vgt.s32 v2, v1  }
0x5a: {  	v2 =	vnsel vm0, $0x7D00, v4  }
0x5b: {  	[tilespmem:s3+$0x0] =	vst v2  }
.Ltmp1:
0x5c: {  	v2 =	vld.idx.msk [tilespmem:v3+s30+$0x0], $0xffff;
	(pc) =	sbr.rel @p1 .LBB2_5-.Ltmp1, $3  }
0x5d: {  	s3 =	sadd.s32 $0x10, s3  }
0x5e: {  	v4 =	vld [tilespmem:s3+$0x0];
	_ =	sdelay $0x1  }
0x5f: {  	v3 =	vor.u32 s4, v0;
	s4 =	sadd.s32 $0x2, s4  }
0x60: {  	_ = 	snop  }
0x61: {  	vm0 =	vgt.s32 v2, v1  }
0x62: {  	v2 =	vnsel vm0, $0x7D00, v4  }
0x63: {  	[tilespmem:s3+$0x0] =	vst v2  }
0x64: {  	s4 =	sadd.s32 $0x10, s3;
	v2 =	vld.idx.msk [tilespmem:v3+s30+$0x0], $0xffff  }
0x65: {  	v3 =	vld [tilespmem:s4+$0x0];
	_ =	sdelay $0x3  }
0x66: {  	vm15 =	vgt.s32 v2, v1  }
0x67: {  	v2 =	vnsel vm15, $0x7D00, v3  }
0x68: {  	[tilespmem:s4+$0x0] =	vst v2  }
0x69: {  	v2 =	vld [tilespmem:$0x380]  }
0x6a: {  	v3 =	vld [tilespmem:$0x390];
	_ =	sdelay $0x3  }
0x6b: {  	v2 =	vcvt.s32.f32 v2  }
0x6c: {  	v3 =	vcvt.s32.f32 v3  }
0x6d: {  	(erf) = vrcp.f32 v2  }
0x6e: {  	(erf) = vrcp.f32 v3;
	_ =	sdelay $0x7  }
0x6f: {  	v2 =	vpop (erf)  }
0x70: {  	[tilespmem:$0x480] =	vst v2;
	v2 =	vpop (erf)  }
0x71: {  	[tilespmem:$0x490] =	vst v2  }
0x72: {  	_ =	swait.ge [sflag:s2], $0x2000  }
0x73: {  	[sflag:s2] =	ssyncset.done $0x0  }
0x74: {  	[sflag:s2] =	ssyncadd.s32 $0xFFFFE000  }
0x75: {  	_ =	swait.ge [sflag:s0], $0x2000  }
0x76: {  	[sflag:s0] =	ssyncset.done $0x0  }
0x77: {  	[sflag:s0] =	ssyncadd.s32 $0xFFFFE000  }
0x78: {  	_ =	swait.ge [sflag:s8], $0x2000  }
0x79: {  	[sflag:s8] =	ssyncset.done $0x0  }
0x7a: {  	[sflag:s8] =	ssyncadd.s32 $0xFFFFE000  }
0x7b: {  	_ =	swait.ge [sflag:s9], $0x2000  }
0x7c: {  	[sflag:s9] =	ssyncset.done $0x0  }
0x7d: {  	[sflag:s9] =	ssyncadd.s32 $0xFFFFE000  }
0x7e: {  	_ =	swait.ge [sflag:s10], $0x2000  }
0x7f: {  	[sflag:s10] =	ssyncset.done $0x0  }
0x80: {  	s5 =	simm.s32 $0xA500;
	[sflag:s10] =	ssyncadd.s32 $0xFFFFE000  }
0x81: {  	[tilespmem:s5], [sflag:$0x8] =	stream.indirect.gather [hbm4b:s1+s19], $0x80, s29, s19, $0xb8;
	[tilespmem:$0x16D00] =	vst v63  }
0x82: {  	s7 =	simm.s32 $0x1C0;
	s4 =	simm.s32 $0xC500  }
0x83: {  	[tilespmem:s4], [sflag:$0x9] =	stream.indirect.gather [hbm4b:s1+s19], $0x80, s7, s19, $0xb8;
	[tilespmem:$0x16D00] =	vst v63  }
0x84: {  	s12 =	simm.s32 $0x200;
	s25 =	simm.s32 $0xE500  }
0x85: {  	[tilespmem:s25], [sflag:$0xA] =	stream.indirect.gather [hbm4b:s1+s19], $0x80, s12, s19, $0xb8;
	[tilespmem:$0x16D00] =	vst v63  }
0x86: {  	s7 =	rddreg [dreg:$0x8];
	s25 =	sshll.u32 s24, $0x6  }
0x87: {  	s5 =	simm.s32 $0x10500;
	s4 =	simm.s32 $0x240;
	s3 =	sadd.s32 s7, s25  }
0x88: {  	[tilespmem:s5], [sflag:$0xB] =	stream.indirect.gather [hbm4b:s1+s19], $0x80, s4, s19, $0xb8;
	[tilespmem:$0x16D00] =	vst v63  }
0x89: {  	s3 =	smin.u32 s3, $0x9C3  }
0x8a: {  	s12 =	smul.u32 $0x28, s3  }
0x8b: {  	s7 =	simm.s32 $0x12500;
	s5 =	simm.s32 $0x280;
	s3 =	smul.u32 $0x5, s3  }
0x8c: {  	[tilespmem:s7], [sflag:$0xC] =	stream.indirect.gather [hbm4b:s1+s19], $0x80, s5, s19, $0xb8;
	[tilespmem:$0x16D00] =	vst v63  }
0x8d: {  	s7 =	simm.s32 $0x0;
	s4 =	sadd.s32 s6, s12;
	s12 =	rddreg [dreg:$0x2]  }
0x8e: {  	[tilespmem:s7], [sflag:$0x1] =	stream.linear.gather [hbm4b:s4+s7], $0x140, $0x38;
	[tilespmem:$0x16D00] =	vst v63  }
0x8f: {  	s5 =	simm.s32 $0x700;
	s3 =	sadd.s32 s12, s3  }
0x90: {  	[tilespmem:s17], [sflag:$0x1] =	stream.linear.gather [hbm4b:s3+s7], $0x28, $0x38;
	[tilespmem:$0x16D00] =	vst v63  }
0x91: {  	v2 =	vld [tilespmem:s5+$0xFFFFFE00]  }
0x92: {  	v3 =	vld [tilespmem:s5+$0xFFFFFE80];
	_ =	sdelay $0x1  }
0x93: {  	v4 =	vld [tilespmem:s5+$0xFFFFFF00];
	_ =	sdelay $0x1  }
0x94: {  	v5 =	vld [tilespmem:s5+$0xFFFFFF80]  }
0x95: {  	v2 =	vadd.f32 v3, v2  }
0x96: {  	v3 =	vld [tilespmem:s5+$0x0]  }
0x97: {  	v2 =	vadd.f32 v4, v2  }
0x98: {  	v4 =	vld [tilespmem:s5+$0x80]  }
0x99: {  	v6 =	vmov s7;
	v2 =	vadd.f32 v5, v2  }
0x9a: {  	v5 =	vld [tilespmem:s5+$0x100]  }
0x9b: {  	v2 =	vadd.f32 v3, v2  }
0x9c: {  	v3 =	vld [tilespmem:s5+$0x180]  }
0x9d: {  	v4 =	vadd.f32 v4, v2  }
0x9e: {  	v2 =	vld.idx.msk [tilespmem:v6+s26+$0x0], $0xffff  }
0x9f: {  	v4 =	vadd.f32 v5, v4;
	_ =	sdelay $0x1  }
0xa0: {  	v3 =	vadd.f32 v3, v4;
	_ =	sdelay $0x1  }
0xa1: {  	v3 =	vmul.f32 v3, v2  }
0xa2: {  	s3 =	simm.s32 $0x14520  }
0xa3: {  	[tilespmem:s3+$0xFFFFFFE0] =	vst v3  }
0xa4: {  	v3 =	vld [tilespmem:s5+$0xFFFFFE10]  }
0xa5: {  	v4 =	vld [tilespmem:s5+$0xFFFFFE90];
	_ =	sdelay $0x1  }
0xa6: {  	v5 =	vld [tilespmem:s5+$0xFFFFFF10];
	_ =	sdelay $0x1  }
0xa7: {  	v6 =	vld [tilespmem:s5+$0xFFFFFF90]  }
0xa8: {  	v3 =	vadd.f32 v4, v3  }
0xa9: {  	v4 =	vld [tilespmem:s5+$0x10]  }
0xaa: {  	v3 =	vadd.f32 v5, v3  }
0xab: {  	v5 =	vld [tilespmem:s5+$0x90]  }
0xac: {  	v3 =	vadd.f32 v6, v3  }
0xad: {  	v6 =	vld [tilespmem:s5+$0x110]  }
0xae: {  	v3 =	vadd.f32 v4, v3  }
0xaf: {  	v4 =	vld [tilespmem:s5+$0x190]  }
0xb0: {  	v3 =	vadd.f32 v5, v3;
	_ =	sdelay $0x1  }
0xb1: {  	v3 =	vadd.f32 v6, v3;
	_ =	sdelay $0x1  }
0xb2: {  	v3 =	vadd.f32 v4, v3;
	_ =	sdelay $0x1  }
0xb3: {  	v3 =	vmul.f32 v3, v2;
	_ =	sdelay $0x1  }
0xb4: {  	[tilespmem:s3+$0xFFFFFFF0] =	vst v3  }
0xb5: {  	v3 =	vld [tilespmem:s5+$0xFFFFFE20]  }
0xb6: {  	v4 =	vld [tilespmem:s5+$0xFFFFFEA0];
	_ =	sdelay $0x1  }
0xb7: {  	v5 =	vld [tilespmem:s5+$0xFFFFFF20];
	_ =	sdelay $0x1  }
0xb8: {  	v6 =	vld [tilespmem:s5+$0xFFFFFFA0]  }
0xb9: {  	v3 =	vadd.f32 v4, v3  }
0xba: {  	v4 =	vld [tilespmem:s5+$0x20]  }
0xbb: {  	v3 =	vadd.f32 v5, v3  }
0xbc: {  	v5 =	vld [tilespmem:s5+$0xA0]  }
0xbd: {  	v3 =	vadd.f32 v6, v3  }
0xbe: {  	v6 =	vld [tilespmem:s5+$0x120]  }
0xbf: {  	v3 =	vadd.f32 v4, v3  }
0xc0: {  	v4 =	vld [tilespmem:s5+$0x1A0]  }
0xc1: {  	v3 =	vadd.f32 v5, v3;
	_ =	sdelay $0x1  }
0xc2: {  	v3 =	vadd.f32 v6, v3;
	_ =	sdelay $0x1  }
0xc3: {  	v3 =	vadd.f32 v4, v3;
	_ =	sdelay $0x1  }
0xc4: {  	v3 =	vmul.f32 v3, v2;
	_ =	sdelay $0x1  }
0xc5: {  	[tilespmem:s3+$0x0] =	vst v3  }
0xc6: {  	v3 =	vld [tilespmem:s5+$0xFFFFFE30]  }
0xc7: {  	v4 =	vld [tilespmem:s5+$0xFFFFFEB0];
	_ =	sdelay $0x1  }
0xc8: {  	v5 =	vld [tilespmem:s5+$0xFFFFFF30];
	_ =	sdelay $0x1  }
0xc9: {  	v6 =	vld [tilespmem:s5+$0xFFFFFFB0]  }
0xca: {  	v3 =	vadd.f32 v4, v3  }
0xcb: {  	v4 =	vld [tilespmem:s5+$0x30]  }
0xcc: {  	v3 =	vadd.f32 v5, v3  }
0xcd: {  	v5 =	vld [tilespmem:s5+$0xB0]  }
0xce: {  	v3 =	vadd.f32 v6, v3;
	_ =	sdelay $0x1  }
0xcf: {  	v6 =	vld [tilespmem:s5+$0x130];
	v3 =	vadd.f32 v4, v3;
	_ =	sdelay $0x1  }
0xd0: {  	v4 =	vadd.f32 v5, v3;
	v3 =	vld [tilespmem:s5+$0x1B0];
	_ =	sdelay $0x2  }
0xd1: {  	s4 =	simm.s32 $0x14520;
	s7 =	simm.s32 $0x1;
	v4 =	vadd.f32 v6, v4  }
.LBB2_7:
0xd2: {  	_ = 	snop  }
0xd3: {  	p1 =	sne.s32 s7, $0x27;
	s3 =	sadd.s32 $0x80, s3;
	s5 =	sadd.s32 $0x400, s5;
	v3 =	vadd.f32 v3, v4  }
0xd4: {  	s12 =	smov.u32 s7;
	s7 =	sadd.s32 $0x1, s7  }
0xd5: {  	v2 =	vmul.f32 v3, v2;
	_ =	sdelay $0x1  }
0xd6: {  	[tilespmem:s4+$0x10] =	vst v2;
	s4 =	smov.u32 s3  }
0xd7: {  	v2 =	vld [tilespmem:s5+$0xFFFFFE00]  }
0xd8: {  	v3 =	vld [tilespmem:s5+$0xFFFFFE80];
	_ =	sdelay $0x1  }
0xd9: {  	v4 =	vld [tilespmem:s5+$0xFFFFFF00];
	_ =	sdelay $0x1  }
0xda: {  	v5 =	vld [tilespmem:s5+$0xFFFFFF80]  }
0xdb: {  	v2 =	vadd.f32 v3, v2  }
0xdc: {  	v3 =	vld [tilespmem:s5+$0x0]  }
0xdd: {  	v2 =	vadd.f32 v4, v2  }
0xde: {  	v4 =	vmov s12;
	v6 =	vld [tilespmem:s5+$0x80]  }
0xdf: {  	v2 =	vadd.f32 v5, v2  }
0xe0: {  	v5 =	vld [tilespmem:s5+$0x100]  }
0xe1: {  	v3 =	vadd.f32 v3, v2  }
0xe2: {  	v7 =	vld [tilespmem:s5+$0x180]  }
0xe3: {  	v2 =	vld.idx.msk [tilespmem:v4+s26+$0x0], $0xffff;
	v3 =	vadd.f32 v6, v3;
	_ =	sdelay $0x1  }
0xe4: {  	v3 =	vadd.f32 v5, v3;
	_ =	sdelay $0x1  }
0xe5: {  	v3 =	vadd.f32 v7, v3;
	_ =	sdelay $0x1  }
0xe6: {  	v3 =	vmul.f32 v3, v2;
	_ =	sdelay $0x1  }
0xe7: {  	[tilespmem:s3+$0xFFFFFFE0] =	vst v3  }
0xe8: {  	v3 =	vld [tilespmem:s5+$0xFFFFFE10]  }
0xe9: {  	v4 =	vld [tilespmem:s5+$0xFFFFFE90];
	_ =	sdelay $0x1  }
0xea: {  	v5 =	vld [tilespmem:s5+$0xFFFFFF10];
	_ =	sdelay $0x1  }
0xeb: {  	v6 =	vld [tilespmem:s5+$0xFFFFFF90]  }
0xec: {  	v3 =	vadd.f32 v4, v3  }
0xed: {  	v4 =	vld [tilespmem:s5+$0x10]  }
0xee: {  	v3 =	vadd.f32 v5, v3  }
0xef: {  	v5 =	vld [tilespmem:s5+$0x90]  }
0xf0: {  	v3 =	vadd.f32 v6, v3  }
0xf1: {  	v6 =	vld [tilespmem:s5+$0x110]  }
0xf2: {  	v3 =	vadd.f32 v4, v3  }
0xf3: {  	v4 =	vld [tilespmem:s5+$0x190]  }
0xf4: {  	v3 =	vadd.f32 v5, v3;
	_ =	sdelay $0x1  }
0xf5: {  	v3 =	vadd.f32 v6, v3;
	_ =	sdelay $0x1  }
0xf6: {  	v3 =	vadd.f32 v4, v3;
	_ =	sdelay $0x1  }
0xf7: {  	v3 =	vmul.f32 v3, v2;
	_ =	sdelay $0x1  }
0xf8: {  	[tilespmem:s3+$0xFFFFFFF0] =	vst v3  }
0xf9: {  	v3 =	vld [tilespmem:s5+$0xFFFFFE20]  }
0xfa: {  	v4 =	vld [tilespmem:s5+$0xFFFFFEA0];
	_ =	sdelay $0x1  }
0xfb: {  	v5 =	vld [tilespmem:s5+$0xFFFFFF20];
	_ =	sdelay $0x1  }
0xfc: {  	v6 =	vld [tilespmem:s5+$0xFFFFFFA0]  }
0xfd: {  	v3 =	vadd.f32 v4, v3  }
0xfe: {  	v4 =	vld [tilespmem:s5+$0x20]  }
0xff: {  	v3 =	vadd.f32 v5, v3  }
0x100: {  	v5 =	vld [tilespmem:s5+$0xA0]  }
0x101: {  	v3 =	vadd.f32 v6, v3  }
0x102: {  	v6 =	vld [tilespmem:s5+$0x120]  }
0x103: {  	v3 =	vadd.f32 v4, v3  }
0x104: {  	v4 =	vld [tilespmem:s5+$0x1A0]  }
0x105: {  	v3 =	vadd.f32 v5, v3;
	_ =	sdelay $0x1  }
0x106: {  	v3 =	vadd.f32 v6, v3;
	_ =	sdelay $0x1  }
0x107: {  	v3 =	vadd.f32 v4, v3;
	_ =	sdelay $0x1  }
0x108: {  	v3 =	vmul.f32 v3, v2;
	_ =	sdelay $0x1  }
0x109: {  	[tilespmem:s3+$0x0] =	vst v3  }
0x10a: {  	v3 =	vld [tilespmem:s5+$0xFFFFFE30]  }
0x10b: {  	v4 =	vld [tilespmem:s5+$0xFFFFFEB0]  }
0x10c: {  	v5 =	vld [tilespmem:s5+$0xFFFFFF30]  }
0x10d: {  	v6 =	vld [tilespmem:s5+$0xFFFFFFB0]  }
0x10e: {  	v7 =	vld [tilespmem:s5+$0x30]  }
0x10f: {  	v8 =	vld [tilespmem:s5+$0xB0]  }
0x110: {  	v4 =	vadd.f32 v4, v3;
	v9 =	vld [tilespmem:s5+$0x130]  }
0x111: {  	v3 =	vld [tilespmem:s5+$0x1B0]  }
0x112: {  	v4 =	vadd.f32 v5, v4;
	_ =	sdelay $0x1  }
0x113: {  	v4 =	vadd.f32 v6, v4;
	_ =	sdelay $0x1  }
.Ltmp2:
0x114: {  	v4 =	vadd.f32 v7, v4;
	(pc) =	sbr.rel @p1 .LBB2_7-.Ltmp2, $3  }
0x115: {  	_ = 	snop  }
0x116: {  	v4 =	vadd.f32 v8, v4;
	_ =	sdelay $0x1  }
0x117: {  	v4 =	vadd.f32 v9, v4  }
0x118: {  	_ = 	snop  }
0x119: {  	v3 =	vadd.f32 v3, v4  }
0x11a: {  	s3 =	sor.u32 s16, s25  }
0x11b: {  	s5 =	smul.u32 $0x280, s3;
	v2 =	vmul.f32 v3, v2;
	_ =	sdelay $0x1  }
0x11c: {  	s7 =	simm.s32 $0x14500;
	s3 =	simm.s32 $0x0;
	s12 =	sadd.s32 s13, s5;
	[tilespmem:s4+$0x10] =	vst v2  }
0x11d: {  	[hbm4b:s12+s3] =	stream.linear.scatter [tilespmem:s7], [sflag:$0xD], $0x1400, $0x38;
	[tilespmem:$0x16D00] =	vst v63  }
0x11e: {  	_ =	swait.ge [sflag:s28], $0x1400  }
0x11f: {  	[sflag:s28] =	ssyncset.done $0x0  }
0x120: {  	[sflag:s28] =	ssyncadd.s32 $0xFFFFEC00  }
0x121: {  	_ =	swait.ge [sflag:s18], $0x140  }
0x122: {  	v2 =	vor.u32 s3, v0;
	[sflag:s18] =	ssyncset.done $0x0  }
0x123: {  	[sflag:s18] =	ssyncadd.s32 $0xFFFFFEC0  }
0x124: {  	_ =	swait.ge [sflag:s18], $0x28  }
0x125: {  	[sflag:s18] =	ssyncset.done $0x0  }
0x126: {  	[sflag:s18] =	ssyncadd.s32 $0xFFFFFFD8  }
0x127: {  	v2 =	vld.idx.msk [tilespmem:v2+s17+$0x0], $0xffff  }
0x128: {  	v4 =	vld [tilespmem:s3+$0x0]  }
0x129: {  	s12 =	simm.s32 $0x2  }
0x12a: {  	s4 =	simm.s32 $0x4;
	v3 =	vor.u32 s12, v0  }
.LBB2_9:
0x12b: {  	p1 =	sne.s32 s4, $0x26  }
0x12c: {  	vm0 =	vgt.s32 v2, v1  }
0x12d: {  	v2 =	vnsel vm0, $0x7D00, v4  }
0x12e: {  	[tilespmem:s3+$0x0] =	vst v2  }
.Ltmp3:
0x12f: {  	v2 =	vld.idx.msk [tilespmem:v3+s17+$0x0], $0xffff;
	(pc) =	sbr.rel @p1 .LBB2_9-.Ltmp3, $3  }
0x130: {  	s3 =	sadd.s32 $0x10, s3  }
0x131: {  	v4 =	vld [tilespmem:s3+$0x0];
	_ =	sdelay $0x1  }
0x132: {  	v3 =	vor.u32 s4, v0;
	s4 =	sadd.s32 $0x2, s4  }
0x133: {  	_ = 	snop  }
0x134: {  	vm0 =	vgt.s32 v2, v1  }
0x135: {  	v2 =	vnsel vm0, $0x7D00, v4  }
0x136: {  	[tilespmem:s3+$0x0] =	vst v2  }
0x137: {  	s4 =	sadd.s32 $0x10, s3;
	v2 =	vld.idx.msk [tilespmem:v3+s17+$0x0], $0xffff  }
0x138: {  	v3 =	vld [tilespmem:s4+$0x0];
	_ =	sdelay $0x3  }
0x139: {  	vm15 =	vgt.s32 v2, v1  }
0x13a: {  	v2 =	vnsel vm15, $0x7D00, v3  }
0x13b: {  	[tilespmem:s4+$0x0] =	vst v2  }
0x13c: {  	v2 =	vld [tilespmem:$0x300]  }
0x13d: {  	v3 =	vld [tilespmem:$0x310];
	_ =	sdelay $0x3  }
0x13e: {  	v2 =	vcvt.s32.f32 v2  }
0x13f: {  	v3 =	vcvt.s32.f32 v3  }
0x140: {  	(erf) = vrcp.f32 v2  }
0x141: {  	(erf) = vrcp.f32 v3;
	_ =	sdelay $0x7  }
0x142: {  	v2 =	vpop (erf)  }
0x143: {  	[tilespmem:$0x400] =	vst v2;
	v2 =	vpop (erf)  }
0x144: {  	[tilespmem:$0x410] =	vst v2  }
0x145: {  	_ =	swait.ge [sflag:s11], $0x2000  }
0x146: {  	[sflag:s11] =	ssyncset.done $0x0  }
0x147: {  	[sflag:s11] =	ssyncadd.s32 $0xFFFFE000  }
0x148: {  	_ =	swait.ge [sflag:s14], $0x2000  }
0x149: {  	[sflag:s14] =	ssyncset.done $0x0  }
0x14a: {  	[sflag:s14] =	ssyncadd.s32 $0xFFFFE000  }
0x14b: {  	_ =	swait.ge [sflag:s15], $0x2000  }
0x14c: {  	[sflag:s15] =	ssyncset.done $0x0  }
0x14d: {  	[sflag:s15] =	ssyncadd.s32 $0xFFFFE000  }
0x14e: {  	_ =	swait.ge [sflag:s20], $0x2000  }
0x14f: {  	[sflag:s20] =	ssyncset.done $0x0  }
0x150: {  	[sflag:s20] =	ssyncadd.s32 $0xFFFFE000  }
0x151: {  	_ =	swait.ge [sflag:s21], $0x2000  }
0x152: {  	[sflag:s21] =	ssyncset.done $0x0  }
0x153: {  	s3 =	simm.s32 $0x0;
	s4 =	simm.s32 $0x500;
	[sflag:s21] =	ssyncadd.s32 $0xFFFFE000  }
0x154: {  	[tilespmem:s4], [sflag:$0x3] =	stream.indirect.gather [hbm4b:s1+s19], $0x80, s3, s19, $0xb8;
	[tilespmem:$0x16D00] =	vst v63  }
0x155: {  	s7 =	simm.s32 $0x2500  }
0x156: {  	[tilespmem:s7], [sflag:$0x4] =	stream.indirect.gather [hbm4b:s1+s19], $0x80, s19, s19, $0xb8;
	[tilespmem:$0x16D00] =	vst v63  }
0x157: {  	s12 =	simm.s32 $0x80;
	s7 =	simm.s32 $0x4500  }
0x158: {  	[tilespmem:s7], [sflag:$0x5] =	stream.indirect.gather [hbm4b:s1+s19], $0x80, s12, s19, $0xb8;
	[tilespmem:$0x16D00] =	vst v63  }
0x159: {  	s7 =	simm.s32 $0xC0;
	s12 =	simm.s32 $0x6500  }
0x15a: {  	[tilespmem:s12], [sflag:$0x6] =	stream.indirect.gather [hbm4b:s1+s19], $0x80, s7, s19, $0xb8;
	[tilespmem:$0x16D00] =	vst v63  }
0x15b: {  	s12 =	rddreg [dreg:$0x9]  }
0x15c: {  	s4 =	sadd.s32 s12, s25  }
0x15d: {  	s4 =	smin.u32 s4, $0x9C3  }
0x15e: {  	s12 =	simm.s32 $0x100;
	s25 =	simm.s32 $0x8500;
	s7 =	smul.u32 $0x28, s4  }
0x15f: {  	[tilespmem:s25], [sflag:$0x7] =	stream.indirect.gather [hbm4b:s1+s19], $0x80, s12, s19, $0xb8;
	[tilespmem:$0x16D00] =	vst v63  }
0x160: {  	s25 =	rddreg [dreg:$0x2];
	s4 =	smul.u32 $0x5, s4;
	s7 =	sadd.s32 s6, s7  }
0x161: {  	[tilespmem:s29], [sflag:$0x2] =	stream.linear.gather [hbm4b:s7+s3], $0x140, $0x38;
	[tilespmem:$0x16D00] =	vst v63  }
0x162: {  	s4 =	sadd.s32 s25, s4;
	s25 =	simm.s32 $0xA700  }
0x163: {  	[tilespmem:s30], [sflag:$0x2] =	stream.linear.gather [hbm4b:s4+s3], $0x28, $0x38;
	[tilespmem:$0x16D00] =	vst v63  }
0x164: {  	v2 =	vld [tilespmem:s25+$0xFFFFFE00]  }
0x165: {  	v3 =	vld [tilespmem:s25+$0xFFFFFE80];
	_ =	sdelay $0x1  }
0x166: {  	v4 =	vld [tilespmem:s25+$0xFFFFFF00];
	_ =	sdelay $0x1  }
0x167: {  	v5 =	vld [tilespmem:s25+$0xFFFFFF80]  }
0x168: {  	v2 =	vadd.f32 v3, v2  }
0x169: {  	v3 =	vld [tilespmem:s25+$0x0]  }
0x16a: {  	v2 =	vadd.f32 v4, v2  }
0x16b: {  	v4 =	vld [tilespmem:s25+$0x80]  }
0x16c: {  	v6 =	vmov s3;
	v2 =	vadd.f32 v5, v2  }
0x16d: {  	v5 =	vld [tilespmem:s25+$0x100]  }
0x16e: {  	v2 =	vadd.f32 v3, v2  }
0x16f: {  	v3 =	vld [tilespmem:s25+$0x180]  }
0x170: {  	v4 =	vadd.f32 v4, v2  }
0x171: {  	v2 =	vld.idx.msk [tilespmem:v6+s22+$0x0], $0xffff  }
0x172: {  	v4 =	vadd.f32 v5, v4;
	_ =	sdelay $0x1  }
0x173: {  	v3 =	vadd.f32 v3, v4;
	_ =	sdelay $0x1  }
0x174: {  	v3 =	vmul.f32 v3, v2  }
0x175: {  	s3 =	simm.s32 $0x15920  }
0x176: {  	[tilespmem:s3+$0xFFFFFFE0] =	vst v3  }
0x177: {  	v3 =	vld [tilespmem:s25+$0xFFFFFE10]  }
0x178: {  	v4 =	vld [tilespmem:s25+$0xFFFFFE90];
	_ =	sdelay $0x1  }
0x179: {  	v5 =	vld [tilespmem:s25+$0xFFFFFF10];
	_ =	sdelay $0x1  }
0x17a: {  	v6 =	vld [tilespmem:s25+$0xFFFFFF90]  }
0x17b: {  	v3 =	vadd.f32 v4, v3  }
0x17c: {  	v4 =	vld [tilespmem:s25+$0x10]  }
0x17d: {  	v3 =	vadd.f32 v5, v3  }
0x17e: {  	v5 =	vld [tilespmem:s25+$0x90]  }
0x17f: {  	v3 =	vadd.f32 v6, v3  }
0x180: {  	v6 =	vld [tilespmem:s25+$0x110]  }
0x181: {  	v3 =	vadd.f32 v4, v3  }
0x182: {  	v4 =	vld [tilespmem:s25+$0x190]  }
0x183: {  	v3 =	vadd.f32 v5, v3;
	_ =	sdelay $0x1  }
0x184: {  	v3 =	vadd.f32 v6, v3;
	_ =	sdelay $0x1  }
0x185: {  	v3 =	vadd.f32 v4, v3;
	_ =	sdelay $0x1  }
0x186: {  	v3 =	vmul.f32 v3, v2;
	_ =	sdelay $0x1  }
0x187: {  	[tilespmem:s3+$0xFFFFFFF0] =	vst v3  }
0x188: {  	v3 =	vld [tilespmem:s25+$0xFFFFFE20]  }
0x189: {  	v4 =	vld [tilespmem:s25+$0xFFFFFEA0];
	_ =	sdelay $0x1  }
0x18a: {  	v5 =	vld [tilespmem:s25+$0xFFFFFF20];
	_ =	sdelay $0x1  }
0x18b: {  	v6 =	vld [tilespmem:s25+$0xFFFFFFA0]  }
0x18c: {  	v3 =	vadd.f32 v4, v3  }
0x18d: {  	v4 =	vld [tilespmem:s25+$0x20]  }
0x18e: {  	v3 =	vadd.f32 v5, v3  }
0x18f: {  	v5 =	vld [tilespmem:s25+$0xA0]  }
0x190: {  	v3 =	vadd.f32 v6, v3  }
0x191: {  	v6 =	vld [tilespmem:s25+$0x120]  }
0x192: {  	v3 =	vadd.f32 v4, v3  }
0x193: {  	v4 =	vld [tilespmem:s25+$0x1A0]  }
0x194: {  	v3 =	vadd.f32 v5, v3;
	_ =	sdelay $0x1  }
0x195: {  	v3 =	vadd.f32 v6, v3;
	_ =	sdelay $0x1  }
0x196: {  	v3 =	vadd.f32 v4, v3;
	_ =	sdelay $0x1  }
0x197: {  	v3 =	vmul.f32 v3, v2;
	_ =	sdelay $0x1  }
0x198: {  	[tilespmem:s3+$0x0] =	vst v3  }
0x199: {  	v3 =	vld [tilespmem:s25+$0xFFFFFE30]  }
0x19a: {  	v4 =	vld [tilespmem:s25+$0xFFFFFEB0];
	_ =	sdelay $0x1  }
0x19b: {  	v5 =	vld [tilespmem:s25+$0xFFFFFF30];
	_ =	sdelay $0x1  }
0x19c: {  	v6 =	vld [tilespmem:s25+$0xFFFFFFB0]  }
0x19d: {  	v3 =	vadd.f32 v4, v3  }
0x19e: {  	v4 =	vld [tilespmem:s25+$0x30]  }
0x19f: {  	v3 =	vadd.f32 v5, v3  }
0x1a0: {  	v5 =	vld [tilespmem:s25+$0xB0]  }
0x1a1: {  	v3 =	vadd.f32 v6, v3;
	_ =	sdelay $0x1  }
0x1a2: {  	v6 =	vld [tilespmem:s25+$0x130];
	v3 =	vadd.f32 v4, v3;
	_ =	sdelay $0x1  }
0x1a3: {  	v4 =	vadd.f32 v5, v3;
	v3 =	vld [tilespmem:s25+$0x1B0];
	_ =	sdelay $0x2  }
0x1a4: {  	s7 =	simm.s32 $0x15920;
	s4 =	simm.s32 $0x1;
	v4 =	vadd.f32 v6, v4  }
.LBB2_11:
0x1a5: {  	_ = 	snop  }
0x1a6: {  	p1 =	sne.s32 s4, $0x27;
	s3 =	sadd.s32 $0x80, s3;
	s25 =	sadd.s32 $0x400, s25;
	v3 =	vadd.f32 v3, v4  }
0x1a7: {  	s12 =	smov.u32 s4;
	s4 =	sadd.s32 $0x1, s4  }
0x1a8: {  	v2 =	vmul.f32 v3, v2;
	_ =	sdelay $0x1  }
0x1a9: {  	[tilespmem:s7+$0x10] =	vst v2;
	s7 =	smov.u32 s3  }
0x1aa: {  	v2 =	vld [tilespmem:s25+$0xFFFFFE00]  }
0x1ab: {  	v3 =	vld [tilespmem:s25+$0xFFFFFE80];
	_ =	sdelay $0x1  }
0x1ac: {  	v4 =	vld [tilespmem:s25+$0xFFFFFF00];
	_ =	sdelay $0x1  }
0x1ad: {  	v5 =	vld [tilespmem:s25+$0xFFFFFF80]  }
0x1ae: {  	v2 =	vadd.f32 v3, v2  }
0x1af: {  	v3 =	vld [tilespmem:s25+$0x0]  }
0x1b0: {  	v2 =	vadd.f32 v4, v2  }
0x1b1: {  	v4 =	vmov s12;
	v6 =	vld [tilespmem:s25+$0x80]  }
0x1b2: {  	v2 =	vadd.f32 v5, v2  }
0x1b3: {  	v5 =	vld [tilespmem:s25+$0x100]  }
0x1b4: {  	v3 =	vadd.f32 v3, v2  }
0x1b5: {  	v7 =	vld [tilespmem:s25+$0x180]  }
0x1b6: {  	v2 =	vld.idx.msk [tilespmem:v4+s22+$0x0], $0xffff;
	v3 =	vadd.f32 v6, v3;
	_ =	sdelay $0x1  }
0x1b7: {  	v3 =	vadd.f32 v5, v3;
	_ =	sdelay $0x1  }
0x1b8: {  	v3 =	vadd.f32 v7, v3;
	_ =	sdelay $0x1  }
0x1b9: {  	v3 =	vmul.f32 v3, v2;
	_ =	sdelay $0x1  }
0x1ba: {  	[tilespmem:s3+$0xFFFFFFE0] =	vst v3  }
0x1bb: {  	v3 =	vld [tilespmem:s25+$0xFFFFFE10]  }
0x1bc: {  	v4 =	vld [tilespmem:s25+$0xFFFFFE90];
	_ =	sdelay $0x1  }
0x1bd: {  	v5 =	vld [tilespmem:s25+$0xFFFFFF10];
	_ =	sdelay $0x1  }
0x1be: {  	v6 =	vld [tilespmem:s25+$0xFFFFFF90]  }
0x1bf: {  	v3 =	vadd.f32 v4, v3  }
0x1c0: {  	v4 =	vld [tilespmem:s25+$0x10]  }
0x1c1: {  	v3 =	vadd.f32 v5, v3  }
0x1c2: {  	v5 =	vld [tilespmem:s25+$0x90]  }
0x1c3: {  	v3 =	vadd.f32 v6, v3  }
0x1c4: {  	v6 =	vld [tilespmem:s25+$0x110]  }
0x1c5: {  	v3 =	vadd.f32 v4, v3  }
0x1c6: {  	v4 =	vld [tilespmem:s25+$0x190]  }
0x1c7: {  	v3 =	vadd.f32 v5, v3;
	_ =	sdelay $0x1  }
0x1c8: {  	v3 =	vadd.f32 v6, v3;
	_ =	sdelay $0x1  }
0x1c9: {  	v3 =	vadd.f32 v4, v3;
	_ =	sdelay $0x1  }
0x1ca: {  	v3 =	vmul.f32 v3, v2;
	_ =	sdelay $0x1  }
0x1cb: {  	[tilespmem:s3+$0xFFFFFFF0] =	vst v3  }
0x1cc: {  	v3 =	vld [tilespmem:s25+$0xFFFFFE20]  }
0x1cd: {  	v4 =	vld [tilespmem:s25+$0xFFFFFEA0];
	_ =	sdelay $0x1  }
0x1ce: {  	v5 =	vld [tilespmem:s25+$0xFFFFFF20];
	_ =	sdelay $0x1  }
0x1cf: {  	v6 =	vld [tilespmem:s25+$0xFFFFFFA0]  }
0x1d0: {  	v3 =	vadd.f32 v4, v3  }
0x1d1: {  	v4 =	vld [tilespmem:s25+$0x20]  }
0x1d2: {  	v3 =	vadd.f32 v5, v3  }
0x1d3: {  	v5 =	vld [tilespmem:s25+$0xA0]  }
0x1d4: {  	v3 =	vadd.f32 v6, v3  }
0x1d5: {  	v6 =	vld [tilespmem:s25+$0x120]  }
0x1d6: {  	v3 =	vadd.f32 v4, v3  }
0x1d7: {  	v4 =	vld [tilespmem:s25+$0x1A0]  }
0x1d8: {  	v3 =	vadd.f32 v5, v3;
	_ =	sdelay $0x1  }
0x1d9: {  	v3 =	vadd.f32 v6, v3;
	_ =	sdelay $0x1  }
0x1da: {  	v3 =	vadd.f32 v4, v3;
	_ =	sdelay $0x1  }
0x1db: {  	v3 =	vmul.f32 v3, v2;
	_ =	sdelay $0x1  }
0x1dc: {  	[tilespmem:s3+$0x0] =	vst v3  }
0x1dd: {  	v3 =	vld [tilespmem:s25+$0xFFFFFE30]  }
0x1de: {  	v4 =	vld [tilespmem:s25+$0xFFFFFEB0]  }
0x1df: {  	v5 =	vld [tilespmem:s25+$0xFFFFFF30]  }
0x1e0: {  	v6 =	vld [tilespmem:s25+$0xFFFFFFB0]  }
0x1e1: {  	v7 =	vld [tilespmem:s25+$0x30]  }
0x1e2: {  	v8 =	vld [tilespmem:s25+$0xB0]  }
0x1e3: {  	v4 =	vadd.f32 v4, v3;
	v9 =	vld [tilespmem:s25+$0x130]  }
0x1e4: {  	v3 =	vld [tilespmem:s25+$0x1B0]  }
0x1e5: {  	v4 =	vadd.f32 v5, v4;
	_ =	sdelay $0x1  }
0x1e6: {  	v4 =	vadd.f32 v6, v4;
	_ =	sdelay $0x1  }
.Ltmp4:
0x1e7: {  	v4 =	vadd.f32 v7, v4;
	(pc) =	sbr.rel @p1 .LBB2_11-.Ltmp4, $3  }
0x1e8: {  	_ = 	snop  }
0x1e9: {  	v4 =	vadd.f32 v8, v4;
	_ =	sdelay $0x1  }
0x1ea: {  	v4 =	vadd.f32 v9, v4  }
0x1eb: {  	_ = 	snop  }
0x1ec: {  	v3 =	vadd.f32 v3, v4;
	_ =	sdelay $0x1  }
0x1ed: {  	s24 =	sadd.s32 $0x1, s24;
	v2 =	vmul.f32 v3, v2  }
0x1ee: {  	s3 =	rddreg [dreg:$0xc];
	s4 =	simm.s32 $0x0;
	p1 =	sne.s32 s24, $0x27  }
.Ltmp5:
0x1ef: {  	s25 =	simm.s32 $0x15900;
	s3 =	sadd.s32 s3, s5;
	[tilespmem:s7+$0x10] =	vst v2;
	(pc) =	sbr.rel @p1 .LBB2_4-.Ltmp5, $4  }
0x1f0: {  	[hbm4b:s3+s4] =	stream.linear.scatter [tilespmem:s25], [sflag:$0xD], $0x1400, $0x38;
	[tilespmem:$0x16D00] =	vst v63  }
0x1f1: {  	_ =	swait.ge [sflag:s28], $0x1400  }
0x1f2: {  	[sflag:s28] =	ssyncset.done $0x0  }
0x1f3: {  	[sflag:s28] =	ssyncadd.s32 $0xFFFFEC00  }
0x1f4: {  	_ =	swait.ge [sflag:s31], $0x140;
	s3 =	simm.s32 $0x0  }
0x1f5: {  	[sflag:s31] =	ssyncset.done $0x0;
	v2 =	vor.u32 s3, v0  }
0x1f6: {  	[sflag:s31] =	ssyncadd.s32 $0xFFFFFEC0  }
0x1f7: {  	_ =	swait.ge [sflag:s31], $0x28  }
0x1f8: {  	[sflag:s31] =	ssyncset.done $0x0  }
0x1f9: {  	[sflag:s31] =	ssyncadd.s32 $0xFFFFFFD8  }
0x1fa: {  	s3 =	simm.s32 $0x180;
	v2 =	vld.idx.msk [tilespmem:v2+s30+$0x0], $0xffff  }
0x1fb: {  	v4 =	vld [tilespmem:s3+$0x0]  }
0x1fc: {  	s4 =	simm.s32 $0x2  }
0x1fd: {  	v3 =	vor.u32 s4, v0;
	s4 =	simm.s32 $0x4  }
.LBB2_14:
0x1fe: {  	p1 =	sne.s32 s4, $0x26  }
0x1ff: {  	vm0 =	vgt.s32 v2, v1  }
0x200: {  	v2 =	vnsel vm0, $0x7D00, v4  }
0x201: {  	[tilespmem:s3+$0x0] =	vst v2  }
.Ltmp6:
0x202: {  	v2 =	vld.idx.msk [tilespmem:v3+s30+$0x0], $0xffff;
	(pc) =	sbr.rel @p1 .LBB2_14-.Ltmp6, $3  }
0x203: {  	s3 =	sadd.s32 $0x10, s3  }
0x204: {  	v4 =	vld [tilespmem:s3+$0x0];
	_ =	sdelay $0x1  }
0x205: {  	v3 =	vor.u32 s4, v0;
	s4 =	sadd.s32 $0x2, s4  }
0x206: {  	_ = 	snop  }
0x207: {  	vm0 =	vgt.s32 v2, v1  }
0x208: {  	v2 =	vnsel vm0, $0x7D00, v4  }
0x209: {  	[tilespmem:s3+$0x0] =	vst v2  }
0x20a: {  	s5 =	sadd.s32 $0x10, s3;
	v2 =	vld.idx.msk [tilespmem:v3+s30+$0x0], $0xffff  }
0x20b: {  	v3 =	vld [tilespmem:s5+$0x0];
	_ =	sdelay $0x3  }
0x20c: {  	vm15 =	vgt.s32 v2, v1  }
0x20d: {  	v2 =	vnsel vm15, $0x7D00, v3  }
0x20e: {  	[tilespmem:s5+$0x0] =	vst v2  }
0x20f: {  	v2 =	vld [tilespmem:$0x380]  }
0x210: {  	v3 =	vld [tilespmem:$0x390];
	_ =	sdelay $0x3  }
0x211: {  	v2 =	vcvt.s32.f32 v2  }
0x212: {  	v3 =	vcvt.s32.f32 v3  }
0x213: {  	(erf) = vrcp.f32 v2  }
0x214: {  	(erf) = vrcp.f32 v3;
	_ =	sdelay $0x7  }
0x215: {  	v2 =	vpop (erf)  }
0x216: {  	[tilespmem:$0x480] =	vst v2;
	v2 =	vpop (erf)  }
0x217: {  	[tilespmem:$0x490] =	vst v2  }
0x218: {  	_ =	swait.ge [sflag:s2], $0x2000  }
0x219: {  	[sflag:s2] =	ssyncset.done $0x0  }
0x21a: {  	[sflag:s2] =	ssyncadd.s32 $0xFFFFE000  }
0x21b: {  	_ =	swait.ge [sflag:s0], $0x2000  }
0x21c: {  	[sflag:s0] =	ssyncset.done $0x0  }
0x21d: {  	[sflag:s0] =	ssyncadd.s32 $0xFFFFE000  }
0x21e: {  	_ =	swait.ge [sflag:s8], $0x2000  }
0x21f: {  	[sflag:s8] =	ssyncset.done $0x0  }
0x220: {  	[sflag:s8] =	ssyncadd.s32 $0xFFFFE000  }
0x221: {  	_ =	swait.ge [sflag:s9], $0x2000  }
0x222: {  	[sflag:s9] =	ssyncset.done $0x0  }
0x223: {  	[sflag:s9] =	ssyncadd.s32 $0xFFFFE000  }
0x224: {  	_ =	swait.ge [sflag:s10], $0x2000  }
0x225: {  	[sflag:s10] =	ssyncset.done $0x0  }
0x226: {  	s7 =	simm.s32 $0xA500;
	[sflag:s10] =	ssyncadd.s32 $0xFFFFE000  }
0x227: {  	[tilespmem:s7], [sflag:$0x8] =	stream.indirect.gather [hbm4b:s1+s19], $0x80, s29, s19, $0xb8;
	[tilespmem:$0x16D00] =	vst v63  }
0x228: {  	s12 =	simm.s32 $0x1C0;
	s4 =	simm.s32 $0xC500  }
0x229: {  	[tilespmem:s4], [sflag:$0x9] =	stream.indirect.gather [hbm4b:s1+s19], $0x80, s12, s19, $0xb8;
	[tilespmem:$0x16D00] =	vst v63  }
0x22a: {  	s24 =	simm.s32 $0x200;
	s25 =	simm.s32 $0xE500  }
0x22b: {  	[tilespmem:s25], [sflag:$0xA] =	stream.indirect.gather [hbm4b:s1+s19], $0x80, s24, s19, $0xb8;
	[tilespmem:$0x16D00] =	vst v63  }
0x22c: {  	s5 =	simm.s32 $0x240;
	s7 =	simm.s32 $0x10500  }
0x22d: {  	[tilespmem:s7], [sflag:$0xB] =	stream.indirect.gather [hbm4b:s1+s19], $0x80, s5, s19, $0xb8;
	[tilespmem:$0x16D00] =	vst v63  }
0x22e: {  	s12 =	simm.s32 $0x280;
	s24 =	simm.s32 $0x12500;
	s5 =	simm.s32 $0x700  }
0x22f: {  	[tilespmem:s24], [sflag:$0xC] =	stream.indirect.gather [hbm4b:s1+s19], $0x80, s12, s19, $0xb8;
	[tilespmem:$0x16D00] =	vst v63  }
0x230: {  	v2 =	vld [tilespmem:s5+$0xFFFFFE00]  }
0x231: {  	v3 =	vld [tilespmem:s5+$0xFFFFFE80];
	_ =	sdelay $0x1  }
0x232: {  	v4 =	vld [tilespmem:s5+$0xFFFFFF00];
	_ =	sdelay $0x1  }
0x233: {  	v5 =	vld [tilespmem:s5+$0xFFFFFF80]  }
0x234: {  	v2 =	vadd.f32 v3, v2  }
0x235: {  	v3 =	vld [tilespmem:s5+$0x0]  }
0x236: {  	v2 =	vadd.f32 v4, v2  }
0x237: {  	s25 =	simm.s32 $0x0;
	v4 =	vld [tilespmem:s5+$0x80]  }
0x238: {  	v6 =	vmov s25;
	v2 =	vadd.f32 v5, v2  }
0x239: {  	v5 =	vld [tilespmem:s5+$0x100]  }
0x23a: {  	v2 =	vadd.f32 v3, v2  }
0x23b: {  	v3 =	vld [tilespmem:s5+$0x180]  }
0x23c: {  	v4 =	vadd.f32 v4, v2  }
0x23d: {  	v2 =	vld.idx.msk [tilespmem:v6+s26+$0x0], $0xffff  }
0x23e: {  	v4 =	vadd.f32 v5, v4;
	_ =	sdelay $0x1  }
0x23f: {  	v3 =	vadd.f32 v3, v4;
	_ =	sdelay $0x1  }
0x240: {  	v3 =	vmul.f32 v3, v2  }
0x241: {  	s3 =	simm.s32 $0x14520  }
0x242: {  	[tilespmem:s3+$0xFFFFFFE0] =	vst v3  }
0x243: {  	v3 =	vld [tilespmem:s5+$0xFFFFFE10]  }
0x244: {  	v4 =	vld [tilespmem:s5+$0xFFFFFE90];
	_ =	sdelay $0x1  }
0x245: {  	v5 =	vld [tilespmem:s5+$0xFFFFFF10];
	_ =	sdelay $0x1  }
0x246: {  	v6 =	vld [tilespmem:s5+$0xFFFFFF90]  }
0x247: {  	v3 =	vadd.f32 v4, v3  }
0x248: {  	v4 =	vld [tilespmem:s5+$0x10]  }
0x249: {  	v3 =	vadd.f32 v5, v3  }
0x24a: {  	v5 =	vld [tilespmem:s5+$0x90]  }
0x24b: {  	v3 =	vadd.f32 v6, v3  }
0x24c: {  	v6 =	vld [tilespmem:s5+$0x110]  }
0x24d: {  	v3 =	vadd.f32 v4, v3  }
0x24e: {  	v4 =	vld [tilespmem:s5+$0x190]  }
0x24f: {  	v3 =	vadd.f32 v5, v3;
	_ =	sdelay $0x1  }
0x250: {  	v3 =	vadd.f32 v6, v3;
	_ =	sdelay $0x1  }
0x251: {  	v3 =	vadd.f32 v4, v3;
	_ =	sdelay $0x1  }
0x252: {  	v3 =	vmul.f32 v3, v2;
	_ =	sdelay $0x1  }
0x253: {  	[tilespmem:s3+$0xFFFFFFF0] =	vst v3  }
0x254: {  	v3 =	vld [tilespmem:s5+$0xFFFFFE20]  }
0x255: {  	v4 =	vld [tilespmem:s5+$0xFFFFFEA0];
	_ =	sdelay $0x1  }
0x256: {  	v5 =	vld [tilespmem:s5+$0xFFFFFF20];
	_ =	sdelay $0x1  }
0x257: {  	v6 =	vld [tilespmem:s5+$0xFFFFFFA0]  }
0x258: {  	v3 =	vadd.f32 v4, v3  }
0x259: {  	v4 =	vld [tilespmem:s5+$0x20]  }
0x25a: {  	v3 =	vadd.f32 v5, v3  }
0x25b: {  	v5 =	vld [tilespmem:s5+$0xA0]  }
0x25c: {  	v3 =	vadd.f32 v6, v3  }
0x25d: {  	v6 =	vld [tilespmem:s5+$0x120]  }
0x25e: {  	v3 =	vadd.f32 v4, v3  }
0x25f: {  	v4 =	vld [tilespmem:s5+$0x1A0]  }
0x260: {  	v3 =	vadd.f32 v5, v3;
	_ =	sdelay $0x1  }
0x261: {  	v3 =	vadd.f32 v6, v3;
	_ =	sdelay $0x1  }
0x262: {  	v3 =	vadd.f32 v4, v3;
	_ =	sdelay $0x1  }
0x263: {  	v3 =	vmul.f32 v3, v2;
	_ =	sdelay $0x1  }
0x264: {  	[tilespmem:s3+$0x0] =	vst v3  }
0x265: {  	v3 =	vld [tilespmem:s5+$0xFFFFFE30]  }
0x266: {  	v4 =	vld [tilespmem:s5+$0xFFFFFEB0];
	_ =	sdelay $0x1  }
0x267: {  	v5 =	vld [tilespmem:s5+$0xFFFFFF30];
	_ =	sdelay $0x1  }
0x268: {  	v6 =	vld [tilespmem:s5+$0xFFFFFFB0]  }
0x269: {  	v3 =	vadd.f32 v4, v3  }
0x26a: {  	v4 =	vld [tilespmem:s5+$0x30]  }
0x26b: {  	v3 =	vadd.f32 v5, v3  }
0x26c: {  	v5 =	vld [tilespmem:s5+$0xB0]  }
0x26d: {  	v3 =	vadd.f32 v6, v3;
	_ =	sdelay $0x1  }
0x26e: {  	v6 =	vld [tilespmem:s5+$0x130];
	v3 =	vadd.f32 v4, v3;
	_ =	sdelay $0x1  }
0x26f: {  	v4 =	vadd.f32 v5, v3;
	v3 =	vld [tilespmem:s5+$0x1B0];
	_ =	sdelay $0x2  }
0x270: {  	s4 =	simm.s32 $0x1;
	s7 =	simm.s32 $0x14520;
	v4 =	vadd.f32 v6, v4  }
.LBB2_16:
0x271: {  	_ = 	snop  }
0x272: {  	p1 =	sne.s32 s4, $0x27;
	s3 =	sadd.s32 $0x80, s3;
	s5 =	sadd.s32 $0x400, s5;
	v3 =	vadd.f32 v3, v4  }
0x273: {  	s12 =	smov.u32 s4;
	s4 =	sadd.s32 $0x1, s4  }
0x274: {  	v2 =	vmul.f32 v3, v2;
	_ =	sdelay $0x1  }
0x275: {  	[tilespmem:s7+$0x10] =	vst v2;
	s7 =	smov.u32 s3  }
0x276: {  	v2 =	vld [tilespmem:s5+$0xFFFFFE00]  }
0x277: {  	v3 =	vld [tilespmem:s5+$0xFFFFFE80];
	_ =	sdelay $0x1  }
0x278: {  	v4 =	vld [tilespmem:s5+$0xFFFFFF00];
	_ =	sdelay $0x1  }
0x279: {  	v5 =	vld [tilespmem:s5+$0xFFFFFF80]  }
0x27a: {  	v2 =	vadd.f32 v3, v2  }
0x27b: {  	v3 =	vld [tilespmem:s5+$0x0]  }
0x27c: {  	v2 =	vadd.f32 v4, v2  }
0x27d: {  	v4 =	vmov s12;
	v6 =	vld [tilespmem:s5+$0x80]  }
0x27e: {  	v2 =	vadd.f32 v5, v2  }
0x27f: {  	v5 =	vld [tilespmem:s5+$0x100]  }
0x280: {  	v3 =	vadd.f32 v3, v2  }
0x281: {  	v7 =	vld [tilespmem:s5+$0x180]  }
0x282: {  	v2 =	vld.idx.msk [tilespmem:v4+s26+$0x0], $0xffff;
	v3 =	vadd.f32 v6, v3;
	_ =	sdelay $0x1  }
0x283: {  	v3 =	vadd.f32 v5, v3;
	_ =	sdelay $0x1  }
0x284: {  	v3 =	vadd.f32 v7, v3;
	_ =	sdelay $0x1  }
0x285: {  	v3 =	vmul.f32 v3, v2;
	_ =	sdelay $0x1  }
0x286: {  	[tilespmem:s3+$0xFFFFFFE0] =	vst v3  }
0x287: {  	v3 =	vld [tilespmem:s5+$0xFFFFFE10]  }
0x288: {  	v4 =	vld [tilespmem:s5+$0xFFFFFE90];
	_ =	sdelay $0x1  }
0x289: {  	v5 =	vld [tilespmem:s5+$0xFFFFFF10];
	_ =	sdelay $0x1  }
0x28a: {  	v6 =	vld [tilespmem:s5+$0xFFFFFF90]  }
0x28b: {  	v3 =	vadd.f32 v4, v3  }
0x28c: {  	v4 =	vld [tilespmem:s5+$0x10]  }
0x28d: {  	v3 =	vadd.f32 v5, v3  }
0x28e: {  	v5 =	vld [tilespmem:s5+$0x90]  }
0x28f: {  	v3 =	vadd.f32 v6, v3  }
0x290: {  	v6 =	vld [tilespmem:s5+$0x110]  }
0x291: {  	v3 =	vadd.f32 v4, v3  }
0x292: {  	v4 =	vld [tilespmem:s5+$0x190]  }
0x293: {  	v3 =	vadd.f32 v5, v3;
	_ =	sdelay $0x1  }
0x294: {  	v3 =	vadd.f32 v6, v3;
	_ =	sdelay $0x1  }
0x295: {  	v3 =	vadd.f32 v4, v3;
	_ =	sdelay $0x1  }
0x296: {  	v3 =	vmul.f32 v3, v2;
	_ =	sdelay $0x1  }
0x297: {  	[tilespmem:s3+$0xFFFFFFF0] =	vst v3  }
0x298: {  	v3 =	vld [tilespmem:s5+$0xFFFFFE20]  }
0x299: {  	v4 =	vld [tilespmem:s5+$0xFFFFFEA0];
	_ =	sdelay $0x1  }
0x29a: {  	v5 =	vld [tilespmem:s5+$0xFFFFFF20];
	_ =	sdelay $0x1  }
0x29b: {  	v6 =	vld [tilespmem:s5+$0xFFFFFFA0]  }
0x29c: {  	v3 =	vadd.f32 v4, v3  }
0x29d: {  	v4 =	vld [tilespmem:s5+$0x20]  }
0x29e: {  	v3 =	vadd.f32 v5, v3  }
0x29f: {  	v5 =	vld [tilespmem:s5+$0xA0]  }
0x2a0: {  	v3 =	vadd.f32 v6, v3  }
0x2a1: {  	v6 =	vld [tilespmem:s5+$0x120]  }
0x2a2: {  	v3 =	vadd.f32 v4, v3  }
0x2a3: {  	v4 =	vld [tilespmem:s5+$0x1A0]  }
0x2a4: {  	v3 =	vadd.f32 v5, v3;
	_ =	sdelay $0x1  }
0x2a5: {  	v3 =	vadd.f32 v6, v3;
	_ =	sdelay $0x1  }
0x2a6: {  	v3 =	vadd.f32 v4, v3;
	_ =	sdelay $0x1  }
0x2a7: {  	v3 =	vmul.f32 v3, v2;
	_ =	sdelay $0x1  }
0x2a8: {  	[tilespmem:s3+$0x0] =	vst v3  }
0x2a9: {  	v3 =	vld [tilespmem:s5+$0xFFFFFE30]  }
0x2aa: {  	v4 =	vld [tilespmem:s5+$0xFFFFFEB0]  }
0x2ab: {  	v5 =	vld [tilespmem:s5+$0xFFFFFF30]  }
0x2ac: {  	v6 =	vld [tilespmem:s5+$0xFFFFFFB0]  }
0x2ad: {  	v7 =	vld [tilespmem:s5+$0x30]  }
0x2ae: {  	v8 =	vld [tilespmem:s5+$0xB0]  }
0x2af: {  	v4 =	vadd.f32 v4, v3;
	v9 =	vld [tilespmem:s5+$0x130]  }
0x2b0: {  	v3 =	vld [tilespmem:s5+$0x1B0]  }
0x2b1: {  	v4 =	vadd.f32 v5, v4;
	_ =	sdelay $0x1  }
0x2b2: {  	v4 =	vadd.f32 v6, v4;
	_ =	sdelay $0x1  }
.Ltmp7:
0x2b3: {  	v4 =	vadd.f32 v7, v4;
	(pc) =	sbr.rel @p1 .LBB2_16-.Ltmp7, $3  }
0x2b4: {  	_ = 	snop  }
0x2b5: {  	v4 =	vadd.f32 v8, v4;
	_ =	sdelay $0x1  }
0x2b6: {  	v4 =	vadd.f32 v9, v4  }
0x2b7: {  	_ = 	snop  }
0x2b8: {  	v3 =	vadd.f32 v3, v4;
	_ =	sdelay $0x1  }
0x2b9: {  	v2 =	vmul.f32 v3, v2;
	_ =	sdelay $0x1  }
0x2ba: {  	s3 =	simm.s32 @!p0 $0x0;
	s4 =	simm.s32 @!p0 $0x14500;
	s5 =	rddreg [dreg:$0xa];
	[tilespmem:s7+$0x10] =	vst v2  }
0x2bb: {  	[hbm4b:s5+s3] =	stream.linear.scatter @!p0 [tilespmem:s4], [sflag:$0xD], $0x1400, $0x38;
	[tilespmem:$0x16D00] =	vst v63  }
0x2bc: {  	s3 =	simm.s32 @!p0 $0xD  }
0x2bd: {  	_ =	swait.ge @!p0 [sflag:s3], $0x1400  }
0x2be: {  	[sflag:s3] =	ssyncset.done @!p0 $0x0  }
0x2bf: {  	[sflag:s3] =	ssyncadd.s32 @!p0 $0xFFFFEC00  }
0x2c0: {  	_ =	swait.ge [sflag:s11], $0x2000  }
0x2c1: {  	[sflag:s11] =	ssyncset.done $0x0  }
0x2c2: {  	[sflag:s11] =	ssyncadd.s32 $0xFFFFE000  }
0x2c3: {  	_ =	swait.ge [sflag:s14], $0x2000  }
0x2c4: {  	[sflag:s14] =	ssyncset.done $0x0  }
0x2c5: {  	[sflag:s14] =	ssyncadd.s32 $0xFFFFE000  }
0x2c6: {  	_ =	swait.ge [sflag:s15], $0x2000  }
0x2c7: {  	[sflag:s15] =	ssyncset.done $0x0  }
0x2c8: {  	[sflag:s15] =	ssyncadd.s32 $0xFFFFE000  }
0x2c9: {  	_ =	swait.ge [sflag:s20], $0x2000  }
0x2ca: {  	[sflag:s20] =	ssyncset.done $0x0  }
0x2cb: {  	[sflag:s20] =	ssyncadd.s32 $0xFFFFE000  }
0x2cc: {  	_ =	swait.ge [sflag:s21], $0x2000  }
0x2cd: {  	[sflag:s21] =	ssyncset.done $0x0  }
0x2ce: {  	s5 =	simm.s32 $0xA700;
	[sflag:s21] =	ssyncadd.s32 $0xFFFFE000  }
0x2cf: {  	v2 =	vld [tilespmem:s5+$0xFFFFFE00]  }
0x2d0: {  	v3 =	vld [tilespmem:s5+$0xFFFFFE80];
	_ =	sdelay $0x1  }
0x2d1: {  	v4 =	vld [tilespmem:s5+$0xFFFFFF00];
	_ =	sdelay $0x1  }
0x2d2: {  	v5 =	vld [tilespmem:s5+$0xFFFFFF80]  }
0x2d3: {  	v2 =	vadd.f32 v3, v2  }
0x2d4: {  	v3 =	vld [tilespmem:s5+$0x0]  }
0x2d5: {  	v2 =	vadd.f32 v4, v2  }
0x2d6: {  	s25 =	simm.s32 $0x0;
	v4 =	vld [tilespmem:s5+$0x80]  }
0x2d7: {  	v6 =	vmov s25;
	v2 =	vadd.f32 v5, v2  }
0x2d8: {  	v5 =	vld [tilespmem:s5+$0x100]  }
0x2d9: {  	v2 =	vadd.f32 v3, v2  }
0x2da: {  	v3 =	vld [tilespmem:s5+$0x180]  }
0x2db: {  	v4 =	vadd.f32 v4, v2  }
0x2dc: {  	v2 =	vld.idx.msk [tilespmem:v6+s22+$0x0], $0xffff  }
0x2dd: {  	v4 =	vadd.f32 v5, v4;
	_ =	sdelay $0x1  }
0x2de: {  	v3 =	vadd.f32 v3, v4;
	_ =	sdelay $0x1  }
0x2df: {  	v3 =	vmul.f32 v3, v2  }
0x2e0: {  	s3 =	simm.s32 $0x15920  }
0x2e1: {  	[tilespmem:s3+$0xFFFFFFE0] =	vst v3  }
0x2e2: {  	v3 =	vld [tilespmem:s5+$0xFFFFFE10]  }
0x2e3: {  	v4 =	vld [tilespmem:s5+$0xFFFFFE90];
	_ =	sdelay $0x1  }
0x2e4: {  	v5 =	vld [tilespmem:s5+$0xFFFFFF10];
	_ =	sdelay $0x1  }
0x2e5: {  	v6 =	vld [tilespmem:s5+$0xFFFFFF90]  }
0x2e6: {  	v3 =	vadd.f32 v4, v3  }
0x2e7: {  	v4 =	vld [tilespmem:s5+$0x10]  }
0x2e8: {  	v3 =	vadd.f32 v5, v3  }
0x2e9: {  	v5 =	vld [tilespmem:s5+$0x90]  }
0x2ea: {  	v3 =	vadd.f32 v6, v3  }
0x2eb: {  	v6 =	vld [tilespmem:s5+$0x110]  }
0x2ec: {  	v3 =	vadd.f32 v4, v3  }
0x2ed: {  	v4 =	vld [tilespmem:s5+$0x190]  }
0x2ee: {  	v3 =	vadd.f32 v5, v3;
	_ =	sdelay $0x1  }
0x2ef: {  	v3 =	vadd.f32 v6, v3;
	_ =	sdelay $0x1  }
0x2f0: {  	v3 =	vadd.f32 v4, v3;
	_ =	sdelay $0x1  }
0x2f1: {  	v3 =	vmul.f32 v3, v2;
	_ =	sdelay $0x1  }
0x2f2: {  	[tilespmem:s3+$0xFFFFFFF0] =	vst v3  }
0x2f3: {  	v3 =	vld [tilespmem:s5+$0xFFFFFE20]  }
0x2f4: {  	v4 =	vld [tilespmem:s5+$0xFFFFFEA0];
	_ =	sdelay $0x1  }
0x2f5: {  	v5 =	vld [tilespmem:s5+$0xFFFFFF20];
	_ =	sdelay $0x1  }
0x2f6: {  	v6 =	vld [tilespmem:s5+$0xFFFFFFA0]  }
0x2f7: {  	v3 =	vadd.f32 v4, v3  }
0x2f8: {  	v4 =	vld [tilespmem:s5+$0x20]  }
0x2f9: {  	v3 =	vadd.f32 v5, v3  }
0x2fa: {  	v5 =	vld [tilespmem:s5+$0xA0]  }
0x2fb: {  	v3 =	vadd.f32 v6, v3  }
0x2fc: {  	v6 =	vld [tilespmem:s5+$0x120]  }
0x2fd: {  	v3 =	vadd.f32 v4, v3  }
0x2fe: {  	v4 =	vld [tilespmem:s5+$0x1A0]  }
0x2ff: {  	v3 =	vadd.f32 v5, v3;
	_ =	sdelay $0x1  }
0x300: {  	v3 =	vadd.f32 v6, v3;
	_ =	sdelay $0x1  }
0x301: {  	v3 =	vadd.f32 v4, v3;
	_ =	sdelay $0x1  }
0x302: {  	v3 =	vmul.f32 v3, v2;
	_ =	sdelay $0x1  }
0x303: {  	[tilespmem:s3+$0x0] =	vst v3  }
0x304: {  	v3 =	vld [tilespmem:s5+$0xFFFFFE30]  }
0x305: {  	v4 =	vld [tilespmem:s5+$0xFFFFFEB0];
	_ =	sdelay $0x1  }
0x306: {  	v5 =	vld [tilespmem:s5+$0xFFFFFF30];
	_ =	sdelay $0x1  }
0x307: {  	v6 =	vld [tilespmem:s5+$0xFFFFFFB0]  }
0x308: {  	v3 =	vadd.f32 v4, v3  }
0x309: {  	v4 =	vld [tilespmem:s5+$0x30]  }
0x30a: {  	v3 =	vadd.f32 v5, v3  }
0x30b: {  	v5 =	vld [tilespmem:s5+$0xB0]  }
0x30c: {  	v3 =	vadd.f32 v6, v3;
	_ =	sdelay $0x1  }
0x30d: {  	v6 =	vld [tilespmem:s5+$0x130];
	v3 =	vadd.f32 v4, v3;
	_ =	sdelay $0x1  }
0x30e: {  	v4 =	vadd.f32 v5, v3;
	v3 =	vld [tilespmem:s5+$0x1B0];
	_ =	sdelay $0x2  }
0x30f: {  	s7 =	simm.s32 $0x1;
	s4 =	simm.s32 $0x15920;
	v4 =	vadd.f32 v6, v4  }
.LBB2_18:
0x310: {  	_ = 	snop  }
0x311: {  	p1 =	sne.s32 s7, $0x27;
	s3 =	sadd.s32 $0x80, s3;
	s5 =	sadd.s32 $0x400, s5;
	v3 =	vadd.f32 v3, v4  }
0x312: {  	s12 =	smov.u32 s7;
	s7 =	sadd.s32 $0x1, s7  }
0x313: {  	v2 =	vmul.f32 v3, v2;
	_ =	sdelay $0x1  }
0x314: {  	[tilespmem:s4+$0x10] =	vst v2;
	s4 =	smov.u32 s3  }
0x315: {  	v2 =	vld [tilespmem:s5+$0xFFFFFE00]  }
0x316: {  	v3 =	vld [tilespmem:s5+$0xFFFFFE80];
	_ =	sdelay $0x1  }
0x317: {  	v4 =	vld [tilespmem:s5+$0xFFFFFF00];
	_ =	sdelay $0x1  }
0x318: {  	v5 =	vld [tilespmem:s5+$0xFFFFFF80]  }
0x319: {  	v2 =	vadd.f32 v3, v2  }
0x31a: {  	v3 =	vld [tilespmem:s5+$0x0]  }
0x31b: {  	v2 =	vadd.f32 v4, v2  }
0x31c: {  	v4 =	vmov s12;
	v6 =	vld [tilespmem:s5+$0x80]  }
0x31d: {  	v2 =	vadd.f32 v5, v2  }
0x31e: {  	v5 =	vld [tilespmem:s5+$0x100]  }
0x31f: {  	v3 =	vadd.f32 v3, v2  }
0x320: {  	v7 =	vld [tilespmem:s5+$0x180]  }
0x321: {  	v2 =	vld.idx.msk [tilespmem:v4+s22+$0x0], $0xffff;
	v3 =	vadd.f32 v6, v3;
	_ =	sdelay $0x1  }
0x322: {  	v3 =	vadd.f32 v5, v3;
	_ =	sdelay $0x1  }
0x323: {  	v3 =	vadd.f32 v7, v3;
	_ =	sdelay $0x1  }
0x324: {  	v3 =	vmul.f32 v3, v2;
	_ =	sdelay $0x1  }
0x325: {  	[tilespmem:s3+$0xFFFFFFE0] =	vst v3  }
0x326: {  	v3 =	vld [tilespmem:s5+$0xFFFFFE10]  }
0x327: {  	v4 =	vld [tilespmem:s5+$0xFFFFFE90];
	_ =	sdelay $0x1  }
0x328: {  	v5 =	vld [tilespmem:s5+$0xFFFFFF10];
	_ =	sdelay $0x1  }
0x329: {  	v6 =	vld [tilespmem:s5+$0xFFFFFF90]  }
0x32a: {  	v3 =	vadd.f32 v4, v3  }
0x32b: {  	v4 =	vld [tilespmem:s5+$0x10]  }
0x32c: {  	v3 =	vadd.f32 v5, v3  }
0x32d: {  	v5 =	vld [tilespmem:s5+$0x90]  }
0x32e: {  	v3 =	vadd.f32 v6, v3  }
0x32f: {  	v6 =	vld [tilespmem:s5+$0x110]  }
0x330: {  	v3 =	vadd.f32 v4, v3  }
0x331: {  	v4 =	vld [tilespmem:s5+$0x190]  }
0x332: {  	v3 =	vadd.f32 v5, v3;
	_ =	sdelay $0x1  }
0x333: {  	v3 =	vadd.f32 v6, v3;
	_ =	sdelay $0x1  }
0x334: {  	v3 =	vadd.f32 v4, v3;
	_ =	sdelay $0x1  }
0x335: {  	v3 =	vmul.f32 v3, v2;
	_ =	sdelay $0x1  }
0x336: {  	[tilespmem:s3+$0xFFFFFFF0] =	vst v3  }
0x337: {  	v3 =	vld [tilespmem:s5+$0xFFFFFE20]  }
0x338: {  	v4 =	vld [tilespmem:s5+$0xFFFFFEA0];
	_ =	sdelay $0x1  }
0x339: {  	v5 =	vld [tilespmem:s5+$0xFFFFFF20];
	_ =	sdelay $0x1  }
0x33a: {  	v6 =	vld [tilespmem:s5+$0xFFFFFFA0]  }
0x33b: {  	v3 =	vadd.f32 v4, v3  }
0x33c: {  	v4 =	vld [tilespmem:s5+$0x20]  }
0x33d: {  	v3 =	vadd.f32 v5, v3  }
0x33e: {  	v5 =	vld [tilespmem:s5+$0xA0]  }
0x33f: {  	v3 =	vadd.f32 v6, v3  }
0x340: {  	v6 =	vld [tilespmem:s5+$0x120]  }
0x341: {  	v3 =	vadd.f32 v4, v3  }
0x342: {  	v4 =	vld [tilespmem:s5+$0x1A0]  }
0x343: {  	v3 =	vadd.f32 v5, v3;
	_ =	sdelay $0x1  }
0x344: {  	v3 =	vadd.f32 v6, v3;
	_ =	sdelay $0x1  }
0x345: {  	v3 =	vadd.f32 v4, v3;
	_ =	sdelay $0x1  }
0x346: {  	v3 =	vmul.f32 v3, v2;
	_ =	sdelay $0x1  }
0x347: {  	[tilespmem:s3+$0x0] =	vst v3  }
0x348: {  	v3 =	vld [tilespmem:s5+$0xFFFFFE30]  }
0x349: {  	v4 =	vld [tilespmem:s5+$0xFFFFFEB0]  }
0x34a: {  	v5 =	vld [tilespmem:s5+$0xFFFFFF30]  }
0x34b: {  	v6 =	vld [tilespmem:s5+$0xFFFFFFB0]  }
0x34c: {  	v7 =	vld [tilespmem:s5+$0x30]  }
0x34d: {  	v8 =	vld [tilespmem:s5+$0xB0]  }
0x34e: {  	v4 =	vadd.f32 v4, v3;
	v9 =	vld [tilespmem:s5+$0x130]  }
0x34f: {  	v3 =	vld [tilespmem:s5+$0x1B0]  }
0x350: {  	v4 =	vadd.f32 v5, v4;
	_ =	sdelay $0x1  }
0x351: {  	v4 =	vadd.f32 v6, v4;
	_ =	sdelay $0x1  }
.Ltmp8:
0x352: {  	v4 =	vadd.f32 v7, v4;
	(pc) =	sbr.rel @p1 .LBB2_18-.Ltmp8, $3  }
0x353: {  	_ = 	snop  }
0x354: {  	v4 =	vadd.f32 v8, v4;
	_ =	sdelay $0x1  }
0x355: {  	v4 =	vadd.f32 v9, v4  }
0x356: {  	s5 =	rddreg [dreg:$0xd]  }
0x357: {  	s3 =	rddreg [dreg:$0xb];
	s5 =	sadd.s32 $0x1, s5  }
0x358: {  	p1 =	sne.s32 s5, s3  }
.Ltmp9:
0x359: {  	v3 =	vadd.f32 v3, v4;
	(pc) =	sbr.rel @p1 .LBB2_1-.Ltmp9, $3  }
0x35a: {  	_ = 	snop  }
0x35b: {  	v2 =	vmul.f32 v3, v2;
	_ =	sdelay $0x1  }
0x35c: {  	[tilespmem:s4+$0x10] =	vst v2  }
0x35d: {  	_ =	sfence.sel $0x180000  }
0x35e: {  	[bflag:$0x0] =	sbarrier.arrive $0xFFFF  }
0x35f: {  	_ =	strace $0x90000047  }
0x360: {  	s0 =	stileid.u32;
	[bflag:$0x2] =	sbarrier.arrive $0xFFFF  }
0x361: {  	p0 =	sne.s32 s0, $0x0;
	s0 =	rddreg [dreg:$0x3]  }
0x362: {  	s0 =	sadd.s32 @!p0 $0x100000, s0  }
0x363: {  	[sflag:s0] =	ssyncadd.tile.s32 @!p0 $0x1;
	_ =	shalt  }
.Lfunc_end2:
_tile_overlayer_lowered:
.L_overlay_start_2:
0x364: {  	(tag) =	ssettag $0x2  }
0x365: {  	s0 =	rddreg [dreg:$0x0];
	s2 =	stileid.u32  }
0x366: {  	s1 =	rddreg [dreg:$0x1];
	p0 =	sne.s32 s2, $0x0  }
0x367: {  	s3 =	rddreg [dreg:$0x2];
	[bflag:$0x3] =	sbarrier.arrive $0xFFFF;
	s2 =	simm.s32 @!p0 $0x1C0D  }
0x368: {  	[timem:s3], [sflag:s2] =	dma.local @!p0 [hbm:s0], s1  }
0x369: {  	s0 =	simm.s32 @!p0 $0xD  }
0x36a: {  	_ =	swait.ge @!p0 [sflag:s0], s1  }
0x36b: {  	s1 =	ssub.s32 @!p0 $0x0, s1;
	[sflag:s0] =	ssyncset.done @!p0 $0x0  }
0x36c: {  	[sflag:s0] =	ssyncadd.s32 @!p0 s1  }
0x36d: {  	[bflag:$0x3] =	sbarrier.arrive $0xFFFF  }
0x36e: {  	_ =	shalt  }

</sc_bundles>
